<compile_context>
chip_gen: v7x
topology: tpu7x:2x2x1
jax: 0.10.2.dev20260603
libtpu: 0.0.44.dev20260713+nightly
codegen_flags: <defaults>
</compile_context>

<pallas_src>
import functools

import jax
import jax.numpy as jnp
from jax import lax
from jax.experimental import pallas as pl
from jax.experimental.pallas import tpu as pltpu
from jax.experimental.pallas import tpu_sc as plsc

N = 10000
D = 128
G = 64

NC = 2
NS = 16
NW = NC * NS
K = 128
K2 = 64
NPAD = 10240
RPT = NPAD // NS
RC = RPT // K
RC2 = RPT // K2


@functools.cache
def _mesh():
    return plsc.VectorSubcoreMesh(core_axis_name="c", subcore_axis_name="s",
                                  num_cores=NC, num_subcores=NS)


def _zero_vmem(buf, rows, width):
    def body(i, _):
        for j in range(width // 16):
            buf[i, pl.ds(j * 16, 16)] = jnp.zeros((16,), jnp.float32)
        return 0
    lax.fori_loop(0, rows, body, 0)


def _sc_deg_body(dst_hbm, out_hbm, dsts, ones_v, acc_sh, semi, semd):
    c = lax.axis_index("c")
    s = lax.axis_index("s")
    wid = c * NS + s
    nch = dst_hbm.shape[1]
    cpi = pltpu.async_copy(dst_hbm.at[wid], dsts, semi)
    _zero_vmem(ones_v, K, D)
    for t in range(RC):
        pltpu.sync_copy(ones_v, acc_sh.at[pl.ds(s * RPT + t * K, K)])
    cpi.wait()
    plsc.subcore_barrier()
    def fill(i, _):
        for j in range(D // 16):
            ones_v[i, pl.ds(j * 16, 16)] = jnp.ones((16,), jnp.float32)
        return 0
    lax.fori_loop(0, K, fill, 0)
    for i in range(4):
        pltpu.async_copy(ones_v, acc_sh.at[dsts.at[i]], semd, add=True)
    def body(i, _):
        pltpu.make_async_copy(ones_v, acc_sh.at[dsts.at[0]], semd).wait()
        pltpu.async_copy(ones_v, acc_sh.at[dsts.at[i + 4]], semd, add=True)
        return 0
    lax.fori_loop(0, nch - 4, body, 0)
    for i in range(4):
        pltpu.make_async_copy(ones_v, acc_sh.at[dsts.at[0]], semd).wait()
    plsc.subcore_barrier()
    for t in range(RC):
        r = s * RPT + t * K
        pltpu.sync_copy(acc_sh.at[pl.ds(r, K)], ones_v)
        pltpu.sync_copy(ones_v, out_hbm.at[c, pl.ds(r, K)])


@functools.cache
def _sc_deg_kernel(nch):
    return pl.kernel(
        _sc_deg_body, mesh=_mesh(),
        out_type=jax.ShapeDtypeStruct((NC, NPAD, D), jnp.float32),
        scratch_types=[
            pltpu.VMEM((nch, K), jnp.int32),
            pltpu.VMEM((K, D), jnp.float32),
            pltpu.VMEM_SHARED((NPAD, D), jnp.float32),
            pltpu.SemaphoreType.DMA,
            pltpu.SemaphoreType.DMA,
        ],
    )


def _sc_deg(dst3):
    return _sc_deg_kernel(dst3.shape[1])(dst3)


@functools.cache
def _sc_agg_kernel(nch):
    def body_fn(ts_hbm, src_hbm, dst_hbm, out_hbm, src_v, dst_v, rows_v,
                acc_sh, sem):
        c = lax.axis_index("c")
        s = lax.axis_index("s")
        wid = c * NS + s
        _zero_vmem(rows_v, K, D)
        for t in range(RC):
            pltpu.sync_copy(rows_v, acc_sh.at[pl.ds(s * RPT + t * K, K)])
        plsc.subcore_barrier()

        def body(i, _):
            pltpu.sync_copy(src_hbm.at[wid, i], src_v)
            pltpu.sync_copy(dst_hbm.at[wid, i], dst_v)
            pltpu.async_copy(ts_hbm.at[src_v], rows_v, sem).wait()
            pltpu.sync_copy(rows_v, acc_sh.at[dst_v], add=True)
            return 0

        lax.fori_loop(0, nch, body, 0)
        plsc.subcore_barrier()
        for t in range(RC):
            r = s * RPT + t * K
            pltpu.sync_copy(acc_sh.at[pl.ds(r, K)], rows_v)
            pltpu.sync_copy(rows_v, out_hbm.at[c, pl.ds(r, K)])

    return pl.kernel(
        body_fn, mesh=_mesh(),
        out_type=jax.ShapeDtypeStruct((NC, NPAD, D), jnp.float32),
        scratch_types=[
            pltpu.VMEM((K,), jnp.int32),
            pltpu.VMEM((K,), jnp.int32),
            pltpu.VMEM((K, D), jnp.float32),
            pltpu.VMEM_SHARED((NPAD, D), jnp.float32),
            pltpu.SemaphoreType.DMA,
        ],
    )


def _sc_agg(ts, src3, dst3):
    return _sc_agg_kernel(src3.shape[1])(ts, src3, dst3)


def _dinv_block(deg_ref):
    d = deg_ref[0][:, 0:1] + deg_ref[1][:, 0:1]
    return lax.rsqrt(d + 1.0)


RB = 1000


def _tc_first_body(x_ref, w_ref, deg_ref, out_ref):
    dinv = _dinv_block(deg_ref)
    out_ref[...] = jnp.dot(x_ref[...], w_ref[...],
                           preferred_element_type=jnp.float32) * dinv


def _tc_mid_body(p_ref, ts_ref, deg_ref, b_ref, w_ref, out_ref):
    dinv = _dinv_block(deg_ref)
    h = jnp.maximum((p_ref[0] + p_ref[1] + ts_ref[...]) * dinv + b_ref[...],
                    0.0)
    out_ref[...] = jnp.dot(h, w_ref[...],
                           preferred_element_type=jnp.float32) * dinv


def _tc_final_body(p_ref, ts_ref, deg_ref, b_ref, batch_ref, lw_ref, lb_ref,
                   hg_ref, lp_ref, sums, cnts):
    i = pl.program_id(0)

    @pl.when(i == 0)
    def _():
        sums[...] = jnp.zeros_like(sums)
        cnts[...] = jnp.zeros_like(cnts)

    dinv = _dinv_block(deg_ref)
    h = jnp.maximum((p_ref[0] + p_ref[1] + ts_ref[...]) * dinv + b_ref[...],
                    0.0)
    ids = lax.broadcasted_iota(jnp.int32, (G, RB), 0)
    mask = (ids == jnp.broadcast_to(batch_ref[0], (G, RB))).astype(
        jnp.float32)
    sums[...] += jnp.dot(mask, h, preferred_element_type=jnp.float32)
    cnts[...] += jnp.broadcast_to(jnp.sum(mask, axis=1, keepdims=True),
                                  (G, D))

    @pl.when(i == pl.num_programs(0) - 1)
    def _():
        hg = sums[...] / jnp.maximum(cnts[...], 1.0)
        hg_ref[...] = hg
        logits = jnp.dot(hg, lw_ref[...],
                         preferred_element_type=jnp.float32) + lb_ref[...]
        m = jnp.max(logits, axis=1, keepdims=True)
        lse = jnp.log(jnp.sum(jnp.exp(logits - m), axis=1, keepdims=True)) + m
        lp_ref[...] = logits - lse


_GRID = N // RB

_deg_spec = pl.BlockSpec((NC, RB, D), lambda i: (0, i, 0))
_p_spec = pl.BlockSpec((NC, RB, D), lambda i: (0, i, 0))
_row_spec = pl.BlockSpec((RB, D), lambda i: (i, 0))
_w_spec = pl.BlockSpec((D, D), lambda i: (0, 0))
_b_spec = pl.BlockSpec((1, D), lambda i: (0, 0))


def _tc_first(x, w0, deg):
    return pl.pallas_call(
        _tc_first_body,
        grid=(_GRID,),
        in_specs=[_row_spec, _w_spec, _deg_spec],
        out_specs=_row_spec,
        out_shape=jax.ShapeDtypeStruct((N, D), jnp.float32),
    )(x, w0, deg)


def _tc_mid(parts, ts, deg, b, w):
    return pl.pallas_call(
        _tc_mid_body,
        grid=(_GRID,),
        in_specs=[_p_spec, _row_spec, _deg_spec, _b_spec, _w_spec],
        out_specs=_row_spec,
        out_shape=jax.ShapeDtypeStruct((N, D), jnp.float32),
    )(parts, ts, deg, b, w)


def _tc_final(parts, ts, deg, b, batch3d, lw, lb):
    return pl.pallas_call(
        _tc_final_body,
        grid=(_GRID,),
        in_specs=[
            _p_spec, _row_spec, _deg_spec, _b_spec,
            pl.BlockSpec((1, 1, RB), lambda i: (i, 0, 0)),
            pl.BlockSpec((D, 16), lambda i: (0, 0)),
            pl.BlockSpec((1, 16), lambda i: (0, 0)),
        ],
        out_specs=[
            pl.BlockSpec((G, D), lambda i: (0, 0)),
            pl.BlockSpec((G, 16), lambda i: (0, 0)),
        ],
        out_shape=[
            jax.ShapeDtypeStruct((G, D), jnp.float32),
            jax.ShapeDtypeStruct((G, 16), jnp.float32),
        ],
        scratch_shapes=[
            pltpu.VMEM((G, D), jnp.float32),
            pltpu.VMEM((G, D), jnp.float32),
        ],
    )(parts, ts, deg, b, batch3d, lw, lb)


def kernel(x, edge_index, batch, num_layers, W0, b0, W1, b1, W2, b2,
           lin_W, lin_b):
    src = edge_index[0].astype(jnp.int32)
    dst = edge_index[1].astype(jnp.int32)
    e = src.shape[0]
    nch = (e + NW * K - 1) // (NW * K)
    epad = NW * K * nch
    src_p = jnp.concatenate([src, jnp.zeros((epad - e,), jnp.int32)])
    dst_p = jnp.concatenate([dst, jnp.full((epad - e,), N, jnp.int32)])
    src3 = src_p.reshape(NW, nch, K)
    dst3 = dst_p.reshape(NW, nch, K)

    deg = _sc_deg(dst3)
    ts = _tc_first(x, W0, deg)
    for b_prev, w_next in ((b0.reshape(1, D), W1), (b1.reshape(1, D), W2)):
        parts = _sc_agg(ts, src3, dst3)
        ts = _tc_mid(parts, ts, deg, b_prev, w_next)
    parts = _sc_agg(ts, src3, dst3)
    hg, lp = _tc_final(parts, ts, deg, b2.reshape(1, D),
                       batch.astype(jnp.int32).reshape(_GRID, 1, RB),
                       lin_W, lin_b.reshape(1, 16))
    return (hg, lp)

# --- scband reference (transcript-rebuilt; emitter-appended) ---
"""Pipeline reference for scband-gnn-mean-21002390077835 (READ-ONLY COPY).

The authoritative reference and input builder live on the scoring server;
editing this copy changes nothing except your own understanding.
"""

import jax, jax.numpy as jnp
import numpy as np

N = 10000
E = 320000
D = 128
H = 128
C = 16
G = 64


def setup_inputs(seed: int = 0):
    key = jax.random.key(seed)
    ks = jax.random.split(key, 8)
    x = jax.random.normal(ks[0], (N, D), dtype=jnp.float32)
    edge_index = jax.random.randint(ks[1], (2, E), 0, N)
    batch = jnp.sort(jax.random.randint(ks[2], (N,), 0, G))
    W0 = jax.random.normal(ks[3], (D, H), dtype=jnp.float32) * 0.05
    b0 = jnp.zeros((H,), dtype=jnp.float32)
    W1 = jax.random.normal(ks[4], (H, H), dtype=jnp.float32) * 0.05
    b1 = jnp.zeros((H,), dtype=jnp.float32)
    W2 = jax.random.normal(ks[5], (H, H), dtype=jnp.float32) * 0.05
    b2 = jnp.zeros((H,), dtype=jnp.float32)
    lin_W = jax.random.normal(ks[6], (H, C), dtype=jnp.float32) * 0.05
    lin_b = jnp.zeros((C,), dtype=jnp.float32)
    return {"x": x, "edge_index": edge_index, "batch": batch, "num_layers": 3,
            "W0": W0, "b0": b0, "W1": W1, "b1": b1, "W2": W2, "b2": b2,
            "lin_W": lin_W, "lin_b": lin_b}


def _gcn_conv(h, W, b, src, dst, n):
    # GCNConv: linear transform, add self-loops (already in src/dst),
    # symmetric normalization deg^-1/2 * A * deg^-1/2, scatter-add aggregation
    h = h @ W
    deg = jnp.zeros((n,), h.dtype).at[dst].add(1.0)
    dinv = jnp.where(deg > 0, 1.0 / jnp.sqrt(deg), 0.0)
    norm = dinv[src] * dinv[dst]
    out = jnp.zeros_like(h).at[dst].add(h[src] * norm[:, None])
    return out + b


def reference(x, edge_index, batch, num_layers, W0, b0, W1, b1, W2, b2, lin_W, lin_b):
    loop = jnp.arange(N)
    src = jnp.concatenate([edge_index[0], loop])
    dst = jnp.concatenate([edge_index[1], loop])
    params = [(W0, b0), (W1, b1), (W2, b2)]
    h = x
    for i in range(len(params)):
        W, b = params[i]
        new_h = jax.nn.relu(_gcn_conv(h, W, b, src, dst, N))
        h = jnp.where(i < num_layers, new_h, h)
    sums = jax.ops.segment_sum(h, batch, num_segments=G)
    cnts = jax.ops.segment_sum(jnp.ones((N,), h.dtype), batch, num_segments=G)
    hG = sums / jnp.maximum(cnts, 1.0)[:, None]
    # dropout p=0.5 is identity at inference (training=False)
    logits = hG @ lin_W + lin_b
    return (hG, jax.nn.log_softmax(logits, axis=1))

if __name__ == "__main__":
    import jax
    _d = setup_inputs()
    print(jax.jit(kernel)(*tuple(_d.values())))

</pallas_src>

<mosaic_0001>
#map = affine_map<(d0, d1) -> (0, 0)>
#map1 = affine_map<(d0, d1) -> (0, 0, 0)>
module attributes {stable_mosaic.version = 14 : i64} {
  func.func @body_fn(%arg0: i32, %arg1: i32, %arg2: memref<10000x128xf32, #tpu.memory_space<hbm>>, %arg3: memref<32x79x128xi32, #tpu.memory_space<hbm>>, %arg4: memref<32x79x128xi32, #tpu.memory_space<hbm>>, %arg5: memref<2x10240x128xf32, #tpu.memory_space<hbm>>, %arg6: memref<128xi32, #tpu.memory_space<vmem>>, %arg7: memref<128xi32, #tpu.memory_space<vmem>>, %arg8: memref<128x128xf32, #tpu.memory_space<vmem>>, %arg9: memref<10240x128xf32, #tpu.memory_space<vmem_shared>>, %arg10: memref<!tpu.dma_semaphore, #tpu.memory_space<semaphore_mem>>) attributes {dimension_semantics = [#tpu.dimension_semantics<core_parallel>, #tpu.dimension_semantics<subcore_parallel>], iteration_bounds = array<i64: 2, 16>, scalar_prefetch = 0 : i64, scratch_operands = 5 : i64, tpu.core_type = #tpu.core_type<sc_vector_subcore>, window_params = [{transform_indices = #map}, {transform_indices = #map1}, {transform_indices = #map1}, {transform_indices = #map1}]} {
    %mul3A = arith.constant 16 : i32
    %mul3A_0 = arith.muli %arg0, %mul3A : i32
    %add3A = arith.addi %mul3A_0, %arg1 : i32
    %scan3A = arith.constant 0 : i32
    %scan3A_1 = arith.constant 0 : i32
    %scan3A_2 = arith.constant 128 : i32
    %scan3A_3 = arith.addi %scan3A_1, %scan3A_2 : i32
    %scan3A_4 = arith.constant 1 : i32
    %scan3A_5 = scf.for %scan3A_55 = %scan3A_1 to %scan3A_3 step %scan3A_4 iter_args(%scan3A_56 = %scan3A) -> (i32)  : i32 {
      %broadcast_in_dim3A = arith.constant 0.000000e+00 : f32
      %broadcast_in_dim3A_57 = vector.broadcast %broadcast_in_dim3A : f32 to vector<16xf32>
      %swap3A = arith.index_cast %scan3A_55 : i32 to index
      %swap3A_58 = arith.constant 0 : index
      %swap3A_59 = tpu.vector_load %arg8[%swap3A, %swap3A_58] {strides = array<i32>} : memref<128x128xf32, #tpu.memory_space<vmem>>, vector<1x16xf32>,
      %swap3A_60 = vector.shape_cast %swap3A_59 : vector<1x16xf32> to vector<16xf32>
      %swap3A_61 = vector.shape_cast %broadcast_in_dim3A_57 : vector<16xf32> to vector<1x16xf32>
      tpu.vector_store %arg8[%swap3A, %swap3A_58], %swap3A_61 {strides = array<i32>} : memref<128x128xf32, #tpu.memory_space<vmem>>, vector<1x16xf32>,
      %broadcast_in_dim3A_62 = arith.constant 0.000000e+00 : f32
      %broadcast_in_dim3A_63 = vector.broadcast %broadcast_in_dim3A_62 : f32 to vector<16xf32>
      %swap3A_64 = arith.index_cast %scan3A_55 : i32 to index
      %swap3A_65 = arith.constant 16 : index
      %swap3A_66 = tpu.vector_load %arg8[%swap3A_64, %swap3A_65] {strides = array<i32>} : memref<128x128xf32, #tpu.memory_space<vmem>>, vector<1x16xf32>,
      %swap3A_67 = vector.shape_cast %swap3A_66 : vector<1x16xf32> to vector<16xf32>
      %swap3A_68 = vector.shape_cast %broadcast_in_dim3A_63 : vector<16xf32> to vector<1x16xf32>
      tpu.vector_store %arg8[%swap3A_64, %swap3A_65], %swap3A_68 {strides = array<i32>} : memref<128x128xf32, #tpu.memory_space<vmem>>, vector<1x16xf32>,
      %broadcast_in_dim3A_69 = arith.constant 0.000000e+00 : f32
      %broadcast_in_dim3A_70 = vector.broadcast %broadcast_in_dim3A_69 : f32 to vector<16xf32>
      %swap3A_71 = arith.index_cast %scan3A_55 : i32 to index
      %swap3A_72 = arith.constant 32 : index
      %swap3A_73 = tpu.vector_load %arg8[%swap3A_71, %swap3A_72] {strides = array<i32>} : memref<128x128xf32, #tpu.memory_space<vmem>>, vector<1x16xf32>,
      %swap3A_74 = vector.shape_cast %swap3A_73 : vector<1x16xf32> to vector<16xf32>
      %swap3A_75 = vector.shape_cast %broadcast_in_dim3A_70 : vector<16xf32> to vector<1x16xf32>
      tpu.vector_store %arg8[%swap3A_71, %swap3A_72], %swap3A_75 {strides = array<i32>} : memref<128x128xf32, #tpu.memory_space<vmem>>, vector<1x16xf32>,
      %broadcast_in_dim3A_76 = arith.constant 0.000000e+00 : f32
      %broadcast_in_dim3A_77 = vector.broadcast %broadcast_in_dim3A_76 : f32 to vector<16xf32>
      %swap3A_78 = arith.index_cast %scan3A_55 : i32 to index
      %swap3A_79 = arith.constant 48 : index
      %swap3A_80 = tpu.vector_load %arg8[%swap3A_78, %swap3A_79] {strides = array<i32>} : memref<128x128xf32, #tpu.memory_space<vmem>>, vector<1x16xf32>,
      %swap3A_81 = vector.shape_cast %swap3A_80 : vector<1x16xf32> to vector<16xf32>
      %swap3A_82 = vector.shape_cast %broadcast_in_dim3A_77 : vector<16xf32> to vector<1x16xf32>
      tpu.vector_store %arg8[%swap3A_78, %swap3A_79], %swap3A_82 {strides = array<i32>} : memref<128x128xf32, #tpu.memory_space<vmem>>, vector<1x16xf32>,
      %broadcast_in_dim3A_83 = arith.constant 0.000000e+00 : f32
      %broadcast_in_dim3A_84 = vector.broadcast %broadcast_in_dim3A_83 : f32 to vector<16xf32>
      %swap3A_85 = arith.index_cast %scan3A_55 : i32 to index
      %swap3A_86 = arith.constant 64 : index
      %swap3A_87 = tpu.vector_load %arg8[%swap3A_85, %swap3A_86] {strides = array<i32>} : memref<128x128xf32, #tpu.memory_space<vmem>>, vector<1x16xf32>,
      %swap3A_88 = vector.shape_cast %swap3A_87 : vector<1x16xf32> to vector<16xf32>
      %swap3A_89 = vector.shape_cast %broadcast_in_dim3A_84 : vector<16xf32> to vector<1x16xf32>
      tpu.vector_store %arg8[%swap3A_85, %swap3A_86], %swap3A_89 {strides = array<i32>} : memref<128x128xf32, #tpu.memory_space<vmem>>, vector<1x16xf32>,
      %broadcast_in_dim3A_90 = arith.constant 0.000000e+00 : f32
      %broadcast_in_dim3A_91 = vector.broadcast %broadcast_in_dim3A_90 : f32 to vector<16xf32>
      %swap3A_92 = arith.index_cast %scan3A_55 : i32 to index
      %swap3A_93 = arith.constant 80 : index
      %swap3A_94 = tpu.vector_load %arg8[%swap3A_92, %swap3A_93] {strides = array<i32>} : memref<128x128xf32, #tpu.memory_space<vmem>>, vector<1x16xf32>,
      %swap3A_95 = vector.shape_cast %swap3A_94 : vector<1x16xf32> to vector<16xf32>
      %swap3A_96 = vector.shape_cast %broadcast_in_dim3A_91 : vector<16xf32> to vector<1x16xf32>
      tpu.vector_store %arg8[%swap3A_92, %swap3A_93], %swap3A_96 {strides = array<i32>} : memref<128x128xf32, #tpu.memory_space<vmem>>, vector<1x16xf32>,
      %broadcast_in_dim3A_97 = arith.constant 0.000000e+00 : f32
      %broadcast_in_dim3A_98 = vector.broadcast %broadcast_in_dim3A_97 : f32 to vector<16xf32>
      %swap3A_99 = arith.index_cast %scan3A_55 : i32 to index
      %swap3A_100 = arith.constant 96 : index
      %swap3A_101 = tpu.vector_load %arg8[%swap3A_99, %swap3A_100] {strides = array<i32>} : memref<128x128xf32, #tpu.memory_space<vmem>>, vector<1x16xf32>,
      %swap3A_102 = vector.shape_cast %swap3A_101 : vector<1x16xf32> to vector<16xf32>
      %swap3A_103 = vector.shape_cast %broadcast_in_dim3A_98 : vector<16xf32> to vector<1x16xf32>
      tpu.vector_store %arg8[%swap3A_99, %swap3A_100], %swap3A_103 {strides = array<i32>} : memref<128x128xf32, #tpu.memory_space<vmem>>, vector<1x16xf32>,
      %broadcast_in_dim3A_104 = arith.constant 0.000000e+00 : f32
      %broadcast_in_dim3A_105 = vector.broadcast %broadcast_in_dim3A_104 : f32 to vector<16xf32>
      %swap3A_106 = arith.index_cast %scan3A_55 : i32 to index
      %swap3A_107 = arith.constant 112 : index
      %swap3A_108 = tpu.vector_load %arg8[%swap3A_106, %swap3A_107] {strides = array<i32>} : memref<128x128xf32, #tpu.memory_space<vmem>>, vector<1x16xf32>,
      %swap3A_109 = vector.shape_cast %swap3A_108 : vector<1x16xf32> to vector<16xf32>
      %swap3A_110 = vector.shape_cast %broadcast_in_dim3A_105 : vector<16xf32> to vector<1x16xf32>
      tpu.vector_store %arg8[%swap3A_106, %swap3A_107], %swap3A_110 {strides = array<i32>} : memref<128x128xf32, #tpu.memory_space<vmem>>, vector<1x16xf32>,
      %scan3A_111 = arith.constant 0 : i32
      scf.yield %scan3A_111 : i32
    }
    %scan3A_6 = arith.constant 128 : i32
    %mul3A_7 = arith.constant 640 : i32
    %mul3A_8 = arith.muli %arg1, %mul3A_7 : i32
    %add3A_9 = arith.constant 0 : i32
    %add3A_10 = arith.addi %mul3A_8, %add3A_9 : i32
    "tpu.region"() ({
      %run_scoped3A = tpu.sem_alloc : memref<!tpu.dma_semaphore, #tpu.memory_space<semaphore_mem>>
      %dma_start3A = arith.constant 0 : i32
      %dma_start3A_55 = tpu.memref_slice %arg9[%add3A_10, %dma_start3A] : memref<10240x128xf32, #tpu.memory_space<vmem_shared>> -> memref<128x128xf32, #tpu.memory_space<vmem_shared>>
      %dma_start3A_56 = arith.constant 0 : i32
      %dma_start3A_57 = tpu.memref_slice %arg9[%add3A_10, %dma_start3A_56] : memref<10240x128xf32, #tpu.memory_space<vmem_shared>> -> memref<128x128xf32, #tpu.memory_space<vmem_shared>>
      tpu.enqueue_dma source(%arg8 : memref<128x128xf32, #tpu.memory_space<vmem>>) target(%dma_start3A_57 : memref<128x128xf32, #tpu.memory_space<vmem_shared>>) target_semaphore(%run_scoped3A : memref<!tpu.dma_semaphore, #tpu.memory_space<semaphore_mem>>)
      %dma_wait3A = arith.constant 0 : i32
      %dma_wait3A_58 = tpu.memref_slice %arg9[%add3A_10, %dma_wait3A] : memref<10240x128xf32, #tpu.memory_space<vmem_shared>> -> memref<128x128xf32, #tpu.memory_space<vmem_shared>>
      %dma_wait3A_59 = arith.constant 0 : i32
      %dma_wait3A_60 = tpu.memref_slice %arg9[%add3A_10, %dma_wait3A_59] : memref<10240x128xf32, #tpu.memory_space<vmem_shared>> -> memref<128x128xf32, #tpu.memory_space<vmem_shared>>
      tpu.wait_dma2 semaphore(%run_scoped3A : memref<!tpu.dma_semaphore, #tpu.memory_space<semaphore_mem>>) src(%arg8 : memref<128x128xf32, #tpu.memory_space<vmem>>) dst(%dma_wait3A_60 : memref<128x128xf32, #tpu.memory_space<vmem_shared>>)
      tpu.yield
    }) : () -> ()
    %mul3A_11 = arith.constant 640 : i32
    %mul3A_12 = arith.muli %arg1, %mul3A_11 : i32
    %add3A_13 = arith.constant 128 : i32
    %add3A_14 = arith.addi %mul3A_12, %add3A_13 : i32
    "tpu.region"() ({
      %run_scoped3A = tpu.sem_alloc : memref<!tpu.dma_semaphore, #tpu.memory_space<semaphore_mem>>
      %dma_start3A = arith.constant 0 : i32
      %dma_start3A_55 = tpu.memref_slice %arg9[%add3A_14, %dma_start3A] : memref<10240x128xf32, #tpu.memory_space<vmem_shared>> -> memref<128x128xf32, #tpu.memory_space<vmem_shared>>
      %dma_start3A_56 = arith.constant 0 : i32
      %dma_start3A_57 = tpu.memref_slice %arg9[%add3A_14, %dma_start3A_56] : memref<10240x128xf32, #tpu.memory_space<vmem_shared>> -> memref<128x128xf32, #tpu.memory_space<vmem_shared>>
      tpu.enqueue_dma source(%arg8 : memref<128x128xf32, #tpu.memory_space<vmem>>) target(%dma_start3A_57 : memref<128x128xf32, #tpu.memory_space<vmem_shared>>) target_semaphore(%run_scoped3A : memref<!tpu.dma_semaphore, #tpu.memory_space<semaphore_mem>>)
      %dma_wait3A = arith.constant 0 : i32
      %dma_wait3A_58 = tpu.memref_slice %arg9[%add3A_14, %dma_wait3A] : memref<10240x128xf32, #tpu.memory_space<vmem_shared>> -> memref<128x128xf32, #tpu.memory_space<vmem_shared>>
      %dma_wait3A_59 = arith.constant 0 : i32
      %dma_wait3A_60 = tpu.memref_slice %arg9[%add3A_14, %dma_wait3A_59] : memref<10240x128xf32, #tpu.memory_space<vmem_shared>> -> memref<128x128xf32, #tpu.memory_space<vmem_shared>>
      tpu.wait_dma2 semaphore(%run_scoped3A : memref<!tpu.dma_semaphore, #tpu.memory_space<semaphore_mem>>) src(%arg8 : memref<128x128xf32, #tpu.memory_space<vmem>>) dst(%dma_wait3A_60 : memref<128x128xf32, #tpu.memory_space<vmem_shared>>)
      tpu.yield
    }) : () -> ()
    %mul3A_15 = arith.constant 640 : i32
    %mul3A_16 = arith.muli %arg1, %mul3A_15 : i32
    %add3A_17 = arith.constant 256 : i32
    %add3A_18 = arith.addi %mul3A_16, %add3A_17 : i32
    "tpu.region"() ({
      %run_scoped3A = tpu.sem_alloc : memref<!tpu.dma_semaphore, #tpu.memory_space<semaphore_mem>>
      %dma_start3A = arith.constant 0 : i32
      %dma_start3A_55 = tpu.memref_slice %arg9[%add3A_18, %dma_start3A] : memref<10240x128xf32, #tpu.memory_space<vmem_shared>> -> memref<128x128xf32, #tpu.memory_space<vmem_shared>>
      %dma_start3A_56 = arith.constant 0 : i32
      %dma_start3A_57 = tpu.memref_slice %arg9[%add3A_18, %dma_start3A_56] : memref<10240x128xf32, #tpu.memory_space<vmem_shared>> -> memref<128x128xf32, #tpu.memory_space<vmem_shared>>
      tpu.enqueue_dma source(%arg8 : memref<128x128xf32, #tpu.memory_space<vmem>>) target(%dma_start3A_57 : memref<128x128xf32, #tpu.memory_space<vmem_shared>>) target_semaphore(%run_scoped3A : memref<!tpu.dma_semaphore, #tpu.memory_space<semaphore_mem>>)
      %dma_wait3A = arith.constant 0 : i32
      %dma_wait3A_58 = tpu.memref_slice %arg9[%add3A_18, %dma_wait3A] : memref<10240x128xf32, #tpu.memory_space<vmem_shared>> -> memref<128x128xf32, #tpu.memory_space<vmem_shared>>
      %dma_wait3A_59 = arith.constant 0 : i32
      %dma_wait3A_60 = tpu.memref_slice %arg9[%add3A_18, %dma_wait3A_59] : memref<10240x128xf32, #tpu.memory_space<vmem_shared>> -> memref<128x128xf32, #tpu.memory_space<vmem_shared>>
      tpu.wait_dma2 semaphore(%run_scoped3A : memref<!tpu.dma_semaphore, #tpu.memory_space<semaphore_mem>>) src(%arg8 : memref<128x128xf32, #tpu.memory_space<vmem>>) dst(%dma_wait3A_60 : memref<128x128xf32, #tpu.memory_space<vmem_shared>>)
      tpu.yield
    }) : () -> ()
    %mul3A_19 = arith.constant 640 : i32
    %mul3A_20 = arith.muli %arg1, %mul3A_19 : i32
    %add3A_21 = arith.constant 384 : i32
    %add3A_22 = arith.addi %mul3A_20, %add3A_21 : i32
    "tpu.region"() ({
      %run_scoped3A = tpu.sem_alloc : memref<!tpu.dma_semaphore, #tpu.memory_space<semaphore_mem>>
      %dma_start3A = arith.constant 0 : i32
      %dma_start3A_55 = tpu.memref_slice %arg9[%add3A_22, %dma_start3A] : memref<10240x128xf32, #tpu.memory_space<vmem_shared>> -> memref<128x128xf32, #tpu.memory_space<vmem_shared>>
      %dma_start3A_56 = arith.constant 0 : i32
      %dma_start3A_57 = tpu.memref_slice %arg9[%add3A_22, %dma_start3A_56] : memref<10240x128xf32, #tpu.memory_space<vmem_shared>> -> memref<128x128xf32, #tpu.memory_space<vmem_shared>>
      tpu.enqueue_dma source(%arg8 : memref<128x128xf32, #tpu.memory_space<vmem>>) target(%dma_start3A_57 : memref<128x128xf32, #tpu.memory_space<vmem_shared>>) target_semaphore(%run_scoped3A : memref<!tpu.dma_semaphore, #tpu.memory_space<semaphore_mem>>)
      %dma_wait3A = arith.constant 0 : i32
      %dma_wait3A_58 = tpu.memref_slice %arg9[%add3A_22, %dma_wait3A] : memref<10240x128xf32, #tpu.memory_space<vmem_shared>> -> memref<128x128xf32, #tpu.memory_space<vmem_shared>>
      %dma_wait3A_59 = arith.constant 0 : i32
      %dma_wait3A_60 = tpu.memref_slice %arg9[%add3A_22, %dma_wait3A_59] : memref<10240x128xf32, #tpu.memory_space<vmem_shared>> -> memref<128x128xf32, #tpu.memory_space<vmem_shared>>
      tpu.wait_dma2 semaphore(%run_scoped3A : memref<!tpu.dma_semaphore, #tpu.memory_space<semaphore_mem>>) src(%arg8 : memref<128x128xf32, #tpu.memory_space<vmem>>) dst(%dma_wait3A_60 : memref<128x128xf32, #tpu.memory_space<vmem_shared>>)
      tpu.yield
    }) : () -> ()
    %mul3A_23 = arith.constant 640 : i32
    %mul3A_24 = arith.muli %arg1, %mul3A_23 : i32
    %add3A_25 = arith.constant 512 : i32
    %add3A_26 = arith.addi %mul3A_24, %add3A_25 : i32
    "tpu.region"() ({
      %run_scoped3A = tpu.sem_alloc : memref<!tpu.dma_semaphore, #tpu.memory_space<semaphore_mem>>
      %dma_start3A = arith.constant 0 : i32
      %dma_start3A_55 = tpu.memref_slice %arg9[%add3A_26, %dma_start3A] : memref<10240x128xf32, #tpu.memory_space<vmem_shared>> -> memref<128x128xf32, #tpu.memory_space<vmem_shared>>
      %dma_start3A_56 = arith.constant 0 : i32
      %dma_start3A_57 = tpu.memref_slice %arg9[%add3A_26, %dma_start3A_56] : memref<10240x128xf32, #tpu.memory_space<vmem_shared>> -> memref<128x128xf32, #tpu.memory_space<vmem_shared>>
      tpu.enqueue_dma source(%arg8 : memref<128x128xf32, #tpu.memory_space<vmem>>) target(%dma_start3A_57 : memref<128x128xf32, #tpu.memory_space<vmem_shared>>) target_semaphore(%run_scoped3A : memref<!tpu.dma_semaphore, #tpu.memory_space<semaphore_mem>>)
      %dma_wait3A = arith.constant 0 : i32
      %dma_wait3A_58 = tpu.memref_slice %arg9[%add3A_26, %dma_wait3A] : memref<10240x128xf32, #tpu.memory_space<vmem_shared>> -> memref<128x128xf32, #tpu.memory_space<vmem_shared>>
      %dma_wait3A_59 = arith.constant 0 : i32
      %dma_wait3A_60 = tpu.memref_slice %arg9[%add3A_26, %dma_wait3A_59] : memref<10240x128xf32, #tpu.memory_space<vmem_shared>> -> memref<128x128xf32, #tpu.memory_space<vmem_shared>>
      tpu.wait_dma2 semaphore(%run_scoped3A : memref<!tpu.dma_semaphore, #tpu.memory_space<semaphore_mem>>) src(%arg8 : memref<128x128xf32, #tpu.memory_space<vmem>>) dst(%dma_wait3A_60 : memref<128x128xf32, #tpu.memory_space<vmem_shared>>)
      tpu.yield
    }) : () -> ()
    %barrier3A = arith.constant 0 : index
    tpu.barrier barrier_id(%barrier3A)
    %scan3A_27 = arith.constant 0 : i32
    %scan3A_28 = arith.constant 0 : i32
    %scan3A_29 = arith.constant 79 : i32
    %scan3A_30 = arith.addi %scan3A_28, %scan3A_29 : i32
    %scan3A_31 = arith.constant 1 : i32
    %scan3A_32 = scf.for %scan3A_55 = %scan3A_28 to %scan3A_30 step %scan3A_31 iter_args(%scan3A_56 = %scan3A_27) -> (i32)  : i32 {
      "tpu.region"() ({
        %run_scoped3A = tpu.sem_alloc : memref<!tpu.dma_semaphore, #tpu.memory_space<semaphore_mem>>
        %dma_start3A_62 = arith.constant 0 : i32
        %dma_start3A_63 = tpu.memref_slice %arg3[%add3A, %scan3A_55, %dma_start3A_62] : memref<32x79x128xi32, #tpu.memory_space<hbm>> -> memref<1x1x128xi32, #tpu.memory_space<hbm>>
        %dma_start3A_64 = tpu.memref_squeeze %dma_start3A_63 : memref<1x1x128xi32, #tpu.memory_space<hbm>> -> memref<128xi32, #tpu.memory_space<hbm>>
        %dma_start3A_65 = arith.constant 0 : i32
        %dma_start3A_66 = tpu.memref_slice %arg3[%add3A, %scan3A_55, %dma_start3A_65] : memref<32x79x128xi32, #tpu.memory_space<hbm>> -> memref<1x1x128xi32, #tpu.memory_space<hbm>>
        %dma_start3A_67 = tpu.memref_squeeze %dma_start3A_66 : memref<1x1x128xi32, #tpu.memory_space<hbm>> -> memref<128xi32, #tpu.memory_space<hbm>>
        tpu.enqueue_dma source(%dma_start3A_67 : memref<128xi32, #tpu.memory_space<hbm>>) target(%arg6 : memref<128xi32, #tpu.memory_space<vmem>>) target_semaphore(%run_scoped3A : memref<!tpu.dma_semaphore, #tpu.memory_space<semaphore_mem>>)
        %dma_wait3A_68 = arith.constant 0 : i32
        %dma_wait3A_69 = tpu.memref_slice %arg3[%add3A, %scan3A_55, %dma_wait3A_68] : memref<32x79x128xi32, #tpu.memory_space<hbm>> -> memref<1x1x128xi32, #tpu.memory_space<hbm>>
        %dma_wait3A_70 = tpu.memref_squeeze %dma_wait3A_69 : memref<1x1x128xi32, #tpu.memory_space<hbm>> -> memref<128xi32, #tpu.memory_space<hbm>>
        %dma_wait3A_71 = arith.constant 0 : i32
        %dma_wait3A_72 = tpu.memref_slice %arg3[%add3A, %scan3A_55, %dma_wait3A_71] : memref<32x79x128xi32, #tpu.memory_space<hbm>> -> memref<1x1x128xi32, #tpu.memory_space<hbm>>
        %dma_wait3A_73 = tpu.memref_squeeze %dma_wait3A_72 : memref<1x1x128xi32, #tpu.memory_space<hbm>> -> memref<128xi32, #tpu.memory_space<hbm>>
        tpu.wait_dma2 semaphore(%run_scoped3A : memref<!tpu.dma_semaphore, #tpu.memory_space<semaphore_mem>>) src(%dma_wait3A_73 : memref<128xi32, #tpu.memory_space<hbm>>) dst(%arg6 : memref<128xi32, #tpu.memory_space<vmem>>)
        tpu.yield
      }) : () -> ()
      "tpu.region"() ({
        %run_scoped3A = tpu.sem_alloc : memref<!tpu.dma_semaphore, #tpu.memory_space<semaphore_mem>>
        %dma_start3A_62 = arith.constant 0 : i32
        %dma_start3A_63 = tpu.memref_slice %arg4[%add3A, %scan3A_55, %dma_start3A_62] : memref<32x79x128xi32, #tpu.memory_space<hbm>> -> memref<1x1x128xi32, #tpu.memory_space<hbm>>
        %dma_start3A_64 = tpu.memref_squeeze %dma_start3A_63 : memref<1x1x128xi32, #tpu.memory_space<hbm>> -> memref<128xi32, #tpu.memory_space<hbm>>
        %dma_start3A_65 = arith.constant 0 : i32
        %dma_start3A_66 = tpu.memref_slice %arg4[%add3A, %scan3A_55, %dma_start3A_65] : memref<32x79x128xi32, #tpu.memory_space<hbm>> -> memref<1x1x128xi32, #tpu.memory_space<hbm>>
        %dma_start3A_67 = tpu.memref_squeeze %dma_start3A_66 : memref<1x1x128xi32, #tpu.memory_space<hbm>> -> memref<128xi32, #tpu.memory_space<hbm>>
        tpu.enqueue_dma source(%dma_start3A_67 : memref<128xi32, #tpu.memory_space<hbm>>) target(%arg7 : memref<128xi32, #tpu.memory_space<vmem>>) target_semaphore(%run_scoped3A : memref<!tpu.dma_semaphore, #tpu.memory_space<semaphore_mem>>)
        %dma_wait3A_68 = arith.constant 0 : i32
        %dma_wait3A_69 = tpu.memref_slice %arg4[%add3A, %scan3A_55, %dma_wait3A_68] : memref<32x79x128xi32, #tpu.memory_space<hbm>> -> memref<1x1x128xi32, #tpu.memory_space<hbm>>
        %dma_wait3A_70 = tpu.memref_squeeze %dma_wait3A_69 : memref<1x1x128xi32, #tpu.memory_space<hbm>> -> memref<128xi32, #tpu.memory_space<hbm>>
        %dma_wait3A_71 = arith.constant 0 : i32
        %dma_wait3A_72 = tpu.memref_slice %arg4[%add3A, %scan3A_55, %dma_wait3A_71] : memref<32x79x128xi32, #tpu.memory_space<hbm>> -> memref<1x1x128xi32, #tpu.memory_space<hbm>>
        %dma_wait3A_73 = tpu.memref_squeeze %dma_wait3A_72 : memref<1x1x128xi32, #tpu.memory_space<hbm>> -> memref<128xi32, #tpu.memory_space<hbm>>
        tpu.wait_dma2 semaphore(%run_scoped3A : memref<!tpu.dma_semaphore, #tpu.memory_space<semaphore_mem>>) src(%dma_wait3A_73 : memref<128xi32, #tpu.memory_space<hbm>>) dst(%arg7 : memref<128xi32, #tpu.memory_space<vmem>>)
        tpu.yield
      }) : () -> ()
      %dma_start3A = arith.constant 0 : i32
      %dma_start3A_57 = arith.constant 0 : i32
      %dma_start3A_58 = tpu.memref_slice %arg2[%dma_start3A, %dma_start3A_57] : memref<10000x128xf32, #tpu.memory_space<hbm>> -> memref<10000x128xf32, #tpu.memory_space<hbm>>
      tpu.enqueue_indirect_dma source(%dma_start3A_58 : memref<10000x128xf32, #tpu.memory_space<hbm>>) target(%arg8 : memref<128x128xf32, #tpu.memory_space<vmem>>) offsets(%arg6 : memref<128xi32, #tpu.memory_space<vmem>>) semaphore(%arg10 : memref<!tpu.dma_semaphore, #tpu.memory_space<semaphore_mem>>)
      %dma_wait3A = arith.constant 0 : i32
      %dma_wait3A_59 = arith.constant 0 : i32
      %dma_wait3A_60 = tpu.memref_slice %arg2[%dma_wait3A, %dma_wait3A_59] : memref<10000x128xf32, #tpu.memory_space<hbm>> -> memref<10000x128xf32, #tpu.memory_space<hbm>>
      tpu.wait_indirect_dma semaphore(%arg10 : memref<!tpu.dma_semaphore, #tpu.memory_space<semaphore_mem>>) src(%dma_wait3A_60 : memref<10000x128xf32, #tpu.memory_space<hbm>>) dst(%arg8 : memref<128x128xf32, #tpu.memory_space<vmem>>)
      "tpu.region"() ({
        %run_scoped3A = tpu.sem_alloc : memref<!tpu.dma_semaphore, #tpu.memory_space<semaphore_mem>>
        %dma_start3A_62 = arith.constant 0 : i32
        %dma_start3A_63 = arith.constant 0 : i32
        %dma_start3A_64 = tpu.memref_slice %arg9[%dma_start3A_62, %dma_start3A_63] : memref<10240x128xf32, #tpu.memory_space<vmem_shared>> -> memref<10240x128xf32, #tpu.memory_space<vmem_shared>>
        tpu.enqueue_indirect_dma source(%arg8 : memref<128x128xf32, #tpu.memory_space<vmem>>) target(%dma_start3A_64 : memref<10240x128xf32, #tpu.memory_space<vmem_shared>>) offsets(%arg7 : memref<128xi32, #tpu.memory_space<vmem>>) semaphore(%run_scoped3A : memref<!tpu.dma_semaphore, #tpu.memory_space<semaphore_mem>>) {add = true}
        %dma_wait3A_65 = arith.constant 0 : i32
        %dma_wait3A_66 = arith.constant 0 : i32
        %dma_wait3A_67 = tpu.memref_slice %arg9[%dma_wait3A_65, %dma_wait3A_66] : memref<10240x128xf32, #tpu.memory_space<vmem_shared>> -> memref<10240x128xf32, #tpu.memory_space<vmem_shared>>
        tpu.wait_indirect_dma semaphore(%run_scoped3A : memref<!tpu.dma_semaphore, #tpu.memory_space<semaphore_mem>>) src(%arg8 : memref<128x128xf32, #tpu.memory_space<vmem>>) dst(%dma_wait3A_67 : memref<10240x128xf32, #tpu.memory_space<vmem_shared>>)
        tpu.yield
      }) : () -> ()
      %scan3A_61 = arith.constant 0 : i32
      scf.yield %scan3A_61 : i32
    }
    %scan3A_33 = arith.constant 79 : i32
    %barrier3A_34 = arith.constant 0 : index
    tpu.barrier barrier_id(%barrier3A_34)
    %mul3A_35 = arith.constant 640 : i32
    %mul3A_36 = arith.muli %arg1, %mul3A_35 : i32
    %add3A_37 = arith.constant 0 : i32
    %add3A_38 = arith.addi %mul3A_36, %add3A_37 : i32
    "tpu.region"() ({
      %run_scoped3A = tpu.sem_alloc : memref<!tpu.dma_semaphore, #tpu.memory_space<semaphore_mem>>
      %dma_start3A = arith.constant 0 : i32
      %dma_start3A_55 = tpu.memref_slice %arg9[%add3A_38, %dma_start3A] : memref<10240x128xf32, #tpu.memory_space<vmem_shared>> -> memref<128x128xf32, #tpu.memory_space<vmem_shared>>
      %dma_start3A_56 = arith.constant 0 : i32
      %dma_start3A_57 = tpu.memref_slice %arg9[%add3A_38, %dma_start3A_56] : memref<10240x128xf32, #tpu.memory_space<vmem_shared>> -> memref<128x128xf32, #tpu.memory_space<vmem_shared>>
      tpu.enqueue_dma source(%dma_start3A_57 : memref<128x128xf32, #tpu.memory_space<vmem_shared>>) target(%arg8 : memref<128x128xf32, #tpu.memory_space<vmem>>) target_semaphore(%run_scoped3A : memref<!tpu.dma_semaphore, #tpu.memory_space<semaphore_mem>>)
      %dma_wait3A = arith.constant 0 : i32
      %dma_wait3A_58 = tpu.memref_slice %arg9[%add3A_38, %dma_wait3A] : memref<10240x128xf32, #tpu.memory_space<vmem_shared>> -> memref<128x128xf32, #tpu.memory_space<vmem_shared>>
      %dma_wait3A_59 = arith.constant 0 : i32
      %dma_wait3A_60 = tpu.memref_slice %arg9[%add3A_38, %dma_wait3A_59] : memref<10240x128xf32, #tpu.memory_space<vmem_shared>> -> memref<128x128xf32, #tpu.memory_space<vmem_shared>>
      tpu.wait_dma2 semaphore(%run_scoped3A : memref<!tpu.dma_semaphore, #tpu.memory_space<semaphore_mem>>) src(%dma_wait3A_60 : memref<128x128xf32, #tpu.memory_space<vmem_shared>>) dst(%arg8 : memref<128x128xf32, #tpu.memory_space<vmem>>)
      tpu.yield
    }) : () -> ()
    "tpu.region"() ({
      %run_scoped3A = tpu.sem_alloc : memref<!tpu.dma_semaphore, #tpu.memory_space<semaphore_mem>>
      %dma_start3A = arith.constant 0 : i32
      %dma_start3A_55 = tpu.memref_slice %arg5[%arg0, %add3A_38, %dma_start3A] : memref<2x10240x128xf32, #tpu.memory_space<hbm>> -> memref<1x128x128xf32, #tpu.memory_space<hbm>>
      %dma_start3A_56 = tpu.memref_squeeze %dma_start3A_55 : memref<1x128x128xf32, #tpu.memory_space<hbm>> -> memref<128x128xf32, #tpu.memory_space<hbm>>
      %dma_start3A_57 = arith.constant 0 : i32
      %dma_start3A_58 = tpu.memref_slice %arg5[%arg0, %add3A_38, %dma_start3A_57] : memref<2x10240x128xf32, #tpu.memory_space<hbm>> -> memref<1x128x128xf32, #tpu.memory_space<hbm>>
      %dma_start3A_59 = tpu.memref_squeeze %dma_start3A_58 : memref<1x128x128xf32, #tpu.memory_space<hbm>> -> memref<128x128xf32, #tpu.memory_space<hbm>>
      tpu.enqueue_dma source(%arg8 : memref<128x128xf32, #tpu.memory_space<vmem>>) target(%dma_start3A_59 : memref<128x128xf32, #tpu.memory_space<hbm>>) target_semaphore(%run_scoped3A : memref<!tpu.dma_semaphore, #tpu.memory_space<semaphore_mem>>)
      %dma_wait3A = arith.constant 0 : i32
      %dma_wait3A_60 = tpu.memref_slice %arg5[%arg0, %add3A_38, %dma_wait3A] : memref<2x10240x128xf32, #tpu.memory_space<hbm>> -> memref<1x128x128xf32, #tpu.memory_space<hbm>>
      %dma_wait3A_61 = tpu.memref_squeeze %dma_wait3A_60 : memref<1x128x128xf32, #tpu.memory_space<hbm>> -> memref<128x128xf32, #tpu.memory_space<hbm>>
      %dma_wait3A_62 = arith.constant 0 : i32
      %dma_wait3A_63 = tpu.memref_slice %arg5[%arg0, %add3A_38, %dma_wait3A_62] : memref<2x10240x128xf32, #tpu.memory_space<hbm>> -> memref<1x128x128xf32, #tpu.memory_space<hbm>>
      %dma_wait3A_64 = tpu.memref_squeeze %dma_wait3A_63 : memref<1x128x128xf32, #tpu.memory_space<hbm>> -> memref<128x128xf32, #tpu.memory_space<hbm>>
      tpu.wait_dma2 semaphore(%run_scoped3A : memref<!tpu.dma_semaphore, #tpu.memory_space<semaphore_mem>>) src(%arg8 : memref<128x128xf32, #tpu.memory_space<vmem>>) dst(%dma_wait3A_64 : memref<128x128xf32, #tpu.memory_space<hbm>>)
      tpu.yield
    }) : () -> ()
    %mul3A_39 = arith.constant 640 : i32
    %mul3A_40 = arith.muli %arg1, %mul3A_39 : i32
    %add3A_41 = arith.constant 128 : i32
    %add3A_42 = arith.addi %mul3A_40, %add3A_41 : i32
    "tpu.region"() ({
      %run_scoped3A = tpu.sem_alloc : memref<!tpu.dma_semaphore, #tpu.memory_space<semaphore_mem>>
      %dma_start3A = arith.constant 0 : i32
      %dma_start3A_55 = tpu.memref_slice %arg9[%add3A_42, %dma_start3A] : memref<10240x128xf32, #tpu.memory_space<vmem_shared>> -> memref<128x128xf32, #tpu.memory_space<vmem_shared>>
      %dma_start3A_56 = arith.constant 0 : i32
      %dma_start3A_57 = tpu.memref_slice %arg9[%add3A_42, %dma_start3A_56] : memref<10240x128xf32, #tpu.memory_space<vmem_shared>> -> memref<128x128xf32, #tpu.memory_space<vmem_shared>>
      tpu.enqueue_dma source(%dma_start3A_57 : memref<128x128xf32, #tpu.memory_space<vmem_shared>>) target(%arg8 : memref<128x128xf32, #tpu.memory_space<vmem>>) target_semaphore(%run_scoped3A : memref<!tpu.dma_semaphore, #tpu.memory_space<semaphore_mem>>)
      %dma_wait3A = arith.constant 0 : i32
      %dma_wait3A_58 = tpu.memref_slice %arg9[%add3A_42, %dma_wait3A] : memref<10240x128xf32, #tpu.memory_space<vmem_shared>> -> memref<128x128xf32, #tpu.memory_space<vmem_shared>>
      %dma_wait3A_59 = arith.constant 0 : i32
      %dma_wait3A_60 = tpu.memref_slice %arg9[%add3A_42, %dma_wait3A_59] : memref<10240x128xf32, #tpu.memory_space<vmem_shared>> -> memref<128x128xf32, #tpu.memory_space<vmem_shared>>
      tpu.wait_dma2 semaphore(%run_scoped3A : memref<!tpu.dma_semaphore, #tpu.memory_space<semaphore_mem>>) src(%dma_wait3A_60 : memref<128x128xf32, #tpu.memory_space<vmem_shared>>) dst(%arg8 : memref<128x128xf32, #tpu.memory_space<vmem>>)
      tpu.yield
    }) : () -> ()
    "tpu.region"() ({
      %run_scoped3A = tpu.sem_alloc : memref<!tpu.dma_semaphore, #tpu.memory_space<semaphore_mem>>
      %dma_start3A = arith.constant 0 : i32
      %dma_start3A_55 = tpu.memref_slice %arg5[%arg0, %add3A_42, %dma_start3A] : memref<2x10240x128xf32, #tpu.memory_space<hbm>> -> memref<1x128x128xf32, #tpu.memory_space<hbm>>
      %dma_start3A_56 = tpu.memref_squeeze %dma_start3A_55 : memref<1x128x128xf32, #tpu.memory_space<hbm>> -> memref<128x128xf32, #tpu.memory_space<hbm>>
      %dma_start3A_57 = arith.constant 0 : i32
      %dma_start3A_58 = tpu.memref_slice %arg5[%arg0, %add3A_42, %dma_start3A_57] : memref<2x10240x128xf32, #tpu.memory_space<hbm>> -> memref<1x128x128xf32, #tpu.memory_space<hbm>>
      %dma_start3A_59 = tpu.memref_squeeze %dma_start3A_58 : memref<1x128x128xf32, #tpu.memory_space<hbm>> -> memref<128x128xf32, #tpu.memory_space<hbm>>
      tpu.enqueue_dma source(%arg8 : memref<128x128xf32, #tpu.memory_space<vmem>>) target(%dma_start3A_59 : memref<128x128xf32, #tpu.memory_space<hbm>>) target_semaphore(%run_scoped3A : memref<!tpu.dma_semaphore, #tpu.memory_space<semaphore_mem>>)
      %dma_wait3A = arith.constant 0 : i32
      %dma_wait3A_60 = tpu.memref_slice %arg5[%arg0, %add3A_42, %dma_wait3A] : memref<2x10240x128xf32, #tpu.memory_space<hbm>> -> memref<1x128x128xf32, #tpu.memory_space<hbm>>
      %dma_wait3A_61 = tpu.memref_squeeze %dma_wait3A_60 : memref<1x128x128xf32, #tpu.memory_space<hbm>> -> memref<128x128xf32, #tpu.memory_space<hbm>>
      %dma_wait3A_62 = arith.constant 0 : i32
      %dma_wait3A_63 = tpu.memref_slice %arg5[%arg0, %add3A_42, %dma_wait3A_62] : memref<2x10240x128xf32, #tpu.memory_space<hbm>> -> memref<1x128x128xf32, #tpu.memory_space<hbm>>
      %dma_wait3A_64 = tpu.memref_squeeze %dma_wait3A_63 : memref<1x128x128xf32, #tpu.memory_space<hbm>> -> memref<128x128xf32, #tpu.memory_space<hbm>>
      tpu.wait_dma2 semaphore(%run_scoped3A : memref<!tpu.dma_semaphore, #tpu.memory_space<semaphore_mem>>) src(%arg8 : memref<128x128xf32, #tpu.memory_space<vmem>>) dst(%dma_wait3A_64 : memref<128x128xf32, #tpu.memory_space<hbm>>)
      tpu.yield
    }) : () -> ()
    %mul3A_43 = arith.constant 640 : i32
    %mul3A_44 = arith.muli %arg1, %mul3A_43 : i32
    %add3A_45 = arith.constant 256 : i32
    %add3A_46 = arith.addi %mul3A_44, %add3A_45 : i32
    "tpu.region"() ({
      %run_scoped3A = tpu.sem_alloc : memref<!tpu.dma_semaphore, #tpu.memory_space<semaphore_mem>>
      %dma_start3A = arith.constant 0 : i32
      %dma_start3A_55 = tpu.memref_slice %arg9[%add3A_46, %dma_start3A] : memref<10240x128xf32, #tpu.memory_space<vmem_shared>> -> memref<128x128xf32, #tpu.memory_space<vmem_shared>>
      %dma_start3A_56 = arith.constant 0 : i32
      %dma_start3A_57 = tpu.memref_slice %arg9[%add3A_46, %dma_start3A_56] : memref<10240x128xf32, #tpu.memory_space<vmem_shared>> -> memref<128x128xf32, #tpu.memory_space<vmem_shared>>
      tpu.enqueue_dma source(%dma_start3A_57 : memref<128x128xf32, #tpu.memory_space<vmem_shared>>) target(%arg8 : memref<128x128xf32, #tpu.memory_space<vmem>>) target_semaphore(%run_scoped3A : memref<!tpu.dma_semaphore, #tpu.memory_space<semaphore_mem>>)
      %dma_wait3A = arith.constant 0 : i32
      %dma_wait3A_58 = tpu.memref_slice %arg9[%add3A_46, %dma_wait3A] : memref<10240x128xf32, #tpu.memory_space<vmem_shared>> -> memref<128x128xf32, #tpu.memory_space<vmem_shared>>
      %dma_wait3A_59 = arith.constant 0 : i32
      %dma_wait3A_60 = tpu.memref_slice %arg9[%add3A_46, %dma_wait3A_59] : memref<10240x128xf32, #tpu.memory_space<vmem_shared>> -> memref<128x128xf32, #tpu.memory_space<vmem_shared>>
      tpu.wait_dma2 semaphore(%run_scoped3A : memref<!tpu.dma_semaphore, #tpu.memory_space<semaphore_mem>>) src(%dma_wait3A_60 : memref<128x128xf32, #tpu.memory_space<vmem_shared>>) dst(%arg8 : memref<128x128xf32, #tpu.memory_space<vmem>>)
      tpu.yield
    }) : () -> ()
    "tpu.region"() ({
      %run_scoped3A = tpu.sem_alloc : memref<!tpu.dma_semaphore, #tpu.memory_space<semaphore_mem>>
      %dma_start3A = arith.constant 0 : i32
      %dma_start3A_55 = tpu.memref_slice %arg5[%arg0, %add3A_46, %dma_start3A] : memref<2x10240x128xf32, #tpu.memory_space<hbm>> -> memref<1x128x128xf32, #tpu.memory_space<hbm>>
      %dma_start3A_56 = tpu.memref_squeeze %dma_start3A_55 : memref<1x128x128xf32, #tpu.memory_space<hbm>> -> memref<128x128xf32, #tpu.memory_space<hbm>>
      %dma_start3A_57 = arith.constant 0 : i32
      %dma_start3A_58 = tpu.memref_slice %arg5[%arg0, %add3A_46, %dma_start3A_57] : memref<2x10240x128xf32, #tpu.memory_space<hbm>> -> memref<1x128x128xf32, #tpu.memory_space<hbm>>
      %dma_start3A_59 = tpu.memref_squeeze %dma_start3A_58 : memref<1x128x128xf32, #tpu.memory_space<hbm>> -> memref<128x128xf32, #tpu.memory_space<hbm>>
      tpu.enqueue_dma source(%arg8 : memref<128x128xf32, #tpu.memory_space<vmem>>) target(%dma_start3A_59 : memref<128x128xf32, #tpu.memory_space<hbm>>) target_semaphore(%run_scoped3A : memref<!tpu.dma_semaphore, #tpu.memory_space<semaphore_mem>>)
      %dma_wait3A = arith.constant 0 : i32
      %dma_wait3A_60 = tpu.memref_slice %arg5[%arg0, %add3A_46, %dma_wait3A] : memref<2x10240x128xf32, #tpu.memory_space<hbm>> -> memref<1x128x128xf32, #tpu.memory_space<hbm>>
      %dma_wait3A_61 = tpu.memref_squeeze %dma_wait3A_60 : memref<1x128x128xf32, #tpu.memory_space<hbm>> -> memref<128x128xf32, #tpu.memory_space<hbm>>
      %dma_wait3A_62 = arith.constant 0 : i32
      %dma_wait3A_63 = tpu.memref_slice %arg5[%arg0, %add3A_46, %dma_wait3A_62] : memref<2x10240x128xf32, #tpu.memory_space<hbm>> -> memref<1x128x128xf32, #tpu.memory_space<hbm>>
      %dma_wait3A_64 = tpu.memref_squeeze %dma_wait3A_63 : memref<1x128x128xf32, #tpu.memory_space<hbm>> -> memref<128x128xf32, #tpu.memory_space<hbm>>
      tpu.wait_dma2 semaphore(%run_scoped3A : memref<!tpu.dma_semaphore, #tpu.memory_space<semaphore_mem>>) src(%arg8 : memref<128x128xf32, #tpu.memory_space<vmem>>) dst(%dma_wait3A_64 : memref<128x128xf32, #tpu.memory_space<hbm>>)
      tpu.yield
    }) : () -> ()
    %mul3A_47 = arith.constant 640 : i32
    %mul3A_48 = arith.muli %arg1, %mul3A_47 : i32
    %add3A_49 = arith.constant 384 : i32
    %add3A_50 = arith.addi %mul3A_48, %add3A_49 : i32
    "tpu.region"() ({
      %run_scoped3A = tpu.sem_alloc : memref<!tpu.dma_semaphore, #tpu.memory_space<semaphore_mem>>
      %dma_start3A = arith.constant 0 : i32
      %dma_start3A_55 = tpu.memref_slice %arg9[%add3A_50, %dma_start3A] : memref<10240x128xf32, #tpu.memory_space<vmem_shared>> -> memref<128x128xf32, #tpu.memory_space<vmem_shared>>
      %dma_start3A_56 = arith.constant 0 : i32
      %dma_start3A_57 = tpu.memref_slice %arg9[%add3A_50, %dma_start3A_56] : memref<10240x128xf32, #tpu.memory_space<vmem_shared>> -> memref<128x128xf32, #tpu.memory_space<vmem_shared>>
      tpu.enqueue_dma source(%dma_start3A_57 : memref<128x128xf32, #tpu.memory_space<vmem_shared>>) target(%arg8 : memref<128x128xf32, #tpu.memory_space<vmem>>) target_semaphore(%run_scoped3A : memref<!tpu.dma_semaphore, #tpu.memory_space<semaphore_mem>>)
      %dma_wait3A = arith.constant 0 : i32
      %dma_wait3A_58 = tpu.memref_slice %arg9[%add3A_50, %dma_wait3A] : memref<10240x128xf32, #tpu.memory_space<vmem_shared>> -> memref<128x128xf32, #tpu.memory_space<vmem_shared>>
      %dma_wait3A_59 = arith.constant 0 : i32
      %dma_wait3A_60 = tpu.memref_slice %arg9[%add3A_50, %dma_wait3A_59] : memref<10240x128xf32, #tpu.memory_space<vmem_shared>> -> memref<128x128xf32, #tpu.memory_space<vmem_shared>>
      tpu.wait_dma2 semaphore(%run_scoped3A : memref<!tpu.dma_semaphore, #tpu.memory_space<semaphore_mem>>) src(%dma_wait3A_60 : memref<128x128xf32, #tpu.memory_space<vmem_shared>>) dst(%arg8 : memref<128x128xf32, #tpu.memory_space<vmem>>)
      tpu.yield
    }) : () -> ()
    "tpu.region"() ({
      %run_scoped3A = tpu.sem_alloc : memref<!tpu.dma_semaphore, #tpu.memory_space<semaphore_mem>>
      %dma_start3A = arith.constant 0 : i32
      %dma_start3A_55 = tpu.memref_slice %arg5[%arg0, %add3A_50, %dma_start3A] : memref<2x10240x128xf32, #tpu.memory_space<hbm>> -> memref<1x128x128xf32, #tpu.memory_space<hbm>>
      %dma_start3A_56 = tpu.memref_squeeze %dma_start3A_55 : memref<1x128x128xf32, #tpu.memory_space<hbm>> -> memref<128x128xf32, #tpu.memory_space<hbm>>
      %dma_start3A_57 = arith.constant 0 : i32
      %dma_start3A_58 = tpu.memref_slice %arg5[%arg0, %add3A_50, %dma_start3A_57] : memref<2x10240x128xf32, #tpu.memory_space<hbm>> -> memref<1x128x128xf32, #tpu.memory_space<hbm>>
      %dma_start3A_59 = tpu.memref_squeeze %dma_start3A_58 : memref<1x128x128xf32, #tpu.memory_space<hbm>> -> memref<128x128xf32, #tpu.memory_space<hbm>>
      tpu.enqueue_dma source(%arg8 : memref<128x128xf32, #tpu.memory_space<vmem>>) target(%dma_start3A_59 : memref<128x128xf32, #tpu.memory_space<hbm>>) target_semaphore(%run_scoped3A : memref<!tpu.dma_semaphore, #tpu.memory_space<semaphore_mem>>)
      %dma_wait3A = arith.constant 0 : i32
      %dma_wait3A_60 = tpu.memref_slice %arg5[%arg0, %add3A_50, %dma_wait3A] : memref<2x10240x128xf32, #tpu.memory_space<hbm>> -> memref<1x128x128xf32, #tpu.memory_space<hbm>>
      %dma_wait3A_61 = tpu.memref_squeeze %dma_wait3A_60 : memref<1x128x128xf32, #tpu.memory_space<hbm>> -> memref<128x128xf32, #tpu.memory_space<hbm>>
      %dma_wait3A_62 = arith.constant 0 : i32
      %dma_wait3A_63 = tpu.memref_slice %arg5[%arg0, %add3A_50, %dma_wait3A_62] : memref<2x10240x128xf32, #tpu.memory_space<hbm>> -> memref<1x128x128xf32, #tpu.memory_space<hbm>>
      %dma_wait3A_64 = tpu.memref_squeeze %dma_wait3A_63 : memref<1x128x128xf32, #tpu.memory_space<hbm>> -> memref<128x128xf32, #tpu.memory_space<hbm>>
      tpu.wait_dma2 semaphore(%run_scoped3A : memref<!tpu.dma_semaphore, #tpu.memory_space<semaphore_mem>>) src(%arg8 : memref<128x128xf32, #tpu.memory_space<vmem>>) dst(%dma_wait3A_64 : memref<128x128xf32, #tpu.memory_space<hbm>>)
      tpu.yield
    }) : () -> ()
    %mul3A_51 = arith.constant 640 : i32
    %mul3A_52 = arith.muli %arg1, %mul3A_51 : i32
    %add3A_53 = arith.constant 512 : i32
    %add3A_54 = arith.addi %mul3A_52, %add3A_53 : i32
    "tpu.region"() ({
      %run_scoped3A = tpu.sem_alloc : memref<!tpu.dma_semaphore, #tpu.memory_space<semaphore_mem>>
      %dma_start3A = arith.constant 0 : i32
      %dma_start3A_55 = tpu.memref_slice %arg9[%add3A_54, %dma_start3A] : memref<10240x128xf32, #tpu.memory_space<vmem_shared>> -> memref<128x128xf32, #tpu.memory_space<vmem_shared>>
      %dma_start3A_56 = arith.constant 0 : i32
      %dma_start3A_57 = tpu.memref_slice %arg9[%add3A_54, %dma_start3A_56] : memref<10240x128xf32, #tpu.memory_space<vmem_shared>> -> memref<128x128xf32, #tpu.memory_space<vmem_shared>>
      tpu.enqueue_dma source(%dma_start3A_57 : memref<128x128xf32, #tpu.memory_space<vmem_shared>>) target(%arg8 : memref<128x128xf32, #tpu.memory_space<vmem>>) target_semaphore(%run_scoped3A : memref<!tpu.dma_semaphore, #tpu.memory_space<semaphore_mem>>)
      %dma_wait3A = arith.constant 0 : i32
      %dma_wait3A_58 = tpu.memref_slice %arg9[%add3A_54, %dma_wait3A] : memref<10240x128xf32, #tpu.memory_space<vmem_shared>> -> memref<128x128xf32, #tpu.memory_space<vmem_shared>>
      %dma_wait3A_59 = arith.constant 0 : i32
      %dma_wait3A_60 = tpu.memref_slice %arg9[%add3A_54, %dma_wait3A_59] : memref<10240x128xf32, #tpu.memory_space<vmem_shared>> -> memref<128x128xf32, #tpu.memory_space<vmem_shared>>
      tpu.wait_dma2 semaphore(%run_scoped3A : memref<!tpu.dma_semaphore, #tpu.memory_space<semaphore_mem>>) src(%dma_wait3A_60 : memref<128x128xf32, #tpu.memory_space<vmem_shared>>) dst(%arg8 : memref<128x128xf32, #tpu.memory_space<vmem>>)
      tpu.yield
    }) : () -> ()
    "tpu.region"() ({
      %run_scoped3A = tpu.sem_alloc : memref<!tpu.dma_semaphore, #tpu.memory_space<semaphore_mem>>
      %dma_start3A = arith.constant 0 : i32
      %dma_start3A_55 = tpu.memref_slice %arg5[%arg0, %add3A_54, %dma_start3A] : memref<2x10240x128xf32, #tpu.memory_space<hbm>> -> memref<1x128x128xf32, #tpu.memory_space<hbm>>
      %dma_start3A_56 = tpu.memref_squeeze %dma_start3A_55 : memref<1x128x128xf32, #tpu.memory_space<hbm>> -> memref<128x128xf32, #tpu.memory_space<hbm>>
      %dma_start3A_57 = arith.constant 0 : i32
      %dma_start3A_58 = tpu.memref_slice %arg5[%arg0, %add3A_54, %dma_start3A_57] : memref<2x10240x128xf32, #tpu.memory_space<hbm>> -> memref<1x128x128xf32, #tpu.memory_space<hbm>>
      %dma_start3A_59 = tpu.memref_squeeze %dma_start3A_58 : memref<1x128x128xf32, #tpu.memory_space<hbm>> -> memref<128x128xf32, #tpu.memory_space<hbm>>
      tpu.enqueue_dma source(%arg8 : memref<128x128xf32, #tpu.memory_space<vmem>>) target(%dma_start3A_59 : memref<128x128xf32, #tpu.memory_space<hbm>>) target_semaphore(%run_scoped3A : memref<!tpu.dma_semaphore, #tpu.memory_space<semaphore_mem>>)
      %dma_wait3A = arith.constant 0 : i32
      %dma_wait3A_60 = tpu.memref_slice %arg5[%arg0, %add3A_54, %dma_wait3A] : memref<2x10240x128xf32, #tpu.memory_space<hbm>> -> memref<1x128x128xf32, #tpu.memory_space<hbm>>
      %dma_wait3A_61 = tpu.memref_squeeze %dma_wait3A_60 : memref<1x128x128xf32, #tpu.memory_space<hbm>> -> memref<128x128xf32, #tpu.memory_space<hbm>>
      %dma_wait3A_62 = arith.constant 0 : i32
      %dma_wait3A_63 = tpu.memref_slice %arg5[%arg0, %add3A_54, %dma_wait3A_62] : memref<2x10240x128xf32, #tpu.memory_space<hbm>> -> memref<1x128x128xf32, #tpu.memory_space<hbm>>
      %dma_wait3A_64 = tpu.memref_squeeze %dma_wait3A_63 : memref<1x128x128xf32, #tpu.memory_space<hbm>> -> memref<128x128xf32, #tpu.memory_space<hbm>>
      tpu.wait_dma2 semaphore(%run_scoped3A : memref<!tpu.dma_semaphore, #tpu.memory_space<semaphore_mem>>) src(%arg8 : memref<128x128xf32, #tpu.memory_space<vmem>>) dst(%dma_wait3A_64 : memref<128x128xf32, #tpu.memory_space<hbm>>)
      tpu.yield
    }) : () -> ()
    return
  }
}

#map = affine_map<(d0, d1) -> (0, 0, 0)>
module attributes {stable_mosaic.version = 14 : i64} {
  func.func @_sc_deg_body(%arg0: i32, %arg1: i32, %arg2: memref<32x79x128xi32, #tpu.memory_space<hbm>>, %arg3: memref<2x10240x128xf32, #tpu.memory_space<hbm>>, %arg4: memref<79x128xi32, #tpu.memory_space<vmem>>, %arg5: memref<128x128xf32, #tpu.memory_space<vmem>>, %arg6: memref<10240x128xf32, #tpu.memory_space<vmem_shared>>, %arg7: memref<!tpu.dma_semaphore, #tpu.memory_space<semaphore_mem>>, %arg8: memref<!tpu.dma_semaphore, #tpu.memory_space<semaphore_mem>>) attributes {dimension_semantics = [#tpu.dimension_semantics<core_parallel>, #tpu.dimension_semantics<subcore_parallel>], iteration_bounds = array<i64: 2, 16>, scalar_prefetch = 0 : i64, scratch_operands = 5 : i64, tpu.core_type = #tpu.core_type<sc_vector_subcore>, window_params = [{transform_indices = #map}, {transform_indices = #map}]} {
    %mul3A = arith.constant 16 : i32
    %mul3A_0 = arith.muli %arg0, %mul3A : i32
    %add3A = arith.addi %mul3A_0, %arg1 : i32
    %dma_start3A = arith.constant 0 : i32
    %dma_start3A_1 = arith.constant 0 : i32
    %dma_start3A_2 = tpu.memref_slice %arg2[%add3A, %dma_start3A, %dma_start3A_1] : memref<32x79x128xi32, #tpu.memory_space<hbm>> -> memref<1x79x128xi32, #tpu.memory_space<hbm>>
    %dma_start3A_3 = tpu.memref_squeeze %dma_start3A_2 : memref<1x79x128xi32, #tpu.memory_space<hbm>> -> memref<79x128xi32, #tpu.memory_space<hbm>>
    %dma_start3A_4 = arith.constant 0 : i32
    %dma_start3A_5 = arith.constant 0 : i32
    %dma_start3A_6 = tpu.memref_slice %arg2[%add3A, %dma_start3A_4, %dma_start3A_5] : memref<32x79x128xi32, #tpu.memory_space<hbm>> -> memref<1x79x128xi32, #tpu.memory_space<hbm>>
    %dma_start3A_7 = tpu.memref_squeeze %dma_start3A_6 : memref<1x79x128xi32, #tpu.memory_space<hbm>> -> memref<79x128xi32, #tpu.memory_space<hbm>>
    tpu.enqueue_dma source(%dma_start3A_7 : memref<79x128xi32, #tpu.memory_space<hbm>>) target(%arg4 : memref<79x128xi32, #tpu.memory_space<vmem>>) target_semaphore(%arg7 : memref<!tpu.dma_semaphore, #tpu.memory_space<semaphore_mem>>)
    %scan3A = arith.constant 0 : i32
    %scan3A_8 = arith.constant 0 : i32
    %scan3A_9 = arith.constant 128 : i32
    %scan3A_10 = arith.addi %scan3A_8, %scan3A_9 : i32
    %scan3A_11 = arith.constant 1 : i32
    %scan3A_12 = scf.for %scan3A_132 = %scan3A_8 to %scan3A_10 step %scan3A_11 iter_args(%scan3A_133 = %scan3A) -> (i32)  : i32 {
      %broadcast_in_dim3A = arith.constant 0.000000e+00 : f32
      %broadcast_in_dim3A_134 = vector.broadcast %broadcast_in_dim3A : f32 to vector<16xf32>
      %swap3A = arith.index_cast %scan3A_132 : i32 to index
      %swap3A_135 = arith.constant 0 : index
      %swap3A_136 = tpu.vector_load %arg5[%swap3A, %swap3A_135] {strides = array<i32>} : memref<128x128xf32, #tpu.memory_space<vmem>>, vector<1x16xf32>,
      %swap3A_137 = vector.shape_cast %swap3A_136 : vector<1x16xf32> to vector<16xf32>
      %swap3A_138 = vector.shape_cast %broadcast_in_dim3A_134 : vector<16xf32> to vector<1x16xf32>
      tpu.vector_store %arg5[%swap3A, %swap3A_135], %swap3A_138 {strides = array<i32>} : memref<128x128xf32, #tpu.memory_space<vmem>>, vector<1x16xf32>,
      %broadcast_in_dim3A_139 = arith.constant 0.000000e+00 : f32
      %broadcast_in_dim3A_140 = vector.broadcast %broadcast_in_dim3A_139 : f32 to vector<16xf32>
      %swap3A_141 = arith.index_cast %scan3A_132 : i32 to index
      %swap3A_142 = arith.constant 16 : index
      %swap3A_143 = tpu.vector_load %arg5[%swap3A_141, %swap3A_142] {strides = array<i32>} : memref<128x128xf32, #tpu.memory_space<vmem>>, vector<1x16xf32>,
      %swap3A_144 = vector.shape_cast %swap3A_143 : vector<1x16xf32> to vector<16xf32>
      %swap3A_145 = vector.shape_cast %broadcast_in_dim3A_140 : vector<16xf32> to vector<1x16xf32>
      tpu.vector_store %arg5[%swap3A_141, %swap3A_142], %swap3A_145 {strides = array<i32>} : memref<128x128xf32, #tpu.memory_space<vmem>>, vector<1x16xf32>,
      %broadcast_in_dim3A_146 = arith.constant 0.000000e+00 : f32
      %broadcast_in_dim3A_147 = vector.broadcast %broadcast_in_dim3A_146 : f32 to vector<16xf32>
      %swap3A_148 = arith.index_cast %scan3A_132 : i32 to index
      %swap3A_149 = arith.constant 32 : index
      %swap3A_150 = tpu.vector_load %arg5[%swap3A_148, %swap3A_149] {strides = array<i32>} : memref<128x128xf32, #tpu.memory_space<vmem>>, vector<1x16xf32>,
      %swap3A_151 = vector.shape_cast %swap3A_150 : vector<1x16xf32> to vector<16xf32>
      %swap3A_152 = vector.shape_cast %broadcast_in_dim3A_147 : vector<16xf32> to vector<1x16xf32>
      tpu.vector_store %arg5[%swap3A_148, %swap3A_149], %swap3A_152 {strides = array<i32>} : memref<128x128xf32, #tpu.memory_space<vmem>>, vector<1x16xf32>,
      %broadcast_in_dim3A_153 = arith.constant 0.000000e+00 : f32
      %broadcast_in_dim3A_154 = vector.broadcast %broadcast_in_dim3A_153 : f32 to vector<16xf32>
      %swap3A_155 = arith.index_cast %scan3A_132 : i32 to index
      %swap3A_156 = arith.constant 48 : index
      %swap3A_157 = tpu.vector_load %arg5[%swap3A_155, %swap3A_156] {strides = array<i32>} : memref<128x128xf32, #tpu.memory_space<vmem>>, vector<1x16xf32>,
      %swap3A_158 = vector.shape_cast %swap3A_157 : vector<1x16xf32> to vector<16xf32>
      %swap3A_159 = vector.shape_cast %broadcast_in_dim3A_154 : vector<16xf32> to vector<1x16xf32>
      tpu.vector_store %arg5[%swap3A_155, %swap3A_156], %swap3A_159 {strides = array<i32>} : memref<128x128xf32, #tpu.memory_space<vmem>>, vector<1x16xf32>,
      %broadcast_in_dim3A_160 = arith.constant 0.000000e+00 : f32
      %broadcast_in_dim3A_161 = vector.broadcast %broadcast_in_dim3A_160 : f32 to vector<16xf32>
      %swap3A_162 = arith.index_cast %scan3A_132 : i32 to index
      %swap3A_163 = arith.constant 64 : index
      %swap3A_164 = tpu.vector_load %arg5[%swap3A_162, %swap3A_163] {strides = array<i32>} : memref<128x128xf32, #tpu.memory_space<vmem>>, vector<1x16xf32>,
      %swap3A_165 = vector.shape_cast %swap3A_164 : vector<1x16xf32> to vector<16xf32>
      %swap3A_166 = vector.shape_cast %broadcast_in_dim3A_161 : vector<16xf32> to vector<1x16xf32>
      tpu.vector_store %arg5[%swap3A_162, %swap3A_163], %swap3A_166 {strides = array<i32>} : memref<128x128xf32, #tpu.memory_space<vmem>>, vector<1x16xf32>,
      %broadcast_in_dim3A_167 = arith.constant 0.000000e+00 : f32
      %broadcast_in_dim3A_168 = vector.broadcast %broadcast_in_dim3A_167 : f32 to vector<16xf32>
      %swap3A_169 = arith.index_cast %scan3A_132 : i32 to index
      %swap3A_170 = arith.constant 80 : index
      %swap3A_171 = tpu.vector_load %arg5[%swap3A_169, %swap3A_170] {strides = array<i32>} : memref<128x128xf32, #tpu.memory_space<vmem>>, vector<1x16xf32>,
      %swap3A_172 = vector.shape_cast %swap3A_171 : vector<1x16xf32> to vector<16xf32>
      %swap3A_173 = vector.shape_cast %broadcast_in_dim3A_168 : vector<16xf32> to vector<1x16xf32>
      tpu.vector_store %arg5[%swap3A_169, %swap3A_170], %swap3A_173 {strides = array<i32>} : memref<128x128xf32, #tpu.memory_space<vmem>>, vector<1x16xf32>,
      %broadcast_in_dim3A_174 = arith.constant 0.000000e+00 : f32
      %broadcast_in_dim3A_175 = vector.broadcast %broadcast_in_dim3A_174 : f32 to vector<16xf32>
      %swap3A_176 = arith.index_cast %scan3A_132 : i32 to index
      %swap3A_177 = arith.constant 96 : index
      %swap3A_178 = tpu.vector_load %arg5[%swap3A_176, %swap3A_177] {strides = array<i32>} : memref<128x128xf32, #tpu.memory_space<vmem>>, vector<1x16xf32>,
      %swap3A_179 = vector.shape_cast %swap3A_178 : vector<1x16xf32> to vector<16xf32>
      %swap3A_180 = vector.shape_cast %broadcast_in_dim3A_175 : vector<16xf32> to vector<1x16xf32>
      tpu.vector_store %arg5[%swap3A_176, %swap3A_177], %swap3A_180 {strides = array<i32>} : memref<128x128xf32, #tpu.memory_space<vmem>>, vector<1x16xf32>,
      %broadcast_in_dim3A_181 = arith.constant 0.000000e+00 : f32
      %broadcast_in_dim3A_182 = vector.broadcast %broadcast_in_dim3A_181 : f32 to vector<16xf32>
      %swap3A_183 = arith.index_cast %scan3A_132 : i32 to index
      %swap3A_184 = arith.constant 112 : index
      %swap3A_185 = tpu.vector_load %arg5[%swap3A_183, %swap3A_184] {strides = array<i32>} : memref<128x128xf32, #tpu.memory_space<vmem>>, vector<1x16xf32>,
      %swap3A_186 = vector.shape_cast %swap3A_185 : vector<1x16xf32> to vector<16xf32>
      %swap3A_187 = vector.shape_cast %broadcast_in_dim3A_182 : vector<16xf32> to vector<1x16xf32>
      tpu.vector_store %arg5[%swap3A_183, %swap3A_184], %swap3A_187 {strides = array<i32>} : memref<128x128xf32, #tpu.memory_space<vmem>>, vector<1x16xf32>,
      %scan3A_188 = arith.constant 0 : i32
      scf.yield %scan3A_188 : i32
    }
    %scan3A_13 = arith.constant 128 : i32
    %mul3A_14 = arith.constant 640 : i32
    %mul3A_15 = arith.muli %arg1, %mul3A_14 : i32
    %add3A_16 = arith.constant 0 : i32
    %add3A_17 = arith.addi %mul3A_15, %add3A_16 : i32
    "tpu.region"() ({
      %run_scoped3A = tpu.sem_alloc : memref<!tpu.dma_semaphore, #tpu.memory_space<semaphore_mem>>
      %dma_start3A_132 = arith.constant 0 : i32
      %dma_start3A_133 = tpu.memref_slice %arg6[%add3A_17, %dma_start3A_132] : memref<10240x128xf32, #tpu.memory_space<vmem_shared>> -> memref<128x128xf32, #tpu.memory_space<vmem_shared>>
      %dma_start3A_134 = arith.constant 0 : i32
      %dma_start3A_135 = tpu.memref_slice %arg6[%add3A_17, %dma_start3A_134] : memref<10240x128xf32, #tpu.memory_space<vmem_shared>> -> memref<128x128xf32, #tpu.memory_space<vmem_shared>>
      tpu.enqueue_dma source(%arg5 : memref<128x128xf32, #tpu.memory_space<vmem>>) target(%dma_start3A_135 : memref<128x128xf32, #tpu.memory_space<vmem_shared>>) target_semaphore(%run_scoped3A : memref<!tpu.dma_semaphore, #tpu.memory_space<semaphore_mem>>)
      %dma_wait3A_136 = arith.constant 0 : i32
      %dma_wait3A_137 = tpu.memref_slice %arg6[%add3A_17, %dma_wait3A_136] : memref<10240x128xf32, #tpu.memory_space<vmem_shared>> -> memref<128x128xf32, #tpu.memory_space<vmem_shared>>
      %dma_wait3A_138 = arith.constant 0 : i32
      %dma_wait3A_139 = tpu.memref_slice %arg6[%add3A_17, %dma_wait3A_138] : memref<10240x128xf32, #tpu.memory_space<vmem_shared>> -> memref<128x128xf32, #tpu.memory_space<vmem_shared>>
      tpu.wait_dma2 semaphore(%run_scoped3A : memref<!tpu.dma_semaphore, #tpu.memory_space<semaphore_mem>>) src(%arg5 : memref<128x128xf32, #tpu.memory_space<vmem>>) dst(%dma_wait3A_139 : memref<128x128xf32, #tpu.memory_space<vmem_shared>>)
      tpu.yield
    }) : () -> ()
    %mul3A_18 = arith.constant 640 : i32
    %mul3A_19 = arith.muli %arg1, %mul3A_18 : i32
    %add3A_20 = arith.constant 128 : i32
    %add3A_21 = arith.addi %mul3A_19, %add3A_20 : i32
    "tpu.region"() ({
      %run_scoped3A = tpu.sem_alloc : memref<!tpu.dma_semaphore, #tpu.memory_space<semaphore_mem>>
      %dma_start3A_132 = arith.constant 0 : i32
      %dma_start3A_133 = tpu.memref_slice %arg6[%add3A_21, %dma_start3A_132] : memref<10240x128xf32, #tpu.memory_space<vmem_shared>> -> memref<128x128xf32, #tpu.memory_space<vmem_shared>>
      %dma_start3A_134 = arith.constant 0 : i32
      %dma_start3A_135 = tpu.memref_slice %arg6[%add3A_21, %dma_start3A_134] : memref<10240x128xf32, #tpu.memory_space<vmem_shared>> -> memref<128x128xf32, #tpu.memory_space<vmem_shared>>
      tpu.enqueue_dma source(%arg5 : memref<128x128xf32, #tpu.memory_space<vmem>>) target(%dma_start3A_135 : memref<128x128xf32, #tpu.memory_space<vmem_shared>>) target_semaphore(%run_scoped3A : memref<!tpu.dma_semaphore, #tpu.memory_space<semaphore_mem>>)
      %dma_wait3A_136 = arith.constant 0 : i32
      %dma_wait3A_137 = tpu.memref_slice %arg6[%add3A_21, %dma_wait3A_136] : memref<10240x128xf32, #tpu.memory_space<vmem_shared>> -> memref<128x128xf32, #tpu.memory_space<vmem_shared>>
      %dma_wait3A_138 = arith.constant 0 : i32
      %dma_wait3A_139 = tpu.memref_slice %arg6[%add3A_21, %dma_wait3A_138] : memref<10240x128xf32, #tpu.memory_space<vmem_shared>> -> memref<128x128xf32, #tpu.memory_space<vmem_shared>>
      tpu.wait_dma2 semaphore(%run_scoped3A : memref<!tpu.dma_semaphore, #tpu.memory_space<semaphore_mem>>) src(%arg5 : memref<128x128xf32, #tpu.memory_space<vmem>>) dst(%dma_wait3A_139 : memref<128x128xf32, #tpu.memory_space<vmem_shared>>)
      tpu.yield
    }) : () -> ()
    %mul3A_22 = arith.constant 640 : i32
    %mul3A_23 = arith.muli %arg1, %mul3A_22 : i32
    %add3A_24 = arith.constant 256 : i32
    %add3A_25 = arith.addi %mul3A_23, %add3A_24 : i32
    "tpu.region"() ({
      %run_scoped3A = tpu.sem_alloc : memref<!tpu.dma_semaphore, #tpu.memory_space<semaphore_mem>>
      %dma_start3A_132 = arith.constant 0 : i32
      %dma_start3A_133 = tpu.memref_slice %arg6[%add3A_25, %dma_start3A_132] : memref<10240x128xf32, #tpu.memory_space<vmem_shared>> -> memref<128x128xf32, #tpu.memory_space<vmem_shared>>
      %dma_start3A_134 = arith.constant 0 : i32
      %dma_start3A_135 = tpu.memref_slice %arg6[%add3A_25, %dma_start3A_134] : memref<10240x128xf32, #tpu.memory_space<vmem_shared>> -> memref<128x128xf32, #tpu.memory_space<vmem_shared>>
      tpu.enqueue_dma source(%arg5 : memref<128x128xf32, #tpu.memory_space<vmem>>) target(%dma_start3A_135 : memref<128x128xf32, #tpu.memory_space<vmem_shared>>) target_semaphore(%run_scoped3A : memref<!tpu.dma_semaphore, #tpu.memory_space<semaphore_mem>>)
      %dma_wait3A_136 = arith.constant 0 : i32
      %dma_wait3A_137 = tpu.memref_slice %arg6[%add3A_25, %dma_wait3A_136] : memref<10240x128xf32, #tpu.memory_space<vmem_shared>> -> memref<128x128xf32, #tpu.memory_space<vmem_shared>>
      %dma_wait3A_138 = arith.constant 0 : i32
      %dma_wait3A_139 = tpu.memref_slice %arg6[%add3A_25, %dma_wait3A_138] : memref<10240x128xf32, #tpu.memory_space<vmem_shared>> -> memref<128x128xf32, #tpu.memory_space<vmem_shared>>
      tpu.wait_dma2 semaphore(%run_scoped3A : memref<!tpu.dma_semaphore, #tpu.memory_space<semaphore_mem>>) src(%arg5 : memref<128x128xf32, #tpu.memory_space<vmem>>) dst(%dma_wait3A_139 : memref<128x128xf32, #tpu.memory_space<vmem_shared>>)
      tpu.yield
    }) : () -> ()
    %mul3A_26 = arith.constant 640 : i32
    %mul3A_27 = arith.muli %arg1, %mul3A_26 : i32
    %add3A_28 = arith.constant 384 : i32
    %add3A_29 = arith.addi %mul3A_27, %add3A_28 : i32
    "tpu.region"() ({
      %run_scoped3A = tpu.sem_alloc : memref<!tpu.dma_semaphore, #tpu.memory_space<semaphore_mem>>
      %dma_start3A_132 = arith.constant 0 : i32
      %dma_start3A_133 = tpu.memref_slice %arg6[%add3A_29, %dma_start3A_132] : memref<10240x128xf32, #tpu.memory_space<vmem_shared>> -> memref<128x128xf32, #tpu.memory_space<vmem_shared>>
      %dma_start3A_134 = arith.constant 0 : i32
      %dma_start3A_135 = tpu.memref_slice %arg6[%add3A_29, %dma_start3A_134] : memref<10240x128xf32, #tpu.memory_space<vmem_shared>> -> memref<128x128xf32, #tpu.memory_space<vmem_shared>>
      tpu.enqueue_dma source(%arg5 : memref<128x128xf32, #tpu.memory_space<vmem>>) target(%dma_start3A_135 : memref<128x128xf32, #tpu.memory_space<vmem_shared>>) target_semaphore(%run_scoped3A : memref<!tpu.dma_semaphore, #tpu.memory_space<semaphore_mem>>)
      %dma_wait3A_136 = arith.constant 0 : i32
      %dma_wait3A_137 = tpu.memref_slice %arg6[%add3A_29, %dma_wait3A_136] : memref<10240x128xf32, #tpu.memory_space<vmem_shared>> -> memref<128x128xf32, #tpu.memory_space<vmem_shared>>
      %dma_wait3A_138 = arith.constant 0 : i32
      %dma_wait3A_139 = tpu.memref_slice %arg6[%add3A_29, %dma_wait3A_138] : memref<10240x128xf32, #tpu.memory_space<vmem_shared>> -> memref<128x128xf32, #tpu.memory_space<vmem_shared>>
      tpu.wait_dma2 semaphore(%run_scoped3A : memref<!tpu.dma_semaphore, #tpu.memory_space<semaphore_mem>>) src(%arg5 : memref<128x128xf32, #tpu.memory_space<vmem>>) dst(%dma_wait3A_139 : memref<128x128xf32, #tpu.memory_space<vmem_shared>>)
      tpu.yield
    }) : () -> ()
    %mul3A_30 = arith.constant 640 : i32
    %mul3A_31 = arith.muli %arg1, %mul3A_30 : i32
    %add3A_32 = arith.constant 512 : i32
    %add3A_33 = arith.addi %mul3A_31, %add3A_32 : i32
    "tpu.region"() ({
      %run_scoped3A = tpu.sem_alloc : memref<!tpu.dma_semaphore, #tpu.memory_space<semaphore_mem>>
      %dma_start3A_132 = arith.constant 0 : i32
      %dma_start3A_133 = tpu.memref_slice %arg6[%add3A_33, %dma_start3A_132] : memref<10240x128xf32, #tpu.memory_space<vmem_shared>> -> memref<128x128xf32, #tpu.memory_space<vmem_shared>>
      %dma_start3A_134 = arith.constant 0 : i32
      %dma_start3A_135 = tpu.memref_slice %arg6[%add3A_33, %dma_start3A_134] : memref<10240x128xf32, #tpu.memory_space<vmem_shared>> -> memref<128x128xf32, #tpu.memory_space<vmem_shared>>
      tpu.enqueue_dma source(%arg5 : memref<128x128xf32, #tpu.memory_space<vmem>>) target(%dma_start3A_135 : memref<128x128xf32, #tpu.memory_space<vmem_shared>>) target_semaphore(%run_scoped3A : memref<!tpu.dma_semaphore, #tpu.memory_space<semaphore_mem>>)
      %dma_wait3A_136 = arith.constant 0 : i32
      %dma_wait3A_137 = tpu.memref_slice %arg6[%add3A_33, %dma_wait3A_136] : memref<10240x128xf32, #tpu.memory_space<vmem_shared>> -> memref<128x128xf32, #tpu.memory_space<vmem_shared>>
      %dma_wait3A_138 = arith.constant 0 : i32
      %dma_wait3A_139 = tpu.memref_slice %arg6[%add3A_33, %dma_wait3A_138] : memref<10240x128xf32, #tpu.memory_space<vmem_shared>> -> memref<128x128xf32, #tpu.memory_space<vmem_shared>>
      tpu.wait_dma2 semaphore(%run_scoped3A : memref<!tpu.dma_semaphore, #tpu.memory_space<semaphore_mem>>) src(%arg5 : memref<128x128xf32, #tpu.memory_space<vmem>>) dst(%dma_wait3A_139 : memref<128x128xf32, #tpu.memory_space<vmem_shared>>)
      tpu.yield
    }) : () -> ()
    %dma_wait3A = arith.constant 0 : i32
    %dma_wait3A_34 = arith.constant 0 : i32
    %dma_wait3A_35 = tpu.memref_slice %arg2[%add3A, %dma_wait3A, %dma_wait3A_34] : memref<32x79x128xi32, #tpu.memory_space<hbm>> -> memref<1x79x128xi32, #tpu.memory_space<hbm>>
    %dma_wait3A_36 = tpu.memref_squeeze %dma_wait3A_35 : memref<1x79x128xi32, #tpu.memory_space<hbm>> -> memref<79x128xi32, #tpu.memory_space<hbm>>
    %dma_wait3A_37 = arith.constant 0 : i32
    %dma_wait3A_38 = arith.constant 0 : i32
    %dma_wait3A_39 = tpu.memref_slice %arg2[%add3A, %dma_wait3A_37, %dma_wait3A_38] : memref<32x79x128xi32, #tpu.memory_space<hbm>> -> memref<1x79x128xi32, #tpu.memory_space<hbm>>
    %dma_wait3A_40 = tpu.memref_squeeze %dma_wait3A_39 : memref<1x79x128xi32, #tpu.memory_space<hbm>> -> memref<79x128xi32, #tpu.memory_space<hbm>>
    tpu.wait_dma2 semaphore(%arg7 : memref<!tpu.dma_semaphore, #tpu.memory_space<semaphore_mem>>) src(%dma_wait3A_40 : memref<79x128xi32, #tpu.memory_space<hbm>>) dst(%arg4 : memref<79x128xi32, #tpu.memory_space<vmem>>)
    %barrier3A = arith.constant 0 : index
    tpu.barrier barrier_id(%barrier3A)
    %scan3A_41 = arith.constant 0 : i32
    %scan3A_42 = arith.constant 0 : i32
    %scan3A_43 = arith.constant 128 : i32
    %scan3A_44 = arith.addi %scan3A_42, %scan3A_43 : i32
    %scan3A_45 = arith.constant 1 : i32
    %scan3A_46 = scf.for %scan3A_132 = %scan3A_42 to %scan3A_44 step %scan3A_45 iter_args(%scan3A_133 = %scan3A_41) -> (i32)  : i32 {
      %broadcast_in_dim3A = arith.constant 1.000000e+00 : f32
      %broadcast_in_dim3A_134 = vector.broadcast %broadcast_in_dim3A : f32 to vector<16xf32>
      %swap3A = arith.index_cast %scan3A_132 : i32 to index
      %swap3A_135 = arith.constant 0 : index
      %swap3A_136 = tpu.vector_load %arg5[%swap3A, %swap3A_135] {strides = array<i32>} : memref<128x128xf32, #tpu.memory_space<vmem>>, vector<1x16xf32>,
      %swap3A_137 = vector.shape_cast %swap3A_136 : vector<1x16xf32> to vector<16xf32>
      %swap3A_138 = vector.shape_cast %broadcast_in_dim3A_134 : vector<16xf32> to vector<1x16xf32>
      tpu.vector_store %arg5[%swap3A, %swap3A_135], %swap3A_138 {strides = array<i32>} : memref<128x128xf32, #tpu.memory_space<vmem>>, vector<1x16xf32>,
      %broadcast_in_dim3A_139 = arith.constant 1.000000e+00 : f32
      %broadcast_in_dim3A_140 = vector.broadcast %broadcast_in_dim3A_139 : f32 to vector<16xf32>
      %swap3A_141 = arith.index_cast %scan3A_132 : i32 to index
      %swap3A_142 = arith.constant 16 : index
      %swap3A_143 = tpu.vector_load %arg5[%swap3A_141, %swap3A_142] {strides = array<i32>} : memref<128x128xf32, #tpu.memory_space<vmem>>, vector<1x16xf32>,
      %swap3A_144 = vector.shape_cast %swap3A_143 : vector<1x16xf32> to vector<16xf32>
      %swap3A_145 = vector.shape_cast %broadcast_in_dim3A_140 : vector<16xf32> to vector<1x16xf32>
      tpu.vector_store %arg5[%swap3A_141, %swap3A_142], %swap3A_145 {strides = array<i32>} : memref<128x128xf32, #tpu.memory_space<vmem>>, vector<1x16xf32>,
      %broadcast_in_dim3A_146 = arith.constant 1.000000e+00 : f32
      %broadcast_in_dim3A_147 = vector.broadcast %broadcast_in_dim3A_146 : f32 to vector<16xf32>
      %swap3A_148 = arith.index_cast %scan3A_132 : i32 to index
      %swap3A_149 = arith.constant 32 : index
      %swap3A_150 = tpu.vector_load %arg5[%swap3A_148, %swap3A_149] {strides = array<i32>} : memref<128x128xf32, #tpu.memory_space<vmem>>, vector<1x16xf32>,
      %swap3A_151 = vector.shape_cast %swap3A_150 : vector<1x16xf32> to vector<16xf32>
      %swap3A_152 = vector.shape_cast %broadcast_in_dim3A_147 : vector<16xf32> to vector<1x16xf32>
      tpu.vector_store %arg5[%swap3A_148, %swap3A_149], %swap3A_152 {strides = array<i32>} : memref<128x128xf32, #tpu.memory_space<vmem>>, vector<1x16xf32>,
      %broadcast_in_dim3A_153 = arith.constant 1.000000e+00 : f32
      %broadcast_in_dim3A_154 = vector.broadcast %broadcast_in_dim3A_153 : f32 to vector<16xf32>
      %swap3A_155 = arith.index_cast %scan3A_132 : i32 to index
      %swap3A_156 = arith.constant 48 : index
      %swap3A_157 = tpu.vector_load %arg5[%swap3A_155, %swap3A_156] {strides = array<i32>} : memref<128x128xf32, #tpu.memory_space<vmem>>, vector<1x16xf32>,
      %swap3A_158 = vector.shape_cast %swap3A_157 : vector<1x16xf32> to vector<16xf32>
      %swap3A_159 = vector.shape_cast %broadcast_in_dim3A_154 : vector<16xf32> to vector<1x16xf32>
      tpu.vector_store %arg5[%swap3A_155, %swap3A_156], %swap3A_159 {strides = array<i32>} : memref<128x128xf32, #tpu.memory_space<vmem>>, vector<1x16xf32>,
      %broadcast_in_dim3A_160 = arith.constant 1.000000e+00 : f32
      %broadcast_in_dim3A_161 = vector.broadcast %broadcast_in_dim3A_160 : f32 to vector<16xf32>
      %swap3A_162 = arith.index_cast %scan3A_132 : i32 to index
      %swap3A_163 = arith.constant 64 : index
      %swap3A_164 = tpu.vector_load %arg5[%swap3A_162, %swap3A_163] {strides = array<i32>} : memref<128x128xf32, #tpu.memory_space<vmem>>, vector<1x16xf32>,
      %swap3A_165 = vector.shape_cast %swap3A_164 : vector<1x16xf32> to vector<16xf32>
      %swap3A_166 = vector.shape_cast %broadcast_in_dim3A_161 : vector<16xf32> to vector<1x16xf32>
      tpu.vector_store %arg5[%swap3A_162, %swap3A_163], %swap3A_166 {strides = array<i32>} : memref<128x128xf32, #tpu.memory_space<vmem>>, vector<1x16xf32>,
      %broadcast_in_dim3A_167 = arith.constant 1.000000e+00 : f32
      %broadcast_in_dim3A_168 = vector.broadcast %broadcast_in_dim3A_167 : f32 to vector<16xf32>
      %swap3A_169 = arith.index_cast %scan3A_132 : i32 to index
      %swap3A_170 = arith.constant 80 : index
      %swap3A_171 = tpu.vector_load %arg5[%swap3A_169, %swap3A_170] {strides = array<i32>} : memref<128x128xf32, #tpu.memory_space<vmem>>, vector<1x16xf32>,
      %swap3A_172 = vector.shape_cast %swap3A_171 : vector<1x16xf32> to vector<16xf32>
      %swap3A_173 = vector.shape_cast %broadcast_in_dim3A_168 : vector<16xf32> to vector<1x16xf32>
      tpu.vector_store %arg5[%swap3A_169, %swap3A_170], %swap3A_173 {strides = array<i32>} : memref<128x128xf32, #tpu.memory_space<vmem>>, vector<1x16xf32>,
      %broadcast_in_dim3A_174 = arith.constant 1.000000e+00 : f32
      %broadcast_in_dim3A_175 = vector.broadcast %broadcast_in_dim3A_174 : f32 to vector<16xf32>
      %swap3A_176 = arith.index_cast %scan3A_132 : i32 to index
      %swap3A_177 = arith.constant 96 : index
      %swap3A_178 = tpu.vector_load %arg5[%swap3A_176, %swap3A_177] {strides = array<i32>} : memref<128x128xf32, #tpu.memory_space<vmem>>, vector<1x16xf32>,
      %swap3A_179 = vector.shape_cast %swap3A_178 : vector<1x16xf32> to vector<16xf32>
      %swap3A_180 = vector.shape_cast %broadcast_in_dim3A_175 : vector<16xf32> to vector<1x16xf32>
      tpu.vector_store %arg5[%swap3A_176, %swap3A_177], %swap3A_180 {strides = array<i32>} : memref<128x128xf32, #tpu.memory_space<vmem>>, vector<1x16xf32>,
      %broadcast_in_dim3A_181 = arith.constant 1.000000e+00 : f32
      %broadcast_in_dim3A_182 = vector.broadcast %broadcast_in_dim3A_181 : f32 to vector<16xf32>
      %swap3A_183 = arith.index_cast %scan3A_132 : i32 to index
      %swap3A_184 = arith.constant 112 : index
      %swap3A_185 = tpu.vector_load %arg5[%swap3A_183, %swap3A_184] {strides = array<i32>} : memref<128x128xf32, #tpu.memory_space<vmem>>, vector<1x16xf32>,
      %swap3A_186 = vector.shape_cast %swap3A_185 : vector<1x16xf32> to vector<16xf32>
      %swap3A_187 = vector.shape_cast %broadcast_in_dim3A_182 : vector<16xf32> to vector<1x16xf32>
      tpu.vector_store %arg5[%swap3A_183, %swap3A_184], %swap3A_187 {strides = array<i32>} : memref<128x128xf32, #tpu.memory_space<vmem>>, vector<1x16xf32>,
      %scan3A_188 = arith.constant 0 : i32
      scf.yield %scan3A_188 : i32
    }
    %scan3A_47 = arith.constant 128 : i32
    %dma_start3A_48 = arith.constant 0 : i32
    %dma_start3A_49 = arith.constant 0 : i32
    %dma_start3A_50 = tpu.memref_slice %arg4[%dma_start3A_48, %dma_start3A_49] : memref<79x128xi32, #tpu.memory_space<vmem>> -> memref<1x128xi32, #tpu.memory_space<vmem>>
    %dma_start3A_51 = tpu.memref_squeeze %dma_start3A_50 : memref<1x128xi32, #tpu.memory_space<vmem>> -> memref<128xi32, #tpu.memory_space<vmem>>
    %dma_start3A_52 = arith.constant 0 : i32
    %dma_start3A_53 = arith.constant 0 : i32
    %dma_start3A_54 = tpu.memref_slice %arg6[%dma_start3A_52, %dma_start3A_53] : memref<10240x128xf32, #tpu.memory_space<vmem_shared>> -> memref<10240x128xf32, #tpu.memory_space<vmem_shared>>
    tpu.enqueue_indirect_dma source(%arg5 : memref<128x128xf32, #tpu.memory_space<vmem>>) target(%dma_start3A_54 : memref<10240x128xf32, #tpu.memory_space<vmem_shared>>) offsets(%dma_start3A_51 : memref<128xi32, #tpu.memory_space<vmem>>) semaphore(%arg8 : memref<!tpu.dma_semaphore, #tpu.memory_space<semaphore_mem>>) {add = true}
    %dma_start3A_55 = arith.constant 1 : i32
    %dma_start3A_56 = arith.constant 0 : i32
    %dma_start3A_57 = tpu.memref_slice %arg4[%dma_start3A_55, %dma_start3A_56] : memref<79x128xi32, #tpu.memory_space<vmem>> -> memref<1x128xi32, #tpu.memory_space<vmem>>
    %dma_start3A_58 = tpu.memref_squeeze %dma_start3A_57 : memref<1x128xi32, #tpu.memory_space<vmem>> -> memref<128xi32, #tpu.memory_space<vmem>>
    %dma_start3A_59 = arith.constant 0 : i32
    %dma_start3A_60 = arith.constant 0 : i32
    %dma_start3A_61 = tpu.memref_slice %arg6[%dma_start3A_59, %dma_start3A_60] : memref<10240x128xf32, #tpu.memory_space<vmem_shared>> -> memref<10240x128xf32, #tpu.memory_space<vmem_shared>>
    tpu.enqueue_indirect_dma source(%arg5 : memref<128x128xf32, #tpu.memory_space<vmem>>) target(%dma_start3A_61 : memref<10240x128xf32, #tpu.memory_space<vmem_shared>>) offsets(%dma_start3A_58 : memref<128xi32, #tpu.memory_space<vmem>>) semaphore(%arg8 : memref<!tpu.dma_semaphore, #tpu.memory_space<semaphore_mem>>) {add = true}
    %dma_start3A_62 = arith.constant 2 : i32
    %dma_start3A_63 = arith.constant 0 : i32
    %dma_start3A_64 = tpu.memref_slice %arg4[%dma_start3A_62, %dma_start3A_63] : memref<79x128xi32, #tpu.memory_space<vmem>> -> memref<1x128xi32, #tpu.memory_space<vmem>>
    %dma_start3A_65 = tpu.memref_squeeze %dma_start3A_64 : memref<1x128xi32, #tpu.memory_space<vmem>> -> memref<128xi32, #tpu.memory_space<vmem>>
    %dma_start3A_66 = arith.constant 0 : i32
    %dma_start3A_67 = arith.constant 0 : i32
    %dma_start3A_68 = tpu.memref_slice %arg6[%dma_start3A_66, %dma_start3A_67] : memref<10240x128xf32, #tpu.memory_space<vmem_shared>> -> memref<10240x128xf32, #tpu.memory_space<vmem_shared>>
    tpu.enqueue_indirect_dma source(%arg5 : memref<128x128xf32, #tpu.memory_space<vmem>>) target(%dma_start3A_68 : memref<10240x128xf32, #tpu.memory_space<vmem_shared>>) offsets(%dma_start3A_65 : memref<128xi32, #tpu.memory_space<vmem>>) semaphore(%arg8 : memref<!tpu.dma_semaphore, #tpu.memory_space<semaphore_mem>>) {add = true}
    %dma_start3A_69 = arith.constant 3 : i32
    %dma_start3A_70 = arith.constant 0 : i32
    %dma_start3A_71 = tpu.memref_slice %arg4[%dma_start3A_69, %dma_start3A_70] : memref<79x128xi32, #tpu.memory_space<vmem>> -> memref<1x128xi32, #tpu.memory_space<vmem>>
    %dma_start3A_72 = tpu.memref_squeeze %dma_start3A_71 : memref<1x128xi32, #tpu.memory_space<vmem>> -> memref<128xi32, #tpu.memory_space<vmem>>
    %dma_start3A_73 = arith.constant 0 : i32
    %dma_start3A_74 = arith.constant 0 : i32
    %dma_start3A_75 = tpu.memref_slice %arg6[%dma_start3A_73, %dma_start3A_74] : memref<10240x128xf32, #tpu.memory_space<vmem_shared>> -> memref<10240x128xf32, #tpu.memory_space<vmem_shared>>
    tpu.enqueue_indirect_dma source(%arg5 : memref<128x128xf32, #tpu.memory_space<vmem>>) target(%dma_start3A_75 : memref<10240x128xf32, #tpu.memory_space<vmem_shared>>) offsets(%dma_start3A_72 : memref<128xi32, #tpu.memory_space<vmem>>) semaphore(%arg8 : memref<!tpu.dma_semaphore, #tpu.memory_space<semaphore_mem>>) {add = true}
    %scan3A_76 = arith.constant 0 : i32
    %scan3A_77 = arith.constant 0 : i32
    %scan3A_78 = arith.constant 75 : i32
    %scan3A_79 = arith.addi %scan3A_77, %scan3A_78 : i32
    %scan3A_80 = arith.constant 1 : i32
    %scan3A_81 = scf.for %scan3A_132 = %scan3A_77 to %scan3A_79 step %scan3A_80 iter_args(%scan3A_133 = %scan3A_76) -> (i32)  : i32 {
      %dma_wait3A_134 = arith.constant 0 : i32
      %dma_wait3A_135 = arith.constant 0 : i32
      %dma_wait3A_136 = tpu.memref_slice %arg4[%dma_wait3A_134, %dma_wait3A_135] : memref<79x128xi32, #tpu.memory_space<vmem>> -> memref<1x128xi32, #tpu.memory_space<vmem>>
      %dma_wait3A_137 = tpu.memref_squeeze %dma_wait3A_136 : memref<1x128xi32, #tpu.memory_space<vmem>> -> memref<128xi32, #tpu.memory_space<vmem>>
      %dma_wait3A_138 = arith.constant 0 : i32
      %dma_wait3A_139 = arith.constant 0 : i32
      %dma_wait3A_140 = tpu.memref_slice %arg6[%dma_wait3A_138, %dma_wait3A_139] : memref<10240x128xf32, #tpu.memory_space<vmem_shared>> -> memref<10240x128xf32, #tpu.memory_space<vmem_shared>>
      tpu.wait_indirect_dma semaphore(%arg8 : memref<!tpu.dma_semaphore, #tpu.memory_space<semaphore_mem>>) src(%arg5 : memref<128x128xf32, #tpu.memory_space<vmem>>) dst(%dma_wait3A_140 : memref<10240x128xf32, #tpu.memory_space<vmem_shared>>)
      %add3A_141 = arith.constant 4 : i32
      %add3A_142 = arith.addi %scan3A_132, %add3A_141 : i32
      %dma_start3A_143 = arith.constant 0 : i32
      %dma_start3A_144 = tpu.memref_slice %arg4[%add3A_142, %dma_start3A_143] : memref<79x128xi32, #tpu.memory_space<vmem>> -> memref<1x128xi32, #tpu.memory_space<vmem>>
      %dma_start3A_145 = tpu.memref_squeeze %dma_start3A_144 : memref<1x128xi32, #tpu.memory_space<vmem>> -> memref<128xi32, #tpu.memory_space<vmem>>
      %dma_start3A_146 = arith.constant 0 : i32
      %dma_start3A_147 = arith.constant 0 : i32
      %dma_start3A_148 = tpu.memref_slice %arg6[%dma_start3A_146, %dma_start3A_147] : memref<10240x128xf32, #tpu.memory_space<vmem_shared>> -> memref<10240x128xf32, #tpu.memory_space<vmem_shared>>
      tpu.enqueue_indirect_dma source(%arg5 : memref<128x128xf32, #tpu.memory_space<vmem>>) target(%dma_start3A_148 : memref<10240x128xf32, #tpu.memory_space<vmem_shared>>) offsets(%dma_start3A_145 : memref<128xi32, #tpu.memory_space<vmem>>) semaphore(%arg8 : memref<!tpu.dma_semaphore, #tpu.memory_space<semaphore_mem>>) {add = true}
      %scan3A_149 = arith.constant 0 : i32
      scf.yield %scan3A_149 : i32
    }
    %scan3A_82 = arith.constant 75 : i32
    %dma_wait3A_83 = arith.constant 0 : i32
    %dma_wait3A_84 = arith.constant 0 : i32
    %dma_wait3A_85 = tpu.memref_slice %arg4[%dma_wait3A_83, %dma_wait3A_84] : memref<79x128xi32, #tpu.memory_space<vmem>> -> memref<1x128xi32, #tpu.memory_space<vmem>>
    %dma_wait3A_86 = tpu.memref_squeeze %dma_wait3A_85 : memref<1x128xi32, #tpu.memory_space<vmem>> -> memref<128xi32, #tpu.memory_space<vmem>>
    %dma_wait3A_87 = arith.constant 0 : i32
    %dma_wait3A_88 = arith.constant 0 : i32
    %dma_wait3A_89 = tpu.memref_slice %arg6[%dma_wait3A_87, %dma_wait3A_88] : memref<10240x128xf32, #tpu.memory_space<vmem_shared>> -> memref<10240x128xf32, #tpu.memory_space<vmem_shared>>
    tpu.wait_indirect_dma semaphore(%arg8 : memref<!tpu.dma_semaphore, #tpu.memory_space<semaphore_mem>>) src(%arg5 : memref<128x128xf32, #tpu.memory_space<vmem>>) dst(%dma_wait3A_89 : memref<10240x128xf32, #tpu.memory_space<vmem_shared>>)
    %dma_wait3A_90 = arith.constant 0 : i32
    %dma_wait3A_91 = arith.constant 0 : i32
    %dma_wait3A_92 = tpu.memref_slice %arg4[%dma_wait3A_90, %dma_wait3A_91] : memref<79x128xi32, #tpu.memory_space<vmem>> -> memref<1x128xi32, #tpu.memory_space<vmem>>
    %dma_wait3A_93 = tpu.memref_squeeze %dma_wait3A_92 : memref<1x128xi32, #tpu.memory_space<vmem>> -> memref<128xi32, #tpu.memory_space<vmem>>
    %dma_wait3A_94 = arith.constant 0 : i32
    %dma_wait3A_95 = arith.constant 0 : i32
    %dma_wait3A_96 = tpu.memref_slice %arg6[%dma_wait3A_94, %dma_wait3A_95] : memref<10240x128xf32, #tpu.memory_space<vmem_shared>> -> memref<10240x128xf32, #tpu.memory_space<vmem_shared>>
    tpu.wait_indirect_dma semaphore(%arg8 : memref<!tpu.dma_semaphore, #tpu.memory_space<semaphore_mem>>) src(%arg5 : memref<128x128xf32, #tpu.memory_space<vmem>>) dst(%dma_wait3A_96 : memref<10240x128xf32, #tpu.memory_space<vmem_shared>>)
    %dma_wait3A_97 = arith.constant 0 : i32
    %dma_wait3A_98 = arith.constant 0 : i32
    %dma_wait3A_99 = tpu.memref_slice %arg4[%dma_wait3A_97, %dma_wait3A_98] : memref<79x128xi32, #tpu.memory_space<vmem>> -> memref<1x128xi32, #tpu.memory_space<vmem>>
    %dma_wait3A_100 = tpu.memref_squeeze %dma_wait3A_99 : memref<1x128xi32, #tpu.memory_space<vmem>> -> memref<128xi32, #tpu.memory_space<vmem>>
    %dma_wait3A_101 = arith.constant 0 : i32
    %dma_wait3A_102 = arith.constant 0 : i32
    %dma_wait3A_103 = tpu.memref_slice %arg6[%dma_wait3A_101, %dma_wait3A_102] : memref<10240x128xf32, #tpu.memory_space<vmem_shared>> -> memref<10240x128xf32, #tpu.memory_space<vmem_shared>>
    tpu.wait_indirect_dma semaphore(%arg8 : memref<!tpu.dma_semaphore, #tpu.memory_space<semaphore_mem>>) src(%arg5 : memref<128x128xf32, #tpu.memory_space<vmem>>) dst(%dma_wait3A_103 : memref<10240x128xf32, #tpu.memory_space<vmem_shared>>)
    %dma_wait3A_104 = arith.constant 0 : i32
    %dma_wait3A_105 = arith.constant 0 : i32
    %dma_wait3A_106 = tpu.memref_slice %arg4[%dma_wait3A_104, %dma_wait3A_105] : memref<79x128xi32, #tpu.memory_space<vmem>> -> memref<1x128xi32, #tpu.memory_space<vmem>>
    %dma_wait3A_107 = tpu.memref_squeeze %dma_wait3A_106 : memref<1x128xi32, #tpu.memory_space<vmem>> -> memref<128xi32, #tpu.memory_space<vmem>>
    %dma_wait3A_108 = arith.constant 0 : i32
    %dma_wait3A_109 = arith.constant 0 : i32
    %dma_wait3A_110 = tpu.memref_slice %arg6[%dma_wait3A_108, %dma_wait3A_109] : memref<10240x128xf32, #tpu.memory_space<vmem_shared>> -> memref<10240x128xf32, #tpu.memory_space<vmem_shared>>
    tpu.wait_indirect_dma semaphore(%arg8 : memref<!tpu.dma_semaphore, #tpu.memory_space<semaphore_mem>>) src(%arg5 : memref<128x128xf32, #tpu.memory_space<vmem>>) dst(%dma_wait3A_110 : memref<10240x128xf32, #tpu.memory_space<vmem_shared>>)
    %barrier3A_111 = arith.constant 0 : index
    tpu.barrier barrier_id(%barrier3A_111)
    %mul3A_112 = arith.constant 640 : i32
    %mul3A_113 = arith.muli %arg1, %mul3A_112 : i32
    %add3A_114 = arith.constant 0 : i32
    %add3A_115 = arith.addi %mul3A_113, %add3A_114 : i32
    "tpu.region"() ({
      %run_scoped3A = tpu.sem_alloc : memref<!tpu.dma_semaphore, #tpu.memory_space<semaphore_mem>>
      %dma_start3A_132 = arith.constant 0 : i32
      %dma_start3A_133 = tpu.memref_slice %arg6[%add3A_115, %dma_start3A_132] : memref<10240x128xf32, #tpu.memory_space<vmem_shared>> -> memref<128x128xf32, #tpu.memory_space<vmem_shared>>
      %dma_start3A_134 = arith.constant 0 : i32
      %dma_start3A_135 = tpu.memref_slice %arg6[%add3A_115, %dma_start3A_134] : memref<10240x128xf32, #tpu.memory_space<vmem_shared>> -> memref<128x128xf32, #tpu.memory_space<vmem_shared>>
      tpu.enqueue_dma source(%dma_start3A_135 : memref<128x128xf32, #tpu.memory_space<vmem_shared>>) target(%arg5 : memref<128x128xf32, #tpu.memory_space<vmem>>) target_semaphore(%run_scoped3A : memref<!tpu.dma_semaphore, #tpu.memory_space<semaphore_mem>>)
      %dma_wait3A_136 = arith.constant 0 : i32
      %dma_wait3A_137 = tpu.memref_slice %arg6[%add3A_115, %dma_wait3A_136] : memref<10240x128xf32, #tpu.memory_space<vmem_shared>> -> memref<128x128xf32, #tpu.memory_space<vmem_shared>>
      %dma_wait3A_138 = arith.constant 0 : i32
      %dma_wait3A_139 = tpu.memref_slice %arg6[%add3A_115, %dma_wait3A_138] : memref<10240x128xf32, #tpu.memory_space<vmem_shared>> -> memref<128x128xf32, #tpu.memory_space<vmem_shared>>
      tpu.wait_dma2 semaphore(%run_scoped3A : memref<!tpu.dma_semaphore, #tpu.memory_space<semaphore_mem>>) src(%dma_wait3A_139 : memref<128x128xf32, #tpu.memory_space<vmem_shared>>) dst(%arg5 : memref<128x128xf32, #tpu.memory_space<vmem>>)
      tpu.yield
    }) : () -> ()
    "tpu.region"() ({
      %run_scoped3A = tpu.sem_alloc : memref<!tpu.dma_semaphore, #tpu.memory_space<semaphore_mem>>
      %dma_start3A_132 = arith.constant 0 : i32
      %dma_start3A_133 = tpu.memref_slice %arg3[%arg0, %add3A_115, %dma_start3A_132] : memref<2x10240x128xf32, #tpu.memory_space<hbm>> -> memref<1x128x128xf32, #tpu.memory_space<hbm>>
      %dma_start3A_134 = tpu.memref_squeeze %dma_start3A_133 : memref<1x128x128xf32, #tpu.memory_space<hbm>> -> memref<128x128xf32, #tpu.memory_space<hbm>>
      %dma_start3A_135 = arith.constant 0 : i32
      %dma_start3A_136 = tpu.memref_slice %arg3[%arg0, %add3A_115, %dma_start3A_135] : memref<2x10240x128xf32, #tpu.memory_space<hbm>> -> memref<1x128x128xf32, #tpu.memory_space<hbm>>
      %dma_start3A_137 = tpu.memref_squeeze %dma_start3A_136 : memref<1x128x128xf32, #tpu.memory_space<hbm>> -> memref<128x128xf32, #tpu.memory_space<hbm>>
      tpu.enqueue_dma source(%arg5 : memref<128x128xf32, #tpu.memory_space<vmem>>) target(%dma_start3A_137 : memref<128x128xf32, #tpu.memory_space<hbm>>) target_semaphore(%run_scoped3A : memref<!tpu.dma_semaphore, #tpu.memory_space<semaphore_mem>>)
      %dma_wait3A_138 = arith.constant 0 : i32
      %dma_wait3A_139 = tpu.memref_slice %arg3[%arg0, %add3A_115, %dma_wait3A_138] : memref<2x10240x128xf32, #tpu.memory_space<hbm>> -> memref<1x128x128xf32, #tpu.memory_space<hbm>>
      %dma_wait3A_140 = tpu.memref_squeeze %dma_wait3A_139 : memref<1x128x128xf32, #tpu.memory_space<hbm>> -> memref<128x128xf32, #tpu.memory_space<hbm>>
      %dma_wait3A_141 = arith.constant 0 : i32
      %dma_wait3A_142 = tpu.memref_slice %arg3[%arg0, %add3A_115, %dma_wait3A_141] : memref<2x10240x128xf32, #tpu.memory_space<hbm>> -> memref<1x128x128xf32, #tpu.memory_space<hbm>>
      %dma_wait3A_143 = tpu.memref_squeeze %dma_wait3A_142 : memref<1x128x128xf32, #tpu.memory_space<hbm>> -> memref<128x128xf32, #tpu.memory_space<hbm>>
      tpu.wait_dma2 semaphore(%run_scoped3A : memref<!tpu.dma_semaphore, #tpu.memory_space<semaphore_mem>>) src(%arg5 : memref<128x128xf32, #tpu.memory_space<vmem>>) dst(%dma_wait3A_143 : memref<128x128xf32, #tpu.memory_space<hbm>>)
      tpu.yield
    }) : () -> ()
    %mul3A_116 = arith.constant 640 : i32
    %mul3A_117 = arith.muli %arg1, %mul3A_116 : i32
    %add3A_118 = arith.constant 128 : i32
    %add3A_119 = arith.addi %mul3A_117, %add3A_118 : i32
    "tpu.region"() ({
      %run_scoped3A = tpu.sem_alloc : memref<!tpu.dma_semaphore, #tpu.memory_space<semaphore_mem>>
      %dma_start3A_132 = arith.constant 0 : i32
      %dma_start3A_133 = tpu.memref_slice %arg6[%add3A_119, %dma_start3A_132] : memref<10240x128xf32, #tpu.memory_space<vmem_shared>> -> memref<128x128xf32, #tpu.memory_space<vmem_shared>>
      %dma_start3A_134 = arith.constant 0 : i32
      %dma_start3A_135 = tpu.memref_slice %arg6[%add3A_119, %dma_start3A_134] : memref<10240x128xf32, #tpu.memory_space<vmem_shared>> -> memref<128x128xf32, #tpu.memory_space<vmem_shared>>
      tpu.enqueue_dma source(%dma_start3A_135 : memref<128x128xf32, #tpu.memory_space<vmem_shared>>) target(%arg5 : memref<128x128xf32, #tpu.memory_space<vmem>>) target_semaphore(%run_scoped3A : memref<!tpu.dma_semaphore, #tpu.memory_space<semaphore_mem>>)
      %dma_wait3A_136 = arith.constant 0 : i32
      %dma_wait3A_137 = tpu.memref_slice %arg6[%add3A_119, %dma_wait3A_136] : memref<10240x128xf32, #tpu.memory_space<vmem_shared>> -> memref<128x128xf32, #tpu.memory_space<vmem_shared>>
      %dma_wait3A_138 = arith.constant 0 : i32
      %dma_wait3A_139 = tpu.memref_slice %arg6[%add3A_119, %dma_wait3A_138] : memref<10240x128xf32, #tpu.memory_space<vmem_shared>> -> memref<128x128xf32, #tpu.memory_space<vmem_shared>>
      tpu.wait_dma2 semaphore(%run_scoped3A : memref<!tpu.dma_semaphore, #tpu.memory_space<semaphore_mem>>) src(%dma_wait3A_139 : memref<128x128xf32, #tpu.memory_space<vmem_shared>>) dst(%arg5 : memref<128x128xf32, #tpu.memory_space<vmem>>)
      tpu.yield
    }) : () -> ()
    "tpu.region"() ({
      %run_scoped3A = tpu.sem_alloc : memref<!tpu.dma_semaphore, #tpu.memory_space<semaphore_mem>>
      %dma_start3A_132 = arith.constant 0 : i32
      %dma_start3A_133 = tpu.memref_slice %arg3[%arg0, %add3A_119, %dma_start3A_132] : memref<2x10240x128xf32, #tpu.memory_space<hbm>> -> memref<1x128x128xf32, #tpu.memory_space<hbm>>
      %dma_start3A_134 = tpu.memref_squeeze %dma_start3A_133 : memref<1x128x128xf32, #tpu.memory_space<hbm>> -> memref<128x128xf32, #tpu.memory_space<hbm>>
      %dma_start3A_135 = arith.constant 0 : i32
      %dma_start3A_136 = tpu.memref_slice %arg3[%arg0, %add3A_119, %dma_start3A_135] : memref<2x10240x128xf32, #tpu.memory_space<hbm>> -> memref<1x128x128xf32, #tpu.memory_space<hbm>>
      %dma_start3A_137 = tpu.memref_squeeze %dma_start3A_136 : memref<1x128x128xf32, #tpu.memory_space<hbm>> -> memref<128x128xf32, #tpu.memory_space<hbm>>
      tpu.enqueue_dma source(%arg5 : memref<128x128xf32, #tpu.memory_space<vmem>>) target(%dma_start3A_137 : memref<128x128xf32, #tpu.memory_space<hbm>>) target_semaphore(%run_scoped3A : memref<!tpu.dma_semaphore, #tpu.memory_space<semaphore_mem>>)
      %dma_wait3A_138 = arith.constant 0 : i32
      %dma_wait3A_139 = tpu.memref_slice %arg3[%arg0, %add3A_119, %dma_wait3A_138] : memref<2x10240x128xf32, #tpu.memory_space<hbm>> -> memref<1x128x128xf32, #tpu.memory_space<hbm>>
      %dma_wait3A_140 = tpu.memref_squeeze %dma_wait3A_139 : memref<1x128x128xf32, #tpu.memory_space<hbm>> -> memref<128x128xf32, #tpu.memory_space<hbm>>
      %dma_wait3A_141 = arith.constant 0 : i32
      %dma_wait3A_142 = tpu.memref_slice %arg3[%arg0, %add3A_119, %dma_wait3A_141] : memref<2x10240x128xf32, #tpu.memory_space<hbm>> -> memref<1x128x128xf32, #tpu.memory_space<hbm>>
      %dma_wait3A_143 = tpu.memref_squeeze %dma_wait3A_142 : memref<1x128x128xf32, #tpu.memory_space<hbm>> -> memref<128x128xf32, #tpu.memory_space<hbm>>
      tpu.wait_dma2 semaphore(%run_scoped3A : memref<!tpu.dma_semaphore, #tpu.memory_space<semaphore_mem>>) src(%arg5 : memref<128x128xf32, #tpu.memory_space<vmem>>) dst(%dma_wait3A_143 : memref<128x128xf32, #tpu.memory_space<hbm>>)
      tpu.yield
    }) : () -> ()
    %mul3A_120 = arith.constant 640 : i32
    %mul3A_121 = arith.muli %arg1, %mul3A_120 : i32
    %add3A_122 = arith.constant 256 : i32
    %add3A_123 = arith.addi %mul3A_121, %add3A_122 : i32
    "tpu.region"() ({
      %run_scoped3A = tpu.sem_alloc : memref<!tpu.dma_semaphore, #tpu.memory_space<semaphore_mem>>
      %dma_start3A_132 = arith.constant 0 : i32
      %dma_start3A_133 = tpu.memref_slice %arg6[%add3A_123, %dma_start3A_132] : memref<10240x128xf32, #tpu.memory_space<vmem_shared>> -> memref<128x128xf32, #tpu.memory_space<vmem_shared>>
      %dma_start3A_134 = arith.constant 0 : i32
      %dma_start3A_135 = tpu.memref_slice %arg6[%add3A_123, %dma_start3A_134] : memref<10240x128xf32, #tpu.memory_space<vmem_shared>> -> memref<128x128xf32, #tpu.memory_space<vmem_shared>>
      tpu.enqueue_dma source(%dma_start3A_135 : memref<128x128xf32, #tpu.memory_space<vmem_shared>>) target(%arg5 : memref<128x128xf32, #tpu.memory_space<vmem>>) target_semaphore(%run_scoped3A : memref<!tpu.dma_semaphore, #tpu.memory_space<semaphore_mem>>)
      %dma_wait3A_136 = arith.constant 0 : i32
      %dma_wait3A_137 = tpu.memref_slice %arg6[%add3A_123, %dma_wait3A_136] : memref<10240x128xf32, #tpu.memory_space<vmem_shared>> -> memref<128x128xf32, #tpu.memory_space<vmem_shared>>
      %dma_wait3A_138 = arith.constant 0 : i32
      %dma_wait3A_139 = tpu.memref_slice %arg6[%add3A_123, %dma_wait3A_138] : memref<10240x128xf32, #tpu.memory_space<vmem_shared>> -> memref<128x128xf32, #tpu.memory_space<vmem_shared>>
      tpu.wait_dma2 semaphore(%run_scoped3A : memref<!tpu.dma_semaphore, #tpu.memory_space<semaphore_mem>>) src(%dma_wait3A_139 : memref<128x128xf32, #tpu.memory_space<vmem_shared>>) dst(%arg5 : memref<128x128xf32, #tpu.memory_space<vmem>>)
      tpu.yield
    }) : () -> ()
    "tpu.region"() ({
      %run_scoped3A = tpu.sem_alloc : memref<!tpu.dma_semaphore, #tpu.memory_space<semaphore_mem>>
      %dma_start3A_132 = arith.constant 0 : i32
      %dma_start3A_133 = tpu.memref_slice %arg3[%arg0, %add3A_123, %dma_start3A_132] : memref<2x10240x128xf32, #tpu.memory_space<hbm>> -> memref<1x128x128xf32, #tpu.memory_space<hbm>>
      %dma_start3A_134 = tpu.memref_squeeze %dma_start3A_133 : memref<1x128x128xf32, #tpu.memory_space<hbm>> -> memref<128x128xf32, #tpu.memory_space<hbm>>
      %dma_start3A_135 = arith.constant 0 : i32
      %dma_start3A_136 = tpu.memref_slice %arg3[%arg0, %add3A_123, %dma_start3A_135] : memref<2x10240x128xf32, #tpu.memory_space<hbm>> -> memref<1x128x128xf32, #tpu.memory_space<hbm>>
      %dma_start3A_137 = tpu.memref_squeeze %dma_start3A_136 : memref<1x128x128xf32, #tpu.memory_space<hbm>> -> memref<128x128xf32, #tpu.memory_space<hbm>>
      tpu.enqueue_dma source(%arg5 : memref<128x128xf32, #tpu.memory_space<vmem>>) target(%dma_start3A_137 : memref<128x128xf32, #tpu.memory_space<hbm>>) target_semaphore(%run_scoped3A : memref<!tpu.dma_semaphore, #tpu.memory_space<semaphore_mem>>)
      %dma_wait3A_138 = arith.constant 0 : i32
      %dma_wait3A_139 = tpu.memref_slice %arg3[%arg0, %add3A_123, %dma_wait3A_138] : memref<2x10240x128xf32, #tpu.memory_space<hbm>> -> memref<1x128x128xf32, #tpu.memory_space<hbm>>
      %dma_wait3A_140 = tpu.memref_squeeze %dma_wait3A_139 : memref<1x128x128xf32, #tpu.memory_space<hbm>> -> memref<128x128xf32, #tpu.memory_space<hbm>>
      %dma_wait3A_141 = arith.constant 0 : i32
      %dma_wait3A_142 = tpu.memref_slice %arg3[%arg0, %add3A_123, %dma_wait3A_141] : memref<2x10240x128xf32, #tpu.memory_space<hbm>> -> memref<1x128x128xf32, #tpu.memory_space<hbm>>
      %dma_wait3A_143 = tpu.memref_squeeze %dma_wait3A_142 : memref<1x128x128xf32, #tpu.memory_space<hbm>> -> memref<128x128xf32, #tpu.memory_space<hbm>>
      tpu.wait_dma2 semaphore(%run_scoped3A : memref<!tpu.dma_semaphore, #tpu.memory_space<semaphore_mem>>) src(%arg5 : memref<128x128xf32, #tpu.memory_space<vmem>>) dst(%dma_wait3A_143 : memref<128x128xf32, #tpu.memory_space<hbm>>)
      tpu.yield
    }) : () -> ()
    %mul3A_124 = arith.constant 640 : i32
    %mul3A_125 = arith.muli %arg1, %mul3A_124 : i32
    %add3A_126 = arith.constant 384 : i32
    %add3A_127 = arith.addi %mul3A_125, %add3A_126 : i32
    "tpu.region"() ({
      %run_scoped3A = tpu.sem_alloc : memref<!tpu.dma_semaphore, #tpu.memory_space<semaphore_mem>>
      %dma_start3A_132 = arith.constant 0 : i32
      %dma_start3A_133 = tpu.memref_slice %arg6[%add3A_127, %dma_start3A_132] : memref<10240x128xf32, #tpu.memory_space<vmem_shared>> -> memref<128x128xf32, #tpu.memory_space<vmem_shared>>
      %dma_start3A_134 = arith.constant 0 : i32
      %dma_start3A_135 = tpu.memref_slice %arg6[%add3A_127, %dma_start3A_134] : memref<10240x128xf32, #tpu.memory_space<vmem_shared>> -> memref<128x128xf32, #tpu.memory_space<vmem_shared>>
      tpu.enqueue_dma source(%dma_start3A_135 : memref<128x128xf32, #tpu.memory_space<vmem_shared>>) target(%arg5 : memref<128x128xf32, #tpu.memory_space<vmem>>) target_semaphore(%run_scoped3A : memref<!tpu.dma_semaphore, #tpu.memory_space<semaphore_mem>>)
      %dma_wait3A_136 = arith.constant 0 : i32
      %dma_wait3A_137 = tpu.memref_slice %arg6[%add3A_127, %dma_wait3A_136] : memref<10240x128xf32, #tpu.memory_space<vmem_shared>> -> memref<128x128xf32, #tpu.memory_space<vmem_shared>>
      %dma_wait3A_138 = arith.constant 0 : i32
      %dma_wait3A_139 = tpu.memref_slice %arg6[%add3A_127, %dma_wait3A_138] : memref<10240x128xf32, #tpu.memory_space<vmem_shared>> -> memref<128x128xf32, #tpu.memory_space<vmem_shared>>
      tpu.wait_dma2 semaphore(%run_scoped3A : memref<!tpu.dma_semaphore, #tpu.memory_space<semaphore_mem>>) src(%dma_wait3A_139 : memref<128x128xf32, #tpu.memory_space<vmem_shared>>) dst(%arg5 : memref<128x128xf32, #tpu.memory_space<vmem>>)
      tpu.yield
    }) : () -> ()
    "tpu.region"() ({
      %run_scoped3A = tpu.sem_alloc : memref<!tpu.dma_semaphore, #tpu.memory_space<semaphore_mem>>
      %dma_start3A_132 = arith.constant 0 : i32
      %dma_start3A_133 = tpu.memref_slice %arg3[%arg0, %add3A_127, %dma_start3A_132] : memref<2x10240x128xf32, #tpu.memory_space<hbm>> -> memref<1x128x128xf32, #tpu.memory_space<hbm>>
      %dma_start3A_134 = tpu.memref_squeeze %dma_start3A_133 : memref<1x128x128xf32, #tpu.memory_space<hbm>> -> memref<128x128xf32, #tpu.memory_space<hbm>>
      %dma_start3A_135 = arith.constant 0 : i32
      %dma_start3A_136 = tpu.memref_slice %arg3[%arg0, %add3A_127, %dma_start3A_135] : memref<2x10240x128xf32, #tpu.memory_space<hbm>> -> memref<1x128x128xf32, #tpu.memory_space<hbm>>
      %dma_start3A_137 = tpu.memref_squeeze %dma_start3A_136 : memref<1x128x128xf32, #tpu.memory_space<hbm>> -> memref<128x128xf32, #tpu.memory_space<hbm>>
      tpu.enqueue_dma source(%arg5 : memref<128x128xf32, #tpu.memory_space<vmem>>) target(%dma_start3A_137 : memref<128x128xf32, #tpu.memory_space<hbm>>) target_semaphore(%run_scoped3A : memref<!tpu.dma_semaphore, #tpu.memory_space<semaphore_mem>>)
      %dma_wait3A_138 = arith.constant 0 : i32
      %dma_wait3A_139 = tpu.memref_slice %arg3[%arg0, %add3A_127, %dma_wait3A_138] : memref<2x10240x128xf32, #tpu.memory_space<hbm>> -> memref<1x128x128xf32, #tpu.memory_space<hbm>>
      %dma_wait3A_140 = tpu.memref_squeeze %dma_wait3A_139 : memref<1x128x128xf32, #tpu.memory_space<hbm>> -> memref<128x128xf32, #tpu.memory_space<hbm>>
      %dma_wait3A_141 = arith.constant 0 : i32
      %dma_wait3A_142 = tpu.memref_slice %arg3[%arg0, %add3A_127, %dma_wait3A_141] : memref<2x10240x128xf32, #tpu.memory_space<hbm>> -> memref<1x128x128xf32, #tpu.memory_space<hbm>>
      %dma_wait3A_143 = tpu.memref_squeeze %dma_wait3A_142 : memref<1x128x128xf32, #tpu.memory_space<hbm>> -> memref<128x128xf32, #tpu.memory_space<hbm>>
      tpu.wait_dma2 semaphore(%run_scoped3A : memref<!tpu.dma_semaphore, #tpu.memory_space<semaphore_mem>>) src(%arg5 : memref<128x128xf32, #tpu.memory_space<vmem>>) dst(%dma_wait3A_143 : memref<128x128xf32, #tpu.memory_space<hbm>>)
      tpu.yield
    }) : () -> ()
    %mul3A_128 = arith.constant 640 : i32
    %mul3A_129 = arith.muli %arg1, %mul3A_128 : i32
    %add3A_130 = arith.constant 512 : i32
    %add3A_131 = arith.addi %mul3A_129, %add3A_130 : i32
    "tpu.region"() ({
      %run_scoped3A = tpu.sem_alloc : memref<!tpu.dma_semaphore, #tpu.memory_space<semaphore_mem>>
      %dma_start3A_132 = arith.constant 0 : i32
      %dma_start3A_133 = tpu.memref_slice %arg6[%add3A_131, %dma_start3A_132] : memref<10240x128xf32, #tpu.memory_space<vmem_shared>> -> memref<128x128xf32, #tpu.memory_space<vmem_shared>>
      %dma_start3A_134 = arith.constant 0 : i32
      %dma_start3A_135 = tpu.memref_slice %arg6[%add3A_131, %dma_start3A_134] : memref<10240x128xf32, #tpu.memory_space<vmem_shared>> -> memref<128x128xf32, #tpu.memory_space<vmem_shared>>
      tpu.enqueue_dma source(%dma_start3A_135 : memref<128x128xf32, #tpu.memory_space<vmem_shared>>) target(%arg5 : memref<128x128xf32, #tpu.memory_space<vmem>>) target_semaphore(%run_scoped3A : memref<!tpu.dma_semaphore, #tpu.memory_space<semaphore_mem>>)
      %dma_wait3A_136 = arith.constant 0 : i32
      %dma_wait3A_137 = tpu.memref_slice %arg6[%add3A_131, %dma_wait3A_136] : memref<10240x128xf32, #tpu.memory_space<vmem_shared>> -> memref<128x128xf32, #tpu.memory_space<vmem_shared>>
      %dma_wait3A_138 = arith.constant 0 : i32
      %dma_wait3A_139 = tpu.memref_slice %arg6[%add3A_131, %dma_wait3A_138] : memref<10240x128xf32, #tpu.memory_space<vmem_shared>> -> memref<128x128xf32, #tpu.memory_space<vmem_shared>>
      tpu.wait_dma2 semaphore(%run_scoped3A : memref<!tpu.dma_semaphore, #tpu.memory_space<semaphore_mem>>) src(%dma_wait3A_139 : memref<128x128xf32, #tpu.memory_space<vmem_shared>>) dst(%arg5 : memref<128x128xf32, #tpu.memory_space<vmem>>)
      tpu.yield
    }) : () -> ()
    "tpu.region"() ({
      %run_scoped3A = tpu.sem_alloc : memref<!tpu.dma_semaphore, #tpu.memory_space<semaphore_mem>>
      %dma_start3A_132 = arith.constant 0 : i32
      %dma_start3A_133 = tpu.memref_slice %arg3[%arg0, %add3A_131, %dma_start3A_132] : memref<2x10240x128xf32, #tpu.memory_space<hbm>> -> memref<1x128x128xf32, #tpu.memory_space<hbm>>
      %dma_start3A_134 = tpu.memref_squeeze %dma_start3A_133 : memref<1x128x128xf32, #tpu.memory_space<hbm>> -> memref<128x128xf32, #tpu.memory_space<hbm>>
      %dma_start3A_135 = arith.constant 0 : i32
      %dma_start3A_136 = tpu.memref_slice %arg3[%arg0, %add3A_131, %dma_start3A_135] : memref<2x10240x128xf32, #tpu.memory_space<hbm>> -> memref<1x128x128xf32, #tpu.memory_space<hbm>>
      %dma_start3A_137 = tpu.memref_squeeze %dma_start3A_136 : memref<1x128x128xf32, #tpu.memory_space<hbm>> -> memref<128x128xf32, #tpu.memory_space<hbm>>
      tpu.enqueue_dma source(%arg5 : memref<128x128xf32, #tpu.memory_space<vmem>>) target(%dma_start3A_137 : memref<128x128xf32, #tpu.memory_space<hbm>>) target_semaphore(%run_scoped3A : memref<!tpu.dma_semaphore, #tpu.memory_space<semaphore_mem>>)
      %dma_wait3A_138 = arith.constant 0 : i32
      %dma_wait3A_139 = tpu.memref_slice %arg3[%arg0, %add3A_131, %dma_wait3A_138] : memref<2x10240x128xf32, #tpu.memory_space<hbm>> -> memref<1x128x128xf32, #tpu.memory_space<hbm>>
      %dma_wait3A_140 = tpu.memref_squeeze %dma_wait3A_139 : memref<1x128x128xf32, #tpu.memory_space<hbm>> -> memref<128x128xf32, #tpu.memory_space<hbm>>
      %dma_wait3A_141 = arith.constant 0 : i32
      %dma_wait3A_142 = tpu.memref_slice %arg3[%arg0, %add3A_131, %dma_wait3A_141] : memref<2x10240x128xf32, #tpu.memory_space<hbm>> -> memref<1x128x128xf32, #tpu.memory_space<hbm>>
      %dma_wait3A_143 = tpu.memref_squeeze %dma_wait3A_142 : memref<1x128x128xf32, #tpu.memory_space<hbm>> -> memref<128x128xf32, #tpu.memory_space<hbm>>
      tpu.wait_dma2 semaphore(%run_scoped3A : memref<!tpu.dma_semaphore, #tpu.memory_space<semaphore_mem>>) src(%arg5 : memref<128x128xf32, #tpu.memory_space<vmem>>) dst(%dma_wait3A_143 : memref<128x128xf32, #tpu.memory_space<hbm>>)
      tpu.yield
    }) : () -> ()
    return
  }
}

#map = affine_map<(d0, d1) -> (0, 0)>
#map1 = affine_map<(d0, d1) -> (0, 0, 0)>
module attributes {stable_mosaic.version = 14 : i64} {
  func.func @body_fn(%arg0: i32, %arg1: i32, %arg2: memref<10000x128xf32, #tpu.memory_space<hbm>>, %arg3: memref<32x79x128xi32, #tpu.memory_space<hbm>>, %arg4: memref<32x79x128xi32, #tpu.memory_space<hbm>>, %arg5: memref<2x10240x128xf32, #tpu.memory_space<hbm>>, %arg6: memref<128xi32, #tpu.memory_space<vmem>>, %arg7: memref<128xi32, #tpu.memory_space<vmem>>, %arg8: memref<128x128xf32, #tpu.memory_space<vmem>>, %arg9: memref<10240x128xf32, #tpu.memory_space<vmem_shared>>, %arg10: memref<!tpu.dma_semaphore, #tpu.memory_space<semaphore_mem>>) attributes {dimension_semantics = [#tpu.dimension_semantics<core_parallel>, #tpu.dimension_semantics<subcore_parallel>], iteration_bounds = array<i64: 2, 16>, scalar_prefetch = 0 : i64, scratch_operands = 5 : i64, tpu.core_type = #tpu.core_type<sc_vector_subcore>, window_params = [{transform_indices = #map}, {transform_indices = #map1}, {transform_indices = #map1}, {transform_indices = #map1}]} {
    %mul3A = arith.constant 16 : i32
    %mul3A_0 = arith.muli %arg0, %mul3A : i32
    %add3A = arith.addi %mul3A_0, %arg1 : i32
    %scan3A = arith.constant 0 : i32
    %scan3A_1 = arith.constant 0 : i32
    %scan3A_2 = arith.constant 128 : i32
    %scan3A_3 = arith.addi %scan3A_1, %scan3A_2 : i32
    %scan3A_4 = arith.constant 1 : i32
    %scan3A_5 = scf.for %scan3A_55 = %scan3A_1 to %scan3A_3 step %scan3A_4 iter_args(%scan3A_56 = %scan3A) -> (i32)  : i32 {
      %broadcast_in_dim3A = arith.constant 0.000000e+00 : f32
      %broadcast_in_dim3A_57 = vector.broadcast %broadcast_in_dim3A : f32 to vector<16xf32>
      %swap3A = arith.index_cast %scan3A_55 : i32 to index
      %swap3A_58 = arith.constant 0 : index
      %swap3A_59 = tpu.vector_load %arg8[%swap3A, %swap3A_58] {strides = array<i32>} : memref<128x128xf32, #tpu.memory_space<vmem>>, vector<1x16xf32>,
      %swap3A_60 = vector.shape_cast %swap3A_59 : vector<1x16xf32> to vector<16xf32>
      %swap3A_61 = vector.shape_cast %broadcast_in_dim3A_57 : vector<16xf32> to vector<1x16xf32>
      tpu.vector_store %arg8[%swap3A, %swap3A_58], %swap3A_61 {strides = array<i32>} : memref<128x128xf32, #tpu.memory_space<vmem>>, vector<1x16xf32>,
      %broadcast_in_dim3A_62 = arith.constant 0.000000e+00 : f32
      %broadcast_in_dim3A_63 = vector.broadcast %broadcast_in_dim3A_62 : f32 to vector<16xf32>
      %swap3A_64 = arith.index_cast %scan3A_55 : i32 to index
      %swap3A_65 = arith.constant 16 : index
      %swap3A_66 = tpu.vector_load %arg8[%swap3A_64, %swap3A_65] {strides = array<i32>} : memref<128x128xf32, #tpu.memory_space<vmem>>, vector<1x16xf32>,
      %swap3A_67 = vector.shape_cast %swap3A_66 : vector<1x16xf32> to vector<16xf32>
      %swap3A_68 = vector.shape_cast %broadcast_in_dim3A_63 : vector<16xf32> to vector<1x16xf32>
      tpu.vector_store %arg8[%swap3A_64, %swap3A_65], %swap3A_68 {strides = array<i32>} : memref<128x128xf32, #tpu.memory_space<vmem>>, vector<1x16xf32>,
      %broadcast_in_dim3A_69 = arith.constant 0.000000e+00 : f32
      %broadcast_in_dim3A_70 = vector.broadcast %broadcast_in_dim3A_69 : f32 to vector<16xf32>
      %swap3A_71 = arith.index_cast %scan3A_55 : i32 to index
      %swap3A_72 = arith.constant 32 : index
      %swap3A_73 = tpu.vector_load %arg8[%swap3A_71, %swap3A_72] {strides = array<i32>} : memref<128x128xf32, #tpu.memory_space<vmem>>, vector<1x16xf32>,
      %swap3A_74 = vector.shape_cast %swap3A_73 : vector<1x16xf32> to vector<16xf32>
      %swap3A_75 = vector.shape_cast %broadcast_in_dim3A_70 : vector<16xf32> to vector<1x16xf32>
      tpu.vector_store %arg8[%swap3A_71, %swap3A_72], %swap3A_75 {strides = array<i32>} : memref<128x128xf32, #tpu.memory_space<vmem>>, vector<1x16xf32>,
      %broadcast_in_dim3A_76 = arith.constant 0.000000e+00 : f32
      %broadcast_in_dim3A_77 = vector.broadcast %broadcast_in_dim3A_76 : f32 to vector<16xf32>
      %swap3A_78 = arith.index_cast %scan3A_55 : i32 to index
      %swap3A_79 = arith.constant 48 : index
      %swap3A_80 = tpu.vector_load %arg8[%swap3A_78, %swap3A_79] {strides = array<i32>} : memref<128x128xf32, #tpu.memory_space<vmem>>, vector<1x16xf32>,
      %swap3A_81 = vector.shape_cast %swap3A_80 : vector<1x16xf32> to vector<16xf32>
      %swap3A_82 = vector.shape_cast %broadcast_in_dim3A_77 : vector<16xf32> to vector<1x16xf32>
      tpu.vector_store %arg8[%swap3A_78, %swap3A_79], %swap3A_82 {strides = array<i32>} : memref<128x128xf32, #tpu.memory_space<vmem>>, vector<1x16xf32>,
      %broadcast_in_dim3A_83 = arith.constant 0.000000e+00 : f32
      %broadcast_in_dim3A_84 = vector.broadcast %broadcast_in_dim3A_83 : f32 to vector<16xf32>
      %swap3A_85 = arith.index_cast %scan3A_55 : i32 to index
      %swap3A_86 = arith.constant 64 : index
      %swap3A_87 = tpu.vector_load %arg8[%swap3A_85, %swap3A_86] {strides = array<i32>} : memref<128x128xf32, #tpu.memory_space<vmem>>, vector<1x16xf32>,
      %swap3A_88 = vector.shape_cast %swap3A_87 : vector<1x16xf32> to vector<16xf32>
      %swap3A_89 = vector.shape_cast %broadcast_in_dim3A_84 : vector<16xf32> to vector<1x16xf32>
      tpu.vector_store %arg8[%swap3A_85, %swap3A_86], %swap3A_89 {strides = array<i32>} : memref<128x128xf32, #tpu.memory_space<vmem>>, vector<1x16xf32>,
      %broadcast_in_dim3A_90 = arith.constant 0.000000e+00 : f32
      %broadcast_in_dim3A_91 = vector.broadcast %broadcast_in_dim3A_90 : f32 to vector<16xf32>
      %swap3A_92 = arith.index_cast %scan3A_55 : i32 to index
      %swap3A_93 = arith.constant 80 : index
      %swap3A_94 = tpu.vector_load %arg8[%swap3A_92, %swap3A_93] {strides = array<i32>} : memref<128x128xf32, #tpu.memory_space<vmem>>, vector<1x16xf32>,
      %swap3A_95 = vector.shape_cast %swap3A_94 : vector<1x16xf32> to vector<16xf32>
      %swap3A_96 = vector.shape_cast %broadcast_in_dim3A_91 : vector<16xf32> to vector<1x16xf32>
      tpu.vector_store %arg8[%swap3A_92, %swap3A_93], %swap3A_96 {strides = array<i32>} : memref<128x128xf32, #tpu.memory_space<vmem>>, vector<1x16xf32>,
      %broadcast_in_dim3A_97 = arith.constant 0.000000e+00 : f32
      %broadcast_in_dim3A_98 = vector.broadcast %broadcast_in_dim3A_97 : f32 to vector<16xf32>
      %swap3A_99 = arith.index_cast %scan3A_55 : i32 to index
      %swap3A_100 = arith.constant 96 : index
      %swap3A_101 = tpu.vector_load %arg8[%swap3A_99, %swap3A_100] {strides = array<i32>} : memref<128x128xf32, #tpu.memory_space<vmem>>, vector<1x16xf32>,
      %swap3A_102 = vector.shape_cast %swap3A_101 : vector<1x16xf32> to vector<16xf32>
      %swap3A_103 = vector.shape_cast %broadcast_in_dim3A_98 : vector<16xf32> to vector<1x16xf32>
      tpu.vector_store %arg8[%swap3A_99, %swap3A_100], %swap3A_103 {strides = array<i32>} : memref<128x128xf32, #tpu.memory_space<vmem>>, vector<1x16xf32>,
      %broadcast_in_dim3A_104 = arith.constant 0.000000e+00 : f32
      %broadcast_in_dim3A_105 = vector.broadcast %broadcast_in_dim3A_104 : f32 to vector<16xf32>
      %swap3A_106 = arith.index_cast %scan3A_55 : i32 to index
      %swap3A_107 = arith.constant 112 : index
      %swap3A_108 = tpu.vector_load %arg8[%swap3A_106, %swap3A_107] {strides = array<i32>} : memref<128x128xf32, #tpu.memory_space<vmem>>, vector<1x16xf32>,
      %swap3A_109 = vector.shape_cast %swap3A_108 : vector<1x16xf32> to vector<16xf32>
      %swap3A_110 = vector.shape_cast %broadcast_in_dim3A_105 : vector<16xf32> to vector<1x16xf32>
      tpu.vector_store %arg8[%swap3A_106, %swap3A_107], %swap3A_110 {strides = array<i32>} : memref<128x128xf32, #tpu.memory_space<vmem>>, vector<1x16xf32>,
      %scan3A_111 = arith.constant 0 : i32
      scf.yield %scan3A_111 : i32
    }
    %scan3A_6 = arith.constant 128 : i32
    %mul3A_7 = arith.constant 640 : i32
    %mul3A_8 = arith.muli %arg1, %mul3A_7 : i32
    %add3A_9 = arith.constant 0 : i32
    %add3A_10 = arith.addi %mul3A_8, %add3A_9 : i32
    "tpu.region"() ({
      %run_scoped3A = tpu.sem_alloc : memref<!tpu.dma_semaphore, #tpu.memory_space<semaphore_mem>>
      %dma_start3A = arith.constant 0 : i32
      %dma_start3A_55 = tpu.memref_slice %arg9[%add3A_10, %dma_start3A] : memref<10240x128xf32, #tpu.memory_space<vmem_shared>> -> memref<128x128xf32, #tpu.memory_space<vmem_shared>>
      %dma_start3A_56 = arith.constant 0 : i32
      %dma_start3A_57 = tpu.memref_slice %arg9[%add3A_10, %dma_start3A_56] : memref<10240x128xf32, #tpu.memory_space<vmem_shared>> -> memref<128x128xf32, #tpu.memory_space<vmem_shared>>
      tpu.enqueue_dma source(%arg8 : memref<128x128xf32, #tpu.memory_space<vmem>>) target(%dma_start3A_57 : memref<128x128xf32, #tpu.memory_space<vmem_shared>>) target_semaphore(%run_scoped3A : memref<!tpu.dma_semaphore, #tpu.memory_space<semaphore_mem>>)
      %dma_wait3A = arith.constant 0 : i32
      %dma_wait3A_58 = tpu.memref_slice %arg9[%add3A_10, %dma_wait3A] : memref<10240x128xf32, #tpu.memory_space<vmem_shared>> -> memref<128x128xf32, #tpu.memory_space<vmem_shared>>
      %dma_wait3A_59 = arith.constant 0 : i32
      %dma_wait3A_60 = tpu.memref_slice %arg9[%add3A_10, %dma_wait3A_59] : memref<10240x128xf32, #tpu.memory_space<vmem_shared>> -> memref<128x128xf32, #tpu.memory_space<vmem_shared>>
      tpu.wait_dma2 semaphore(%run_scoped3A : memref<!tpu.dma_semaphore, #tpu.memory_space<semaphore_mem>>) src(%arg8 : memref<128x128xf32, #tpu.memory_space<vmem>>) dst(%dma_wait3A_60 : memref<128x128xf32, #tpu.memory_space<vmem_shared>>)
      tpu.yield
    }) : () -> ()
    %mul3A_11 = arith.constant 640 : i32
    %mul3A_12 = arith.muli %arg1, %mul3A_11 : i32
    %add3A_13 = arith.constant 128 : i32
    %add3A_14 = arith.addi %mul3A_12, %add3A_13 : i32
    "tpu.region"() ({
      %run_scoped3A = tpu.sem_alloc : memref<!tpu.dma_semaphore, #tpu.memory_space<semaphore_mem>>
      %dma_start3A = arith.constant 0 : i32
      %dma_start3A_55 = tpu.memref_slice %arg9[%add3A_14, %dma_start3A] : memref<10240x128xf32, #tpu.memory_space<vmem_shared>> -> memref<128x128xf32, #tpu.memory_space<vmem_shared>>
      %dma_start3A_56 = arith.constant 0 : i32
      %dma_start3A_57 = tpu.memref_slice %arg9[%add3A_14, %dma_start3A_56] : memref<10240x128xf32, #tpu.memory_space<vmem_shared>> -> memref<128x128xf32, #tpu.memory_space<vmem_shared>>
      tpu.enqueue_dma source(%arg8 : memref<128x128xf32, #tpu.memory_space<vmem>>) target(%dma_start3A_57 : memref<128x128xf32, #tpu.memory_space<vmem_shared>>) target_semaphore(%run_scoped3A : memref<!tpu.dma_semaphore, #tpu.memory_space<semaphore_mem>>)
      %dma_wait3A = arith.constant 0 : i32
      %dma_wait3A_58 = tpu.memref_slice %arg9[%add3A_14, %dma_wait3A] : memref<10240x128xf32, #tpu.memory_space<vmem_shared>> -> memref<128x128xf32, #tpu.memory_space<vmem_shared>>
      %dma_wait3A_59 = arith.constant 0 : i32
      %dma_wait3A_60 = tpu.memref_slice %arg9[%add3A_14, %dma_wait3A_59] : memref<10240x128xf32, #tpu.memory_space<vmem_shared>> -> memref<128x128xf32, #tpu.memory_space<vmem_shared>>
      tpu.wait_dma2 semaphore(%run_scoped3A : memref<!tpu.dma_semaphore, #tpu.memory_space<semaphore_mem>>) src(%arg8 : memref<128x128xf32, #tpu.memory_space<vmem>>) dst(%dma_wait3A_60 : memref<128x128xf32, #tpu.memory_space<vmem_shared>>)
      tpu.yield
    }) : () -> ()
    %mul3A_15 = arith.constant 640 : i32
    %mul3A_16 = arith.muli %arg1, %mul3A_15 : i32
    %add3A_17 = arith.constant 256 : i32
    %add3A_18 = arith.addi %mul3A_16, %add3A_17 : i32
    "tpu.region"() ({
      %run_scoped3A = tpu.sem_alloc : memref<!tpu.dma_semaphore, #tpu.memory_space<semaphore_mem>>
      %dma_start3A = arith.constant 0 : i32
      %dma_start3A_55 = tpu.memref_slice %arg9[%add3A_18, %dma_start3A] : memref<10240x128xf32, #tpu.memory_space<vmem_shared>> -> memref<128x128xf32, #tpu.memory_space<vmem_shared>>
      %dma_start3A_56 = arith.constant 0 : i32
      %dma_start3A_57 = tpu.memref_slice %arg9[%add3A_18, %dma_start3A_56] : memref<10240x128xf32, #tpu.memory_space<vmem_shared>> -> memref<128x128xf32, #tpu.memory_space<vmem_shared>>
      tpu.enqueue_dma source(%arg8 : memref<128x128xf32, #tpu.memory_space<vmem>>) target(%dma_start3A_57 : memref<128x128xf32, #tpu.memory_space<vmem_shared>>) target_semaphore(%run_scoped3A : memref<!tpu.dma_semaphore, #tpu.memory_space<semaphore_mem>>)
      %dma_wait3A = arith.constant 0 : i32
      %dma_wait3A_58 = tpu.memref_slice %arg9[%add3A_18, %dma_wait3A] : memref<10240x128xf32, #tpu.memory_space<vmem_shared>> -> memref<128x128xf32, #tpu.memory_space<vmem_shared>>
      %dma_wait3A_59 = arith.constant 0 : i32
      %dma_wait3A_60 = tpu.memref_slice %arg9[%add3A_18, %dma_wait3A_59] : memref<10240x128xf32, #tpu.memory_space<vmem_shared>> -> memref<128x128xf32, #tpu.memory_space<vmem_shared>>
      tpu.wait_dma2 semaphore(%run_scoped3A : memref<!tpu.dma_semaphore, #tpu.memory_space<semaphore_mem>>) src(%arg8 : memref<128x128xf32, #tpu.memory_space<vmem>>) dst(%dma_wait3A_60 : memref<128x128xf32, #tpu.memory_space<vmem_shared>>)
      tpu.yield
    }) : () -> ()
    %mul3A_19 = arith.constant 640 : i32
    %mul3A_20 = arith.muli %arg1, %mul3A_19 : i32
    %add3A_21 = arith.constant 384 : i32
    %add3A_22 = arith.addi %mul3A_20, %add3A_21 : i32
    "tpu.region"() ({
      %run_scoped3A = tpu.sem_alloc : memref<!tpu.dma_semaphore, #tpu.memory_space<semaphore_mem>>
      %dma_start3A = arith.constant 0 : i32
      %dma_start3A_55 = tpu.memref_slice %arg9[%add3A_22, %dma_start3A] : memref<10240x128xf32, #tpu.memory_space<vmem_shared>> -> memref<128x128xf32, #tpu.memory_space<vmem_shared>>
      %dma_start3A_56 = arith.constant 0 : i32
      %dma_start3A_57 = tpu.memref_slice %arg9[%add3A_22, %dma_start3A_56] : memref<10240x128xf32, #tpu.memory_space<vmem_shared>> -> memref<128x128xf32, #tpu.memory_space<vmem_shared>>
      tpu.enqueue_dma source(%arg8 : memref<128x128xf32, #tpu.memory_space<vmem>>) target(%dma_start3A_57 : memref<128x128xf32, #tpu.memory_space<vmem_shared>>) target_semaphore(%run_scoped3A : memref<!tpu.dma_semaphore, #tpu.memory_space<semaphore_mem>>)
      %dma_wait3A = arith.constant 0 : i32
      %dma_wait3A_58 = tpu.memref_slice %arg9[%add3A_22, %dma_wait3A] : memref<10240x128xf32, #tpu.memory_space<vmem_shared>> -> memref<128x128xf32, #tpu.memory_space<vmem_shared>>
      %dma_wait3A_59 = arith.constant 0 : i32
      %dma_wait3A_60 = tpu.memref_slice %arg9[%add3A_22, %dma_wait3A_59] : memref<10240x128xf32, #tpu.memory_space<vmem_shared>> -> memref<128x128xf32, #tpu.memory_space<vmem_shared>>
      tpu.wait_dma2 semaphore(%run_scoped3A : memref<!tpu.dma_semaphore, #tpu.memory_space<semaphore_mem>>) src(%arg8 : memref<128x128xf32, #tpu.memory_space<vmem>>) dst(%dma_wait3A_60 : memref<128x128xf32, #tpu.memory_space<vmem_shared>>)
      tpu.yield
    }) : () -> ()
    %mul3A_23 = arith.constant 640 : i32
    %mul3A_24 = arith.muli %arg1, %mul3A_23 : i32
    %add3A_25 = arith.constant 512 : i32
    %add3A_26 = arith.addi %mul3A_24, %add3A_25 : i32
    "tpu.region"() ({
      %run_scoped3A = tpu.sem_alloc : memref<!tpu.dma_semaphore, #tpu.memory_space<semaphore_mem>>
      %dma_start3A = arith.constant 0 : i32
      %dma_start3A_55 = tpu.memref_slice %arg9[%add3A_26, %dma_start3A] : memref<10240x128xf32, #tpu.memory_space<vmem_shared>> -> memref<128x128xf32, #tpu.memory_space<vmem_shared>>
      %dma_start3A_56 = arith.constant 0 : i32
      %dma_start3A_57 = tpu.memref_slice %arg9[%add3A_26, %dma_start3A_56] : memref<10240x128xf32, #tpu.memory_space<vmem_shared>> -> memref<128x128xf32, #tpu.memory_space<vmem_shared>>
      tpu.enqueue_dma source(%arg8 : memref<128x128xf32, #tpu.memory_space<vmem>>) target(%dma_start3A_57 : memref<128x128xf32, #tpu.memory_space<vmem_shared>>) target_semaphore(%run_scoped3A : memref<!tpu.dma_semaphore, #tpu.memory_space<semaphore_mem>>)
      %dma_wait3A = arith.constant 0 : i32
      %dma_wait3A_58 = tpu.memref_slice %arg9[%add3A_26, %dma_wait3A] : memref<10240x128xf32, #tpu.memory_space<vmem_shared>> -> memref<128x128xf32, #tpu.memory_space<vmem_shared>>
      %dma_wait3A_59 = arith.constant 0 : i32
      %dma_wait3A_60 = tpu.memref_slice %arg9[%add3A_26, %dma_wait3A_59] : memref<10240x128xf32, #tpu.memory_space<vmem_shared>> -> memref<128x128xf32, #tpu.memory_space<vmem_shared>>
      tpu.wait_dma2 semaphore(%run_scoped3A : memref<!tpu.dma_semaphore, #tpu.memory_space<semaphore_mem>>) src(%arg8 : memref<128x128xf32, #tpu.memory_space<vmem>>) dst(%dma_wait3A_60 : memref<128x128xf32, #tpu.memory_space<vmem_shared>>)
      tpu.yield
    }) : () -> ()
    %barrier3A = arith.constant 0 : index
    tpu.barrier barrier_id(%barrier3A)
    %scan3A_27 = arith.constant 0 : i32
    %scan3A_28 = arith.constant 0 : i32
    %scan3A_29 = arith.constant 79 : i32
    %scan3A_30 = arith.addi %scan3A_28, %scan3A_29 : i32
    %scan3A_31 = arith.constant 1 : i32
    %scan3A_32 = scf.for %scan3A_55 = %scan3A_28 to %scan3A_30 step %scan3A_31 iter_args(%scan3A_56 = %scan3A_27) -> (i32)  : i32 {
      "tpu.region"() ({
        %run_scoped3A = tpu.sem_alloc : memref<!tpu.dma_semaphore, #tpu.memory_space<semaphore_mem>>
        %dma_start3A_62 = arith.constant 0 : i32
        %dma_start3A_63 = tpu.memref_slice %arg3[%add3A, %scan3A_55, %dma_start3A_62] : memref<32x79x128xi32, #tpu.memory_space<hbm>> -> memref<1x1x128xi32, #tpu.memory_space<hbm>>
        %dma_start3A_64 = tpu.memref_squeeze %dma_start3A_63 : memref<1x1x128xi32, #tpu.memory_space<hbm>> -> memref<128xi32, #tpu.memory_space<hbm>>
        %dma_start3A_65 = arith.constant 0 : i32
        %dma_start3A_66 = tpu.memref_slice %arg3[%add3A, %scan3A_55, %dma_start3A_65] : memref<32x79x128xi32, #tpu.memory_space<hbm>> -> memref<1x1x128xi32, #tpu.memory_space<hbm>>
        %dma_start3A_67 = tpu.memref_squeeze %dma_start3A_66 : memref<1x1x128xi32, #tpu.memory_space<hbm>> -> memref<128xi32, #tpu.memory_space<hbm>>
        tpu.enqueue_dma source(%dma_start3A_67 : memref<128xi32, #tpu.memory_space<hbm>>) target(%arg6 : memref<128xi32, #tpu.memory_space<vmem>>) target_semaphore(%run_scoped3A : memref<!tpu.dma_semaphore, #tpu.memory_space<semaphore_mem>>)
        %dma_wait3A_68 = arith.constant 0 : i32
        %dma_wait3A_69 = tpu.memref_slice %arg3[%add3A, %scan3A_55, %dma_wait3A_68] : memref<32x79x128xi32, #tpu.memory_space<hbm>> -> memref<1x1x128xi32, #tpu.memory_space<hbm>>
        %dma_wait3A_70 = tpu.memref_squeeze %dma_wait3A_69 : memref<1x1x128xi32, #tpu.memory_space<hbm>> -> memref<128xi32, #tpu.memory_space<hbm>>
        %dma_wait3A_71 = arith.constant 0 : i32
        %dma_wait3A_72 = tpu.memref_slice %arg3[%add3A, %scan3A_55, %dma_wait3A_71] : memref<32x79x128xi32, #tpu.memory_space<hbm>> -> memref<1x1x128xi32, #tpu.memory_space<hbm>>
        %dma_wait3A_73 = tpu.memref_squeeze %dma_wait3A_72 : memref<1x1x128xi32, #tpu.memory_space<hbm>> -> memref<128xi32, #tpu.memory_space<hbm>>
        tpu.wait_dma2 semaphore(%run_scoped3A : memref<!tpu.dma_semaphore, #tpu.memory_space<semaphore_mem>>) src(%dma_wait3A_73 : memref<128xi32, #tpu.memory_space<hbm>>) dst(%arg6 : memref<128xi32, #tpu.memory_space<vmem>>)
        tpu.yield
      }) : () -> ()
      "tpu.region"() ({
        %run_scoped3A = tpu.sem_alloc : memref<!tpu.dma_semaphore, #tpu.memory_space<semaphore_mem>>
        %dma_start3A_62 = arith.constant 0 : i32
        %dma_start3A_63 = tpu.memref_slice %arg4[%add3A, %scan3A_55, %dma_start3A_62] : memref<32x79x128xi32, #tpu.memory_space<hbm>> -> memref<1x1x128xi32, #tpu.memory_space<hbm>>
        %dma_start3A_64 = tpu.memref_squeeze %dma_start3A_63 : memref<1x1x128xi32, #tpu.memory_space<hbm>> -> memref<128xi32, #tpu.memory_space<hbm>>
        %dma_start3A_65 = arith.constant 0 : i32
        %dma_start3A_66 = tpu.memref_slice %arg4[%add3A, %scan3A_55, %dma_start3A_65] : memref<32x79x128xi32, #tpu.memory_space<hbm>> -> memref<1x1x128xi32, #tpu.memory_space<hbm>>
        %dma_start3A_67 = tpu.memref_squeeze %dma_start3A_66 : memref<1x1x128xi32, #tpu.memory_space<hbm>> -> memref<128xi32, #tpu.memory_space<hbm>>
        tpu.enqueue_dma source(%dma_start3A_67 : memref<128xi32, #tpu.memory_space<hbm>>) target(%arg7 : memref<128xi32, #tpu.memory_space<vmem>>) target_semaphore(%run_scoped3A : memref<!tpu.dma_semaphore, #tpu.memory_space<semaphore_mem>>)
        %dma_wait3A_68 = arith.constant 0 : i32
        %dma_wait3A_69 = tpu.memref_slice %arg4[%add3A, %scan3A_55, %dma_wait3A_68] : memref<32x79x128xi32, #tpu.memory_space<hbm>> -> memref<1x1x128xi32, #tpu.memory_space<hbm>>
        %dma_wait3A_70 = tpu.memref_squeeze %dma_wait3A_69 : memref<1x1x128xi32, #tpu.memory_space<hbm>> -> memref<128xi32, #tpu.memory_space<hbm>>
        %dma_wait3A_71 = arith.constant 0 : i32
        %dma_wait3A_72 = tpu.memref_slice %arg4[%add3A, %scan3A_55, %dma_wait3A_71] : memref<32x79x128xi32, #tpu.memory_space<hbm>> -> memref<1x1x128xi32, #tpu.memory_space<hbm>>
        %dma_wait3A_73 = tpu.memref_squeeze %dma_wait3A_72 : memref<1x1x128xi32, #tpu.memory_space<hbm>> -> memref<128xi32, #tpu.memory_space<hbm>>
        tpu.wait_dma2 semaphore(%run_scoped3A : memref<!tpu.dma_semaphore, #tpu.memory_space<semaphore_mem>>) src(%dma_wait3A_73 : memref<128xi32, #tpu.memory_space<hbm>>) dst(%arg7 : memref<128xi32, #tpu.memory_space<vmem>>)
        tpu.yield
      }) : () -> ()
      %dma_start3A = arith.constant 0 : i32
      %dma_start3A_57 = arith.constant 0 : i32
      %dma_start3A_58 = tpu.memref_slice %arg2[%dma_start3A, %dma_start3A_57] : memref<10000x128xf32, #tpu.memory_space<hbm>> -> memref<10000x128xf32, #tpu.memory_space<hbm>>
      tpu.enqueue_indirect_dma source(%dma_start3A_58 : memref<10000x128xf32, #tpu.memory_space<hbm>>) target(%arg8 : memref<128x128xf32, #tpu.memory_space<vmem>>) offsets(%arg6 : memref<128xi32, #tpu.memory_space<vmem>>) semaphore(%arg10 : memref<!tpu.dma_semaphore, #tpu.memory_space<semaphore_mem>>)
      %dma_wait3A = arith.constant 0 : i32
      %dma_wait3A_59 = arith.constant 0 : i32
      %dma_wait3A_60 = tpu.memref_slice %arg2[%dma_wait3A, %dma_wait3A_59] : memref<10000x128xf32, #tpu.memory_space<hbm>> -> memref<10000x128xf32, #tpu.memory_space<hbm>>
      tpu.wait_indirect_dma semaphore(%arg10 : memref<!tpu.dma_semaphore, #tpu.memory_space<semaphore_mem>>) src(%dma_wait3A_60 : memref<10000x128xf32, #tpu.memory_space<hbm>>) dst(%arg8 : memref<128x128xf32, #tpu.memory_space<vmem>>)
      "tpu.region"() ({
        %run_scoped3A = tpu.sem_alloc : memref<!tpu.dma_semaphore, #tpu.memory_space<semaphore_mem>>
        %dma_start3A_62 = arith.constant 0 : i32
        %dma_start3A_63 = arith.constant 0 : i32
        %dma_start3A_64 = tpu.memref_slice %arg9[%dma_start3A_62, %dma_start3A_63] : memref<10240x128xf32, #tpu.memory_space<vmem_shared>> -> memref<10240x128xf32, #tpu.memory_space<vmem_shared>>
        tpu.enqueue_indirect_dma source(%arg8 : memref<128x128xf32, #tpu.memory_space<vmem>>) target(%dma_start3A_64 : memref<10240x128xf32, #tpu.memory_space<vmem_shared>>) offsets(%arg7 : memref<128xi32, #tpu.memory_space<vmem>>) semaphore(%run_scoped3A : memref<!tpu.dma_semaphore, #tpu.memory_space<semaphore_mem>>) {add = true}
        %dma_wait3A_65 = arith.constant 0 : i32
        %dma_wait3A_66 = arith.constant 0 : i32
        %dma_wait3A_67 = tpu.memref_slice %arg9[%dma_wait3A_65, %dma_wait3A_66] : memref<10240x128xf32, #tpu.memory_space<vmem_shared>> -> memref<10240x128xf32, #tpu.memory_space<vmem_shared>>
        tpu.wait_indirect_dma semaphore(%run_scoped3A : memref<!tpu.dma_semaphore, #tpu.memory_space<semaphore_mem>>) src(%arg8 : memref<128x128xf32, #tpu.memory_space<vmem>>) dst(%dma_wait3A_67 : memref<10240x128xf32, #tpu.memory_space<vmem_shared>>)
        tpu.yield
      }) : () -> ()
      %scan3A_61 = arith.constant 0 : i32
      scf.yield %scan3A_61 : i32
    }
    %scan3A_33 = arith.constant 79 : i32
    %barrier3A_34 = arith.constant 0 : index
    tpu.barrier barrier_id(%barrier3A_34)
    %mul3A_35 = arith.constant 640 : i32
    %mul3A_36 = arith.muli %arg1, %mul3A_35 : i32
    %add3A_37 = arith.constant 0 : i32
    %add3A_38 = arith.addi %mul3A_36, %add3A_37 : i32
    "tpu.region"() ({
      %run_scoped3A = tpu.sem_alloc : memref<!tpu.dma_semaphore, #tpu.memory_space<semaphore_mem>>
      %dma_start3A = arith.constant 0 : i32
      %dma_start3A_55 = tpu.memref_slice %arg9[%add3A_38, %dma_start3A] : memref<10240x128xf32, #tpu.memory_space<vmem_shared>> -> memref<128x128xf32, #tpu.memory_space<vmem_shared>>
      %dma_start3A_56 = arith.constant 0 : i32
      %dma_start3A_57 = tpu.memref_slice %arg9[%add3A_38, %dma_start3A_56] : memref<10240x128xf32, #tpu.memory_space<vmem_shared>> -> memref<128x128xf32, #tpu.memory_space<vmem_shared>>
      tpu.enqueue_dma source(%dma_start3A_57 : memref<128x128xf32, #tpu.memory_space<vmem_shared>>) target(%arg8 : memref<128x128xf32, #tpu.memory_space<vmem>>) target_semaphore(%run_scoped3A : memref<!tpu.dma_semaphore, #tpu.memory_space<semaphore_mem>>)
      %dma_wait3A = arith.constant 0 : i32
      %dma_wait3A_58 = tpu.memref_slice %arg9[%add3A_38, %dma_wait3A] : memref<10240x128xf32, #tpu.memory_space<vmem_shared>> -> memref<128x128xf32, #tpu.memory_space<vmem_shared>>
      %dma_wait3A_59 = arith.constant 0 : i32
      %dma_wait3A_60 = tpu.memref_slice %arg9[%add3A_38, %dma_wait3A_59] : memref<10240x128xf32, #tpu.memory_space<vmem_shared>> -> memref<128x128xf32, #tpu.memory_space<vmem_shared>>
      tpu.wait_dma2 semaphore(%run_scoped3A : memref<!tpu.dma_semaphore, #tpu.memory_space<semaphore_mem>>) src(%dma_wait3A_60 : memref<128x128xf32, #tpu.memory_space<vmem_shared>>) dst(%arg8 : memref<128x128xf32, #tpu.memory_space<vmem>>)
      tpu.yield
    }) : () -> ()
    "tpu.region"() ({
      %run_scoped3A = tpu.sem_alloc : memref<!tpu.dma_semaphore, #tpu.memory_space<semaphore_mem>>
      %dma_start3A = arith.constant 0 : i32
      %dma_start3A_55 = tpu.memref_slice %arg5[%arg0, %add3A_38, %dma_start3A] : memref<2x10240x128xf32, #tpu.memory_space<hbm>> -> memref<1x128x128xf32, #tpu.memory_space<hbm>>
      %dma_start3A_56 = tpu.memref_squeeze %dma_start3A_55 : memref<1x128x128xf32, #tpu.memory_space<hbm>> -> memref<128x128xf32, #tpu.memory_space<hbm>>
      %dma_start3A_57 = arith.constant 0 : i32
      %dma_start3A_58 = tpu.memref_slice %arg5[%arg0, %add3A_38, %dma_start3A_57] : memref<2x10240x128xf32, #tpu.memory_space<hbm>> -> memref<1x128x128xf32, #tpu.memory_space<hbm>>
      %dma_start3A_59 = tpu.memref_squeeze %dma_start3A_58 : memref<1x128x128xf32, #tpu.memory_space<hbm>> -> memref<128x128xf32, #tpu.memory_space<hbm>>
      tpu.enqueue_dma source(%arg8 : memref<128x128xf32, #tpu.memory_space<vmem>>) target(%dma_start3A_59 : memref<128x128xf32, #tpu.memory_space<hbm>>) target_semaphore(%run_scoped3A : memref<!tpu.dma_semaphore, #tpu.memory_space<semaphore_mem>>)
      %dma_wait3A = arith.constant 0 : i32
      %dma_wait3A_60 = tpu.memref_slice %arg5[%arg0, %add3A_38, %dma_wait3A] : memref<2x10240x128xf32, #tpu.memory_space<hbm>> -> memref<1x128x128xf32, #tpu.memory_space<hbm>>
      %dma_wait3A_61 = tpu.memref_squeeze %dma_wait3A_60 : memref<1x128x128xf32, #tpu.memory_space<hbm>> -> memref<128x128xf32, #tpu.memory_space<hbm>>
      %dma_wait3A_62 = arith.constant 0 : i32
      %dma_wait3A_63 = tpu.memref_slice %arg5[%arg0, %add3A_38, %dma_wait3A_62] : memref<2x10240x128xf32, #tpu.memory_space<hbm>> -> memref<1x128x128xf32, #tpu.memory_space<hbm>>
      %dma_wait3A_64 = tpu.memref_squeeze %dma_wait3A_63 : memref<1x128x128xf32, #tpu.memory_space<hbm>> -> memref<128x128xf32, #tpu.memory_space<hbm>>
      tpu.wait_dma2 semaphore(%run_scoped3A : memref<!tpu.dma_semaphore, #tpu.memory_space<semaphore_mem>>) src(%arg8 : memref<128x128xf32, #tpu.memory_space<vmem>>) dst(%dma_wait3A_64 : memref<128x128xf32, #tpu.memory_space<hbm>>)
      tpu.yield
    }) : () -> ()
    %mul3A_39 = arith.constant 640 : i32
    %mul3A_40 = arith.muli %arg1, %mul3A_39 : i32
    %add3A_41 = arith.constant 128 : i32
    %add3A_42 = arith.addi %mul3A_40, %add3A_41 : i32
    "tpu.region"() ({
      %run_scoped3A = tpu.sem_alloc : memref<!tpu.dma_semaphore, #tpu.memory_space<semaphore_mem>>
      %dma_start3A = arith.constant 0 : i32
      %dma_start3A_55 = tpu.memref_slice %arg9[%add3A_42, %dma_start3A] : memref<10240x128xf32, #tpu.memory_space<vmem_shared>> -> memref<128x128xf32, #tpu.memory_space<vmem_shared>>
      %dma_start3A_56 = arith.constant 0 : i32
      %dma_start3A_57 = tpu.memref_slice %arg9[%add3A_42, %dma_start3A_56] : memref<10240x128xf32, #tpu.memory_space<vmem_shared>> -> memref<128x128xf32, #tpu.memory_space<vmem_shared>>
      tpu.enqueue_dma source(%dma_start3A_57 : memref<128x128xf32, #tpu.memory_space<vmem_shared>>) target(%arg8 : memref<128x128xf32, #tpu.memory_space<vmem>>) target_semaphore(%run_scoped3A : memref<!tpu.dma_semaphore, #tpu.memory_space<semaphore_mem>>)
      %dma_wait3A = arith.constant 0 : i32
      %dma_wait3A_58 = tpu.memref_slice %arg9[%add3A_42, %dma_wait3A] : memref<10240x128xf32, #tpu.memory_space<vmem_shared>> -> memref<128x128xf32, #tpu.memory_space<vmem_shared>>
      %dma_wait3A_59 = arith.constant 0 : i32
      %dma_wait3A_60 = tpu.memref_slice %arg9[%add3A_42, %dma_wait3A_59] : memref<10240x128xf32, #tpu.memory_space<vmem_shared>> -> memref<128x128xf32, #tpu.memory_space<vmem_shared>>
      tpu.wait_dma2 semaphore(%run_scoped3A : memref<!tpu.dma_semaphore, #tpu.memory_space<semaphore_mem>>) src(%dma_wait3A_60 : memref<128x128xf32, #tpu.memory_space<vmem_shared>>) dst(%arg8 : memref<128x128xf32, #tpu.memory_space<vmem>>)
      tpu.yield
    }) : () -> ()
    "tpu.region"() ({
      %run_scoped3A = tpu.sem_alloc : memref<!tpu.dma_semaphore, #tpu.memory_space<semaphore_mem>>
      %dma_start3A = arith.constant 0 : i32
      %dma_start3A_55 = tpu.memref_slice %arg5[%arg0, %add3A_42, %dma_start3A] : memref<2x10240x128xf32, #tpu.memory_space<hbm>> -> memref<1x128x128xf32, #tpu.memory_space<hbm>>
      %dma_start3A_56 = tpu.memref_squeeze %dma_start3A_55 : memref<1x128x128xf32, #tpu.memory_space<hbm>> -> memref<128x128xf32, #tpu.memory_space<hbm>>
      %dma_start3A_57 = arith.constant 0 : i32
      %dma_start3A_58 = tpu.memref_slice %arg5[%arg0, %add3A_42, %dma_start3A_57] : memref<2x10240x128xf32, #tpu.memory_space<hbm>> -> memref<1x128x128xf32, #tpu.memory_space<hbm>>
      %dma_start3A_59 = tpu.memref_squeeze %dma_start3A_58 : memref<1x128x128xf32, #tpu.memory_space<hbm>> -> memref<128x128xf32, #tpu.memory_space<hbm>>
      tpu.enqueue_dma source(%arg8 : memref<128x128xf32, #tpu.memory_space<vmem>>) target(%dma_start3A_59 : memref<128x128xf32, #tpu.memory_space<hbm>>) target_semaphore(%run_scoped3A : memref<!tpu.dma_semaphore, #tpu.memory_space<semaphore_mem>>)
      %dma_wait3A = arith.constant 0 : i32
      %dma_wait3A_60 = tpu.memref_slice %arg5[%arg0, %add3A_42, %dma_wait3A] : memref<2x10240x128xf32, #tpu.memory_space<hbm>> -> memref<1x128x128xf32, #tpu.memory_space<hbm>>
      %dma_wait3A_61 = tpu.memref_squeeze %dma_wait3A_60 : memref<1x128x128xf32, #tpu.memory_space<hbm>> -> memref<128x128xf32, #tpu.memory_space<hbm>>
      %dma_wait3A_62 = arith.constant 0 : i32
      %dma_wait3A_63 = tpu.memref_slice %arg5[%arg0, %add3A_42, %dma_wait3A_62] : memref<2x10240x128xf32, #tpu.memory_space<hbm>> -> memref<1x128x128xf32, #tpu.memory_space<hbm>>
      %dma_wait3A_64 = tpu.memref_squeeze %dma_wait3A_63 : memref<1x128x128xf32, #tpu.memory_space<hbm>> -> memref<128x128xf32, #tpu.memory_space<hbm>>
      tpu.wait_dma2 semaphore(%run_scoped3A : memref<!tpu.dma_semaphore, #tpu.memory_space<semaphore_mem>>) src(%arg8 : memref<128x128xf32, #tpu.memory_space<vmem>>) dst(%dma_wait3A_64 : memref<128x128xf32, #tpu.memory_space<hbm>>)
      tpu.yield
    }) : () -> ()
    %mul3A_43 = arith.constant 640 : i32
    %mul3A_44 = arith.muli %arg1, %mul3A_43 : i32
    %add3A_45 = arith.constant 256 : i32
    %add3A_46 = arith.addi %mul3A_44, %add3A_45 : i32
    "tpu.region"() ({
      %run_scoped3A = tpu.sem_alloc : memref<!tpu.dma_semaphore, #tpu.memory_space<semaphore_mem>>
      %dma_start3A = arith.constant 0 : i32
      %dma_start3A_55 = tpu.memref_slice %arg9[%add3A_46, %dma_start3A] : memref<10240x128xf32, #tpu.memory_space<vmem_shared>> -> memref<128x128xf32, #tpu.memory_space<vmem_shared>>
      %dma_start3A_56 = arith.constant 0 : i32
      %dma_start3A_57 = tpu.memref_slice %arg9[%add3A_46, %dma_start3A_56] : memref<10240x128xf32, #tpu.memory_space<vmem_shared>> -> memref<128x128xf32, #tpu.memory_space<vmem_shared>>
      tpu.enqueue_dma source(%dma_start3A_57 : memref<128x128xf32, #tpu.memory_space<vmem_shared>>) target(%arg8 : memref<128x128xf32, #tpu.memory_space<vmem>>) target_semaphore(%run_scoped3A : memref<!tpu.dma_semaphore, #tpu.memory_space<semaphore_mem>>)
      %dma_wait3A = arith.constant 0 : i32
      %dma_wait3A_58 = tpu.memref_slice %arg9[%add3A_46, %dma_wait3A] : memref<10240x128xf32, #tpu.memory_space<vmem_shared>> -> memref<128x128xf32, #tpu.memory_space<vmem_shared>>
      %dma_wait3A_59 = arith.constant 0 : i32
      %dma_wait3A_60 = tpu.memref_slice %arg9[%add3A_46, %dma_wait3A_59] : memref<10240x128xf32, #tpu.memory_space<vmem_shared>> -> memref<128x128xf32, #tpu.memory_space<vmem_shared>>
      tpu.wait_dma2 semaphore(%run_scoped3A : memref<!tpu.dma_semaphore, #tpu.memory_space<semaphore_mem>>) src(%dma_wait3A_60 : memref<128x128xf32, #tpu.memory_space<vmem_shared>>) dst(%arg8 : memref<128x128xf32, #tpu.memory_space<vmem>>)
      tpu.yield
    }) : () -> ()
    "tpu.region"() ({
      %run_scoped3A = tpu.sem_alloc : memref<!tpu.dma_semaphore, #tpu.memory_space<semaphore_mem>>
      %dma_start3A = arith.constant 0 : i32
      %dma_start3A_55 = tpu.memref_slice %arg5[%arg0, %add3A_46, %dma_start3A] : memref<2x10240x128xf32, #tpu.memory_space<hbm>> -> memref<1x128x128xf32, #tpu.memory_space<hbm>>
      %dma_start3A_56 = tpu.memref_squeeze %dma_start3A_55 : memref<1x128x128xf32, #tpu.memory_space<hbm>> -> memref<128x128xf32, #tpu.memory_space<hbm>>
      %dma_start3A_57 = arith.constant 0 : i32
      %dma_start3A_58 = tpu.memref_slice %arg5[%arg0, %add3A_46, %dma_start3A_57] : memref<2x10240x128xf32, #tpu.memory_space<hbm>> -> memref<1x128x128xf32, #tpu.memory_space<hbm>>
      %dma_start3A_59 = tpu.memref_squeeze %dma_start3A_58 : memref<1x128x128xf32, #tpu.memory_space<hbm>> -> memref<128x128xf32, #tpu.memory_space<hbm>>
      tpu.enqueue_dma source(%arg8 : memref<128x128xf32, #tpu.memory_space<vmem>>) target(%dma_start3A_59 : memref<128x128xf32, #tpu.memory_space<hbm>>) target_semaphore(%run_scoped3A : memref<!tpu.dma_semaphore, #tpu.memory_space<semaphore_mem>>)
      %dma_wait3A = arith.constant 0 : i32
      %dma_wait3A_60 = tpu.memref_slice %arg5[%arg0, %add3A_46, %dma_wait3A] : memref<2x10240x128xf32, #tpu.memory_space<hbm>> -> memref<1x128x128xf32, #tpu.memory_space<hbm>>
      %dma_wait3A_61 = tpu.memref_squeeze %dma_wait3A_60 : memref<1x128x128xf32, #tpu.memory_space<hbm>> -> memref<128x128xf32, #tpu.memory_space<hbm>>
      %dma_wait3A_62 = arith.constant 0 : i32
      %dma_wait3A_63 = tpu.memref_slice %arg5[%arg0, %add3A_46, %dma_wait3A_62] : memref<2x10240x128xf32, #tpu.memory_space<hbm>> -> memref<1x128x128xf32, #tpu.memory_space<hbm>>
      %dma_wait3A_64 = tpu.memref_squeeze %dma_wait3A_63 : memref<1x128x128xf32, #tpu.memory_space<hbm>> -> memref<128x128xf32, #tpu.memory_space<hbm>>
      tpu.wait_dma2 semaphore(%run_scoped3A : memref<!tpu.dma_semaphore, #tpu.memory_space<semaphore_mem>>) src(%arg8 : memref<128x128xf32, #tpu.memory_space<vmem>>) dst(%dma_wait3A_64 : memref<128x128xf32, #tpu.memory_space<hbm>>)
      tpu.yield
    }) : () -> ()
    %mul3A_47 = arith.constant 640 : i32
    %mul3A_48 = arith.muli %arg1, %mul3A_47 : i32
    %add3A_49 = arith.constant 384 : i32
    %add3A_50 = arith.addi %mul3A_48, %add3A_49 : i32
    "tpu.region"() ({
      %run_scoped3A = tpu.sem_alloc : memref<!tpu.dma_semaphore, #tpu.memory_space<semaphore_mem>>
      %dma_start3A = arith.constant 0 : i32
      %dma_start3A_55 = tpu.memref_slice %arg9[%add3A_50, %dma_start3A] : memref<10240x128xf32, #tpu.memory_space<vmem_shared>> -> memref<128x128xf32, #tpu.memory_space<vmem_shared>>
      %dma_start3A_56 = arith.constant 0 : i32
      %dma_start3A_57 = tpu.memref_slice %arg9[%add3A_50, %dma_start3A_56] : memref<10240x128xf32, #tpu.memory_space<vmem_shared>> -> memref<128x128xf32, #tpu.memory_space<vmem_shared>>
      tpu.enqueue_dma source(%dma_start3A_57 : memref<128x128xf32, #tpu.memory_space<vmem_shared>>) target(%arg8 : memref<128x128xf32, #tpu.memory_space<vmem>>) target_semaphore(%run_scoped3A : memref<!tpu.dma_semaphore, #tpu.memory_space<semaphore_mem>>)
      %dma_wait3A = arith.constant 0 : i32
      %dma_wait3A_58 = tpu.memref_slice %arg9[%add3A_50, %dma_wait3A] : memref<10240x128xf32, #tpu.memory_space<vmem_shared>> -> memref<128x128xf32, #tpu.memory_space<vmem_shared>>
      %dma_wait3A_59 = arith.constant 0 : i32
      %dma_wait3A_60 = tpu.memref_slice %arg9[%add3A_50, %dma_wait3A_59] : memref<10240x128xf32, #tpu.memory_space<vmem_shared>> -> memref<128x128xf32, #tpu.memory_space<vmem_shared>>
      tpu.wait_dma2 semaphore(%run_scoped3A : memref<!tpu.dma_semaphore, #tpu.memory_space<semaphore_mem>>) src(%dma_wait3A_60 : memref<128x128xf32, #tpu.memory_space<vmem_shared>>) dst(%arg8 : memref<128x128xf32, #tpu.memory_space<vmem>>)
      tpu.yield
    }) : () -> ()
    "tpu.region"() ({
      %run_scoped3A = tpu.sem_alloc : memref<!tpu.dma_semaphore, #tpu.memory_space<semaphore_mem>>
      %dma_start3A = arith.constant 0 : i32
      %dma_start3A_55 = tpu.memref_slice %arg5[%arg0, %add3A_50, %dma_start3A] : memref<2x10240x128xf32, #tpu.memory_space<hbm>> -> memref<1x128x128xf32, #tpu.memory_space<hbm>>
      %dma_start3A_56 = tpu.memref_squeeze %dma_start3A_55 : memref<1x128x128xf32, #tpu.memory_space<hbm>> -> memref<128x128xf32, #tpu.memory_space<hbm>>
      %dma_start3A_57 = arith.constant 0 : i32
      %dma_start3A_58 = tpu.memref_slice %arg5[%arg0, %add3A_50, %dma_start3A_57] : memref<2x10240x128xf32, #tpu.memory_space<hbm>> -> memref<1x128x128xf32, #tpu.memory_space<hbm>>
      %dma_start3A_59 = tpu.memref_squeeze %dma_start3A_58 : memref<1x128x128xf32, #tpu.memory_space<hbm>> -> memref<128x128xf32, #tpu.memory_space<hbm>>
      tpu.enqueue_dma source(%arg8 : memref<128x128xf32, #tpu.memory_space<vmem>>) target(%dma_start3A_59 : memref<128x128xf32, #tpu.memory_space<hbm>>) target_semaphore(%run_scoped3A : memref<!tpu.dma_semaphore, #tpu.memory_space<semaphore_mem>>)
      %dma_wait3A = arith.constant 0 : i32
      %dma_wait3A_60 = tpu.memref_slice %arg5[%arg0, %add3A_50, %dma_wait3A] : memref<2x10240x128xf32, #tpu.memory_space<hbm>> -> memref<1x128x128xf32, #tpu.memory_space<hbm>>
      %dma_wait3A_61 = tpu.memref_squeeze %dma_wait3A_60 : memref<1x128x128xf32, #tpu.memory_space<hbm>> -> memref<128x128xf32, #tpu.memory_space<hbm>>
      %dma_wait3A_62 = arith.constant 0 : i32
      %dma_wait3A_63 = tpu.memref_slice %arg5[%arg0, %add3A_50, %dma_wait3A_62] : memref<2x10240x128xf32, #tpu.memory_space<hbm>> -> memref<1x128x128xf32, #tpu.memory_space<hbm>>
      %dma_wait3A_64 = tpu.memref_squeeze %dma_wait3A_63 : memref<1x128x128xf32, #tpu.memory_space<hbm>> -> memref<128x128xf32, #tpu.memory_space<hbm>>
      tpu.wait_dma2 semaphore(%run_scoped3A : memref<!tpu.dma_semaphore, #tpu.memory_space<semaphore_mem>>) src(%arg8 : memref<128x128xf32, #tpu.memory_space<vmem>>) dst(%dma_wait3A_64 : memref<128x128xf32, #tpu.memory_space<hbm>>)
      tpu.yield
    }) : () -> ()
    %mul3A_51 = arith.constant 640 : i32
    %mul3A_52 = arith.muli %arg1, %mul3A_51 : i32
    %add3A_53 = arith.constant 512 : i32
    %add3A_54 = arith.addi %mul3A_52, %add3A_53 : i32
    "tpu.region"() ({
      %run_scoped3A = tpu.sem_alloc : memref<!tpu.dma_semaphore, #tpu.memory_space<semaphore_mem>>
      %dma_start3A = arith.constant 0 : i32
      %dma_start3A_55 = tpu.memref_slice %arg9[%add3A_54, %dma_start3A] : memref<10240x128xf32, #tpu.memory_space<vmem_shared>> -> memref<128x128xf32, #tpu.memory_space<vmem_shared>>
      %dma_start3A_56 = arith.constant 0 : i32
      %dma_start3A_57 = tpu.memref_slice %arg9[%add3A_54, %dma_start3A_56] : memref<10240x128xf32, #tpu.memory_space<vmem_shared>> -> memref<128x128xf32, #tpu.memory_space<vmem_shared>>
      tpu.enqueue_dma source(%dma_start3A_57 : memref<128x128xf32, #tpu.memory_space<vmem_shared>>) target(%arg8 : memref<128x128xf32, #tpu.memory_space<vmem>>) target_semaphore(%run_scoped3A : memref<!tpu.dma_semaphore, #tpu.memory_space<semaphore_mem>>)
      %dma_wait3A = arith.constant 0 : i32
      %dma_wait3A_58 = tpu.memref_slice %arg9[%add3A_54, %dma_wait3A] : memref<10240x128xf32, #tpu.memory_space<vmem_shared>> -> memref<128x128xf32, #tpu.memory_space<vmem_shared>>
      %dma_wait3A_59 = arith.constant 0 : i32
      %dma_wait3A_60 = tpu.memref_slice %arg9[%add3A_54, %dma_wait3A_59] : memref<10240x128xf32, #tpu.memory_space<vmem_shared>> -> memref<128x128xf32, #tpu.memory_space<vmem_shared>>
      tpu.wait_dma2 semaphore(%run_scoped3A : memref<!tpu.dma_semaphore, #tpu.memory_space<semaphore_mem>>) src(%dma_wait3A_60 : memref<128x128xf32, #tpu.memory_space<vmem_shared>>) dst(%arg8 : memref<128x128xf32, #tpu.memory_space<vmem>>)
      tpu.yield
    }) : () -> ()
    "tpu.region"() ({
      %run_scoped3A = tpu.sem_alloc : memref<!tpu.dma_semaphore, #tpu.memory_space<semaphore_mem>>
      %dma_start3A = arith.constant 0 : i32
      %dma_start3A_55 = tpu.memref_slice %arg5[%arg0, %add3A_54, %dma_start3A] : memref<2x10240x128xf32, #tpu.memory_space<hbm>> -> memref<1x128x128xf32, #tpu.memory_space<hbm>>
      %dma_start3A_56 = tpu.memref_squeeze %dma_start3A_55 : memref<1x128x128xf32, #tpu.memory_space<hbm>> -> memref<128x128xf32, #tpu.memory_space<hbm>>
      %dma_start3A_57 = arith.constant 0 : i32
      %dma_start3A_58 = tpu.memref_slice %arg5[%arg0, %add3A_54, %dma_start3A_57] : memref<2x10240x128xf32, #tpu.memory_space<hbm>> -> memref<1x128x128xf32, #tpu.memory_space<hbm>>
      %dma_start3A_59 = tpu.memref_squeeze %dma_start3A_58 : memref<1x128x128xf32, #tpu.memory_space<hbm>> -> memref<128x128xf32, #tpu.memory_space<hbm>>
      tpu.enqueue_dma source(%arg8 : memref<128x128xf32, #tpu.memory_space<vmem>>) target(%dma_start3A_59 : memref<128x128xf32, #tpu.memory_space<hbm>>) target_semaphore(%run_scoped3A : memref<!tpu.dma_semaphore, #tpu.memory_space<semaphore_mem>>)
      %dma_wait3A = arith.constant 0 : i32
      %dma_wait3A_60 = tpu.memref_slice %arg5[%arg0, %add3A_54, %dma_wait3A] : memref<2x10240x128xf32, #tpu.memory_space<hbm>> -> memref<1x128x128xf32, #tpu.memory_space<hbm>>
      %dma_wait3A_61 = tpu.memref_squeeze %dma_wait3A_60 : memref<1x128x128xf32, #tpu.memory_space<hbm>> -> memref<128x128xf32, #tpu.memory_space<hbm>>
      %dma_wait3A_62 = arith.constant 0 : i32
      %dma_wait3A_63 = tpu.memref_slice %arg5[%arg0, %add3A_54, %dma_wait3A_62] : memref<2x10240x128xf32, #tpu.memory_space<hbm>> -> memref<1x128x128xf32, #tpu.memory_space<hbm>>
      %dma_wait3A_64 = tpu.memref_squeeze %dma_wait3A_63 : memref<1x128x128xf32, #tpu.memory_space<hbm>> -> memref<128x128xf32, #tpu.memory_space<hbm>>
      tpu.wait_dma2 semaphore(%run_scoped3A : memref<!tpu.dma_semaphore, #tpu.memory_space<semaphore_mem>>) src(%arg8 : memref<128x128xf32, #tpu.memory_space<vmem>>) dst(%dma_wait3A_64 : memref<128x128xf32, #tpu.memory_space<hbm>>)
      tpu.yield
    }) : () -> ()
    return
  }
}

#map = affine_map<(d0, d1) -> (0, 0)>
#map1 = affine_map<(d0, d1) -> (0, 0, 0)>
module attributes {stable_mosaic.version = 14 : i64} {
  func.func @body_fn(%arg0: i32, %arg1: i32, %arg2: memref<10000x128xf32, #tpu.memory_space<hbm>>, %arg3: memref<32x79x128xi32, #tpu.memory_space<hbm>>, %arg4: memref<32x79x128xi32, #tpu.memory_space<hbm>>, %arg5: memref<2x10240x128xf32, #tpu.memory_space<hbm>>, %arg6: memref<128xi32, #tpu.memory_space<vmem>>, %arg7: memref<128xi32, #tpu.memory_space<vmem>>, %arg8: memref<128x128xf32, #tpu.memory_space<vmem>>, %arg9: memref<10240x128xf32, #tpu.memory_space<vmem_shared>>, %arg10: memref<!tpu.dma_semaphore, #tpu.memory_space<semaphore_mem>>) attributes {dimension_semantics = [#tpu.dimension_semantics<core_parallel>, #tpu.dimension_semantics<subcore_parallel>], iteration_bounds = array<i64: 2, 16>, scalar_prefetch = 0 : i64, scratch_operands = 5 : i64, tpu.core_type = #tpu.core_type<sc_vector_subcore>, window_params = [{transform_indices = #map}, {transform_indices = #map1}, {transform_indices = #map1}, {transform_indices = #map1}]} {
    %mul3A = arith.constant 16 : i32
    %mul3A_0 = arith.muli %arg0, %mul3A : i32
    %add3A = arith.addi %mul3A_0, %arg1 : i32
    %scan3A = arith.constant 0 : i32
    %scan3A_1 = arith.constant 0 : i32
    %scan3A_2 = arith.constant 128 : i32
    %scan3A_3 = arith.addi %scan3A_1, %scan3A_2 : i32
    %scan3A_4 = arith.constant 1 : i32
    %scan3A_5 = scf.for %scan3A_55 = %scan3A_1 to %scan3A_3 step %scan3A_4 iter_args(%scan3A_56 = %scan3A) -> (i32)  : i32 {
      %broadcast_in_dim3A = arith.constant 0.000000e+00 : f32
      %broadcast_in_dim3A_57 = vector.broadcast %broadcast_in_dim3A : f32 to vector<16xf32>
      %swap3A = arith.index_cast %scan3A_55 : i32 to index
      %swap3A_58 = arith.constant 0 : index
      %swap3A_59 = tpu.vector_load %arg8[%swap3A, %swap3A_58] {strides = array<i32>} : memref<128x128xf32, #tpu.memory_space<vmem>>, vector<1x16xf32>,
      %swap3A_60 = vector.shape_cast %swap3A_59 : vector<1x16xf32> to vector<16xf32>
      %swap3A_61 = vector.shape_cast %broadcast_in_dim3A_57 : vector<16xf32> to vector<1x16xf32>
      tpu.vector_store %arg8[%swap3A, %swap3A_58], %swap3A_61 {strides = array<i32>} : memref<128x128xf32, #tpu.memory_space<vmem>>, vector<1x16xf32>,
      %broadcast_in_dim3A_62 = arith.constant 0.000000e+00 : f32
      %broadcast_in_dim3A_63 = vector.broadcast %broadcast_in_dim3A_62 : f32 to vector<16xf32>
      %swap3A_64 = arith.index_cast %scan3A_55 : i32 to index
      %swap3A_65 = arith.constant 16 : index
      %swap3A_66 = tpu.vector_load %arg8[%swap3A_64, %swap3A_65] {strides = array<i32>} : memref<128x128xf32, #tpu.memory_space<vmem>>, vector<1x16xf32>,
      %swap3A_67 = vector.shape_cast %swap3A_66 : vector<1x16xf32> to vector<16xf32>
      %swap3A_68 = vector.shape_cast %broadcast_in_dim3A_63 : vector<16xf32> to vector<1x16xf32>
      tpu.vector_store %arg8[%swap3A_64, %swap3A_65], %swap3A_68 {strides = array<i32>} : memref<128x128xf32, #tpu.memory_space<vmem>>, vector<1x16xf32>,
      %broadcast_in_dim3A_69 = arith.constant 0.000000e+00 : f32
      %broadcast_in_dim3A_70 = vector.broadcast %broadcast_in_dim3A_69 : f32 to vector<16xf32>
      %swap3A_71 = arith.index_cast %scan3A_55 : i32 to index
      %swap3A_72 = arith.constant 32 : index
      %swap3A_73 = tpu.vector_load %arg8[%swap3A_71, %swap3A_72] {strides = array<i32>} : memref<128x128xf32, #tpu.memory_space<vmem>>, vector<1x16xf32>,
      %swap3A_74 = vector.shape_cast %swap3A_73 : vector<1x16xf32> to vector<16xf32>
      %swap3A_75 = vector.shape_cast %broadcast_in_dim3A_70 : vector<16xf32> to vector<1x16xf32>
      tpu.vector_store %arg8[%swap3A_71, %swap3A_72], %swap3A_75 {strides = array<i32>} : memref<128x128xf32, #tpu.memory_space<vmem>>, vector<1x16xf32>,
      %broadcast_in_dim3A_76 = arith.constant 0.000000e+00 : f32
      %broadcast_in_dim3A_77 = vector.broadcast %broadcast_in_dim3A_76 : f32 to vector<16xf32>
      %swap3A_78 = arith.index_cast %scan3A_55 : i32 to index
      %swap3A_79 = arith.constant 48 : index
      %swap3A_80 = tpu.vector_load %arg8[%swap3A_78, %swap3A_79] {strides = array<i32>} : memref<128x128xf32, #tpu.memory_space<vmem>>, vector<1x16xf32>,
      %swap3A_81 = vector.shape_cast %swap3A_80 : vector<1x16xf32> to vector<16xf32>
      %swap3A_82 = vector.shape_cast %broadcast_in_dim3A_77 : vector<16xf32> to vector<1x16xf32>
      tpu.vector_store %arg8[%swap3A_78, %swap3A_79], %swap3A_82 {strides = array<i32>} : memref<128x128xf32, #tpu.memory_space<vmem>>, vector<1x16xf32>,
      %broadcast_in_dim3A_83 = arith.constant 0.000000e+00 : f32
      %broadcast_in_dim3A_84 = vector.broadcast %broadcast_in_dim3A_83 : f32 to vector<16xf32>
      %swap3A_85 = arith.index_cast %scan3A_55 : i32 to index
      %swap3A_86 = arith.constant 64 : index
      %swap3A_87 = tpu.vector_load %arg8[%swap3A_85, %swap3A_86] {strides = array<i32>} : memref<128x128xf32, #tpu.memory_space<vmem>>, vector<1x16xf32>,
      %swap3A_88 = vector.shape_cast %swap3A_87 : vector<1x16xf32> to vector<16xf32>
      %swap3A_89 = vector.shape_cast %broadcast_in_dim3A_84 : vector<16xf32> to vector<1x16xf32>
      tpu.vector_store %arg8[%swap3A_85, %swap3A_86], %swap3A_89 {strides = array<i32>} : memref<128x128xf32, #tpu.memory_space<vmem>>, vector<1x16xf32>,
      %broadcast_in_dim3A_90 = arith.constant 0.000000e+00 : f32
      %broadcast_in_dim3A_91 = vector.broadcast %broadcast_in_dim3A_90 : f32 to vector<16xf32>
      %swap3A_92 = arith.index_cast %scan3A_55 : i32 to index
      %swap3A_93 = arith.constant 80 : index
      %swap3A_94 = tpu.vector_load %arg8[%swap3A_92, %swap3A_93] {strides = array<i32>} : memref<128x128xf32, #tpu.memory_space<vmem>>, vector<1x16xf32>,
      %swap3A_95 = vector.shape_cast %swap3A_94 : vector<1x16xf32> to vector<16xf32>
      %swap3A_96 = vector.shape_cast %broadcast_in_dim3A_91 : vector<16xf32> to vector<1x16xf32>
      tpu.vector_store %arg8[%swap3A_92, %swap3A_93], %swap3A_96 {strides = array<i32>} : memref<128x128xf32, #tpu.memory_space<vmem>>, vector<1x16xf32>,
      %broadcast_in_dim3A_97 = arith.constant 0.000000e+00 : f32
      %broadcast_in_dim3A_98 = vector.broadcast %broadcast_in_dim3A_97 : f32 to vector<16xf32>
      %swap3A_99 = arith.index_cast %scan3A_55 : i32 to index
      %swap3A_100 = arith.constant 96 : index
      %swap3A_101 = tpu.vector_load %arg8[%swap3A_99, %swap3A_100] {strides = array<i32>} : memref<128x128xf32, #tpu.memory_space<vmem>>, vector<1x16xf32>,
      %swap3A_102 = vector.shape_cast %swap3A_101 : vector<1x16xf32> to vector<16xf32>
      %swap3A_103 = vector.shape_cast %broadcast_in_dim3A_98 : vector<16xf32> to vector<1x16xf32>
      tpu.vector_store %arg8[%swap3A_99, %swap3A_100], %swap3A_103 {strides = array<i32>} : memref<128x128xf32, #tpu.memory_space<vmem>>, vector<1x16xf32>,
      %broadcast_in_dim3A_104 = arith.constant 0.000000e+00 : f32
      %broadcast_in_dim3A_105 = vector.broadcast %broadcast_in_dim3A_104 : f32 to vector<16xf32>
      %swap3A_106 = arith.index_cast %scan3A_55 : i32 to index
      %swap3A_107 = arith.constant 112 : index
      %swap3A_108 = tpu.vector_load %arg8[%swap3A_106, %swap3A_107] {strides = array<i32>} : memref<128x128xf32, #tpu.memory_space<vmem>>, vector<1x16xf32>,
      %swap3A_109 = vector.shape_cast %swap3A_108 : vector<1x16xf32> to vector<16xf32>
      %swap3A_110 = vector.shape_cast %broadcast_in_dim3A_105 : vector<16xf32> to vector<1x16xf32>
      tpu.vector_store %arg8[%swap3A_106, %swap3A_107], %swap3A_110 {strides = array<i32>} : memref<128x128xf32, #tpu.memory_space<vmem>>, vector<1x16xf32>,
      %scan3A_111 = arith.constant 0 : i32
      scf.yield %scan3A_111 : i32
    }
    %scan3A_6 = arith.constant 128 : i32
    %mul3A_7 = arith.constant 640 : i32
    %mul3A_8 = arith.muli %arg1, %mul3A_7 : i32
    %add3A_9 = arith.constant 0 : i32
    %add3A_10 = arith.addi %mul3A_8, %add3A_9 : i32
    "tpu.region"() ({
      %run_scoped3A = tpu.sem_alloc : memref<!tpu.dma_semaphore, #tpu.memory_space<semaphore_mem>>
      %dma_start3A = arith.constant 0 : i32
      %dma_start3A_55 = tpu.memref_slice %arg9[%add3A_10, %dma_start3A] : memref<10240x128xf32, #tpu.memory_space<vmem_shared>> -> memref<128x128xf32, #tpu.memory_space<vmem_shared>>
      %dma_start3A_56 = arith.constant 0 : i32
      %dma_start3A_57 = tpu.memref_slice %arg9[%add3A_10, %dma_start3A_56] : memref<10240x128xf32, #tpu.memory_space<vmem_shared>> -> memref<128x128xf32, #tpu.memory_space<vmem_shared>>
      tpu.enqueue_dma source(%arg8 : memref<128x128xf32, #tpu.memory_space<vmem>>) target(%dma_start3A_57 : memref<128x128xf32, #tpu.memory_space<vmem_shared>>) target_semaphore(%run_scoped3A : memref<!tpu.dma_semaphore, #tpu.memory_space<semaphore_mem>>)
      %dma_wait3A = arith.constant 0 : i32
      %dma_wait3A_58 = tpu.memref_slice %arg9[%add3A_10, %dma_wait3A] : memref<10240x128xf32, #tpu.memory_space<vmem_shared>> -> memref<128x128xf32, #tpu.memory_space<vmem_shared>>
      %dma_wait3A_59 = arith.constant 0 : i32
      %dma_wait3A_60 = tpu.memref_slice %arg9[%add3A_10, %dma_wait3A_59] : memref<10240x128xf32, #tpu.memory_space<vmem_shared>> -> memref<128x128xf32, #tpu.memory_space<vmem_shared>>
      tpu.wait_dma2 semaphore(%run_scoped3A : memref<!tpu.dma_semaphore, #tpu.memory_space<semaphore_mem>>) src(%arg8 : memref<128x128xf32, #tpu.memory_space<vmem>>) dst(%dma_wait3A_60 : memref<128x128xf32, #tpu.memory_space<vmem_shared>>)
      tpu.yield
    }) : () -> ()
    %mul3A_11 = arith.constant 640 : i32
    %mul3A_12 = arith.muli %arg1, %mul3A_11 : i32
    %add3A_13 = arith.constant 128 : i32
    %add3A_14 = arith.addi %mul3A_12, %add3A_13 : i32
    "tpu.region"() ({
      %run_scoped3A = tpu.sem_alloc : memref<!tpu.dma_semaphore, #tpu.memory_space<semaphore_mem>>
      %dma_start3A = arith.constant 0 : i32
      %dma_start3A_55 = tpu.memref_slice %arg9[%add3A_14, %dma_start3A] : memref<10240x128xf32, #tpu.memory_space<vmem_shared>> -> memref<128x128xf32, #tpu.memory_space<vmem_shared>>
      %dma_start3A_56 = arith.constant 0 : i32
      %dma_start3A_57 = tpu.memref_slice %arg9[%add3A_14, %dma_start3A_56] : memref<10240x128xf32, #tpu.memory_space<vmem_shared>> -> memref<128x128xf32, #tpu.memory_space<vmem_shared>>
      tpu.enqueue_dma source(%arg8 : memref<128x128xf32, #tpu.memory_space<vmem>>) target(%dma_start3A_57 : memref<128x128xf32, #tpu.memory_space<vmem_shared>>) target_semaphore(%run_scoped3A : memref<!tpu.dma_semaphore, #tpu.memory_space<semaphore_mem>>)
      %dma_wait3A = arith.constant 0 : i32
      %dma_wait3A_58 = tpu.memref_slice %arg9[%add3A_14, %dma_wait3A] : memref<10240x128xf32, #tpu.memory_space<vmem_shared>> -> memref<128x128xf32, #tpu.memory_space<vmem_shared>>
      %dma_wait3A_59 = arith.constant 0 : i32
      %dma_wait3A_60 = tpu.memref_slice %arg9[%add3A_14, %dma_wait3A_59] : memref<10240x128xf32, #tpu.memory_space<vmem_shared>> -> memref<128x128xf32, #tpu.memory_space<vmem_shared>>
      tpu.wait_dma2 semaphore(%run_scoped3A : memref<!tpu.dma_semaphore, #tpu.memory_space<semaphore_mem>>) src(%arg8 : memref<128x128xf32, #tpu.memory_space<vmem>>) dst(%dma_wait3A_60 : memref<128x128xf32, #tpu.memory_space<vmem_shared>>)
      tpu.yield
    }) : () -> ()
    %mul3A_15 = arith.constant 640 : i32
    %mul3A_16 = arith.muli %arg1, %mul3A_15 : i32
    %add3A_17 = arith.constant 256 : i32
    %add3A_18 = arith.addi %mul3A_16, %add3A_17 : i32
    "tpu.region"() ({
      %run_scoped3A = tpu.sem_alloc : memref<!tpu.dma_semaphore, #tpu.memory_space<semaphore_mem>>
      %dma_start3A = arith.constant 0 : i32
      %dma_start3A_55 = tpu.memref_slice %arg9[%add3A_18, %dma_start3A] : memref<10240x128xf32, #tpu.memory_space<vmem_shared>> -> memref<128x128xf32, #tpu.memory_space<vmem_shared>>
      %dma_start3A_56 = arith.constant 0 : i32
      %dma_start3A_57 = tpu.memref_slice %arg9[%add3A_18, %dma_start3A_56] : memref<10240x128xf32, #tpu.memory_space<vmem_shared>> -> memref<128x128xf32, #tpu.memory_space<vmem_shared>>
      tpu.enqueue_dma source(%arg8 : memref<128x128xf32, #tpu.memory_space<vmem>>) target(%dma_start3A_57 : memref<128x128xf32, #tpu.memory_space<vmem_shared>>) target_semaphore(%run_scoped3A : memref<!tpu.dma_semaphore, #tpu.memory_space<semaphore_mem>>)
      %dma_wait3A = arith.constant 0 : i32
      %dma_wait3A_58 = tpu.memref_slice %arg9[%add3A_18, %dma_wait3A] : memref<10240x128xf32, #tpu.memory_space<vmem_shared>> -> memref<128x128xf32, #tpu.memory_space<vmem_shared>>
      %dma_wait3A_59 = arith.constant 0 : i32
      %dma_wait3A_60 = tpu.memref_slice %arg9[%add3A_18, %dma_wait3A_59] : memref<10240x128xf32, #tpu.memory_space<vmem_shared>> -> memref<128x128xf32, #tpu.memory_space<vmem_shared>>
      tpu.wait_dma2 semaphore(%run_scoped3A : memref<!tpu.dma_semaphore, #tpu.memory_space<semaphore_mem>>) src(%arg8 : memref<128x128xf32, #tpu.memory_space<vmem>>) dst(%dma_wait3A_60 : memref<128x128xf32, #tpu.memory_space<vmem_shared>>)
      tpu.yield
    }) : () -> ()
    %mul3A_19 = arith.constant 640 : i32
    %mul3A_20 = arith.muli %arg1, %mul3A_19 : i32
    %add3A_21 = arith.constant 384 : i32
    %add3A_22 = arith.addi %mul3A_20, %add3A_21 : i32
    "tpu.region"() ({
      %run_scoped3A = tpu.sem_alloc : memref<!tpu.dma_semaphore, #tpu.memory_space<semaphore_mem>>
      %dma_start3A = arith.constant 0 : i32
      %dma_start3A_55 = tpu.memref_slice %arg9[%add3A_22, %dma_start3A] : memref<10240x128xf32, #tpu.memory_space<vmem_shared>> -> memref<128x128xf32, #tpu.memory_space<vmem_shared>>
      %dma_start3A_56 = arith.constant 0 : i32
      %dma_start3A_57 = tpu.memref_slice %arg9[%add3A_22, %dma_start3A_56] : memref<10240x128xf32, #tpu.memory_space<vmem_shared>> -> memref<128x128xf32, #tpu.memory_space<vmem_shared>>
      tpu.enqueue_dma source(%arg8 : memref<128x128xf32, #tpu.memory_space<vmem>>) target(%dma_start3A_57 : memref<128x128xf32, #tpu.memory_space<vmem_shared>>) target_semaphore(%run_scoped3A : memref<!tpu.dma_semaphore, #tpu.memory_space<semaphore_mem>>)
      %dma_wait3A = arith.constant 0 : i32
      %dma_wait3A_58 = tpu.memref_slice %arg9[%add3A_22, %dma_wait3A] : memref<10240x128xf32, #tpu.memory_space<vmem_shared>> -> memref<128x128xf32, #tpu.memory_space<vmem_shared>>
      %dma_wait3A_59 = arith.constant 0 : i32
      %dma_wait3A_60 = tpu.memref_slice %arg9[%add3A_22, %dma_wait3A_59] : memref<10240x128xf32, #tpu.memory_space<vmem_shared>> -> memref<128x128xf32, #tpu.memory_space<vmem_shared>>
      tpu.wait_dma2 semaphore(%run_scoped3A : memref<!tpu.dma_semaphore, #tpu.memory_space<semaphore_mem>>) src(%arg8 : memref<128x128xf32, #tpu.memory_space<vmem>>) dst(%dma_wait3A_60 : memref<128x128xf32, #tpu.memory_space<vmem_shared>>)
      tpu.yield
    }) : () -> ()
    %mul3A_23 = arith.constant 640 : i32
    %mul3A_24 = arith.muli %arg1, %mul3A_23 : i32
    %add3A_25 = arith.constant 512 : i32
    %add3A_26 = arith.addi %mul3A_24, %add3A_25 : i32
    "tpu.region"() ({
      %run_scoped3A = tpu.sem_alloc : memref<!tpu.dma_semaphore, #tpu.memory_space<semaphore_mem>>
      %dma_start3A = arith.constant 0 : i32
      %dma_start3A_55 = tpu.memref_slice %arg9[%add3A_26, %dma_start3A] : memref<10240x128xf32, #tpu.memory_space<vmem_shared>> -> memref<128x128xf32, #tpu.memory_space<vmem_shared>>
      %dma_start3A_56 = arith.constant 0 : i32
      %dma_start3A_57 = tpu.memref_slice %arg9[%add3A_26, %dma_start3A_56] : memref<10240x128xf32, #tpu.memory_space<vmem_shared>> -> memref<128x128xf32, #tpu.memory_space<vmem_shared>>
      tpu.enqueue_dma source(%arg8 : memref<128x128xf32, #tpu.memory_space<vmem>>) target(%dma_start3A_57 : memref<128x128xf32, #tpu.memory_space<vmem_shared>>) target_semaphore(%run_scoped3A : memref<!tpu.dma_semaphore, #tpu.memory_space<semaphore_mem>>)
      %dma_wait3A = arith.constant 0 : i32
      %dma_wait3A_58 = tpu.memref_slice %arg9[%add3A_26, %dma_wait3A] : memref<10240x128xf32, #tpu.memory_space<vmem_shared>> -> memref<128x128xf32, #tpu.memory_space<vmem_shared>>
      %dma_wait3A_59 = arith.constant 0 : i32
      %dma_wait3A_60 = tpu.memref_slice %arg9[%add3A_26, %dma_wait3A_59] : memref<10240x128xf32, #tpu.memory_space<vmem_shared>> -> memref<128x128xf32, #tpu.memory_space<vmem_shared>>
      tpu.wait_dma2 semaphore(%run_scoped3A : memref<!tpu.dma_semaphore, #tpu.memory_space<semaphore_mem>>) src(%arg8 : memref<128x128xf32, #tpu.memory_space<vmem>>) dst(%dma_wait3A_60 : memref<128x128xf32, #tpu.memory_space<vmem_shared>>)
      tpu.yield
    }) : () -> ()
    %barrier3A = arith.constant 0 : index
    tpu.barrier barrier_id(%barrier3A)
    %scan3A_27 = arith.constant 0 : i32
    %scan3A_28 = arith.constant 0 : i32
    %scan3A_29 = arith.constant 79 : i32
    %scan3A_30 = arith.addi %scan3A_28, %scan3A_29 : i32
    %scan3A_31 = arith.constant 1 : i32
    %scan3A_32 = scf.for %scan3A_55 = %scan3A_28 to %scan3A_30 step %scan3A_31 iter_args(%scan3A_56 = %scan3A_27) -> (i32)  : i32 {
      "tpu.region"() ({
        %run_scoped3A = tpu.sem_alloc : memref<!tpu.dma_semaphore, #tpu.memory_space<semaphore_mem>>
        %dma_start3A_62 = arith.constant 0 : i32
        %dma_start3A_63 = tpu.memref_slice %arg3[%add3A, %scan3A_55, %dma_start3A_62] : memref<32x79x128xi32, #tpu.memory_space<hbm>> -> memref<1x1x128xi32, #tpu.memory_space<hbm>>
        %dma_start3A_64 = tpu.memref_squeeze %dma_start3A_63 : memref<1x1x128xi32, #tpu.memory_space<hbm>> -> memref<128xi32, #tpu.memory_space<hbm>>
        %dma_start3A_65 = arith.constant 0 : i32
        %dma_start3A_66 = tpu.memref_slice %arg3[%add3A, %scan3A_55, %dma_start3A_65] : memref<32x79x128xi32, #tpu.memory_space<hbm>> -> memref<1x1x128xi32, #tpu.memory_space<hbm>>
        %dma_start3A_67 = tpu.memref_squeeze %dma_start3A_66 : memref<1x1x128xi32, #tpu.memory_space<hbm>> -> memref<128xi32, #tpu.memory_space<hbm>>
        tpu.enqueue_dma source(%dma_start3A_67 : memref<128xi32, #tpu.memory_space<hbm>>) target(%arg6 : memref<128xi32, #tpu.memory_space<vmem>>) target_semaphore(%run_scoped3A : memref<!tpu.dma_semaphore, #tpu.memory_space<semaphore_mem>>)
        %dma_wait3A_68 = arith.constant 0 : i32
        %dma_wait3A_69 = tpu.memref_slice %arg3[%add3A, %scan3A_55, %dma_wait3A_68] : memref<32x79x128xi32, #tpu.memory_space<hbm>> -> memref<1x1x128xi32, #tpu.memory_space<hbm>>
        %dma_wait3A_70 = tpu.memref_squeeze %dma_wait3A_69 : memref<1x1x128xi32, #tpu.memory_space<hbm>> -> memref<128xi32, #tpu.memory_space<hbm>>
        %dma_wait3A_71 = arith.constant 0 : i32
        %dma_wait3A_72 = tpu.memref_slice %arg3[%add3A, %scan3A_55, %dma_wait3A_71] : memref<32x79x128xi32, #tpu.memory_space<hbm>> -> memref<1x1x128xi32, #tpu.memory_space<hbm>>
        %dma_wait3A_73 = tpu.memref_squeeze %dma_wait3A_72 : memref<1x1x128xi32, #tpu.memory_space<hbm>> -> memref<128xi32, #tpu.memory_space<hbm>>
        tpu.wait_dma2 semaphore(%run_scoped3A : memref<!tpu.dma_semaphore, #tpu.memory_space<semaphore_mem>>) src(%dma_wait3A_73 : memref<128xi32, #tpu.memory_space<hbm>>) dst(%arg6 : memref<128xi32, #tpu.memory_space<vmem>>)
        tpu.yield
      }) : () -> ()
      "tpu.region"() ({
        %run_scoped3A = tpu.sem_alloc : memref<!tpu.dma_semaphore, #tpu.memory_space<semaphore_mem>>
        %dma_start3A_62 = arith.constant 0 : i32
        %dma_start3A_63 = tpu.memref_slice %arg4[%add3A, %scan3A_55, %dma_start3A_62] : memref<32x79x128xi32, #tpu.memory_space<hbm>> -> memref<1x1x128xi32, #tpu.memory_space<hbm>>
        %dma_start3A_64 = tpu.memref_squeeze %dma_start3A_63 : memref<1x1x128xi32, #tpu.memory_space<hbm>> -> memref<128xi32, #tpu.memory_space<hbm>>
        %dma_start3A_65 = arith.constant 0 : i32
        %dma_start3A_66 = tpu.memref_slice %arg4[%add3A, %scan3A_55, %dma_start3A_65] : memref<32x79x128xi32, #tpu.memory_space<hbm>> -> memref<1x1x128xi32, #tpu.memory_space<hbm>>
        %dma_start3A_67 = tpu.memref_squeeze %dma_start3A_66 : memref<1x1x128xi32, #tpu.memory_space<hbm>> -> memref<128xi32, #tpu.memory_space<hbm>>
        tpu.enqueue_dma source(%dma_start3A_67 : memref<128xi32, #tpu.memory_space<hbm>>) target(%arg7 : memref<128xi32, #tpu.memory_space<vmem>>) target_semaphore(%run_scoped3A : memref<!tpu.dma_semaphore, #tpu.memory_space<semaphore_mem>>)
        %dma_wait3A_68 = arith.constant 0 : i32
        %dma_wait3A_69 = tpu.memref_slice %arg4[%add3A, %scan3A_55, %dma_wait3A_68] : memref<32x79x128xi32, #tpu.memory_space<hbm>> -> memref<1x1x128xi32, #tpu.memory_space<hbm>>
        %dma_wait3A_70 = tpu.memref_squeeze %dma_wait3A_69 : memref<1x1x128xi32, #tpu.memory_space<hbm>> -> memref<128xi32, #tpu.memory_space<hbm>>
        %dma_wait3A_71 = arith.constant 0 : i32
        %dma_wait3A_72 = tpu.memref_slice %arg4[%add3A, %scan3A_55, %dma_wait3A_71] : memref<32x79x128xi32, #tpu.memory_space<hbm>> -> memref<1x1x128xi32, #tpu.memory_space<hbm>>
        %dma_wait3A_73 = tpu.memref_squeeze %dma_wait3A_72 : memref<1x1x128xi32, #tpu.memory_space<hbm>> -> memref<128xi32, #tpu.memory_space<hbm>>
        tpu.wait_dma2 semaphore(%run_scoped3A : memref<!tpu.dma_semaphore, #tpu.memory_space<semaphore_mem>>) src(%dma_wait3A_73 : memref<128xi32, #tpu.memory_space<hbm>>) dst(%arg7 : memref<128xi32, #tpu.memory_space<vmem>>)
        tpu.yield
      }) : () -> ()
      %dma_start3A = arith.constant 0 : i32
      %dma_start3A_57 = arith.constant 0 : i32
      %dma_start3A_58 = tpu.memref_slice %arg2[%dma_start3A, %dma_start3A_57] : memref<10000x128xf32, #tpu.memory_space<hbm>> -> memref<10000x128xf32, #tpu.memory_space<hbm>>
      tpu.enqueue_indirect_dma source(%dma_start3A_58 : memref<10000x128xf32, #tpu.memory_space<hbm>>) target(%arg8 : memref<128x128xf32, #tpu.memory_space<vmem>>) offsets(%arg6 : memref<128xi32, #tpu.memory_space<vmem>>) semaphore(%arg10 : memref<!tpu.dma_semaphore, #tpu.memory_space<semaphore_mem>>)
      %dma_wait3A = arith.constant 0 : i32
      %dma_wait3A_59 = arith.constant 0 : i32
      %dma_wait3A_60 = tpu.memref_slice %arg2[%dma_wait3A, %dma_wait3A_59] : memref<10000x128xf32, #tpu.memory_space<hbm>> -> memref<10000x128xf32, #tpu.memory_space<hbm>>
      tpu.wait_indirect_dma semaphore(%arg10 : memref<!tpu.dma_semaphore, #tpu.memory_space<semaphore_mem>>) src(%dma_wait3A_60 : memref<10000x128xf32, #tpu.memory_space<hbm>>) dst(%arg8 : memref<128x128xf32, #tpu.memory_space<vmem>>)
      "tpu.region"() ({
        %run_scoped3A = tpu.sem_alloc : memref<!tpu.dma_semaphore, #tpu.memory_space<semaphore_mem>>
        %dma_start3A_62 = arith.constant 0 : i32
        %dma_start3A_63 = arith.constant 0 : i32
        %dma_start3A_64 = tpu.memref_slice %arg9[%dma_start3A_62, %dma_start3A_63] : memref<10240x128xf32, #tpu.memory_space<vmem_shared>> -> memref<10240x128xf32, #tpu.memory_space<vmem_shared>>
        tpu.enqueue_indirect_dma source(%arg8 : memref<128x128xf32, #tpu.memory_space<vmem>>) target(%dma_start3A_64 : memref<10240x128xf32, #tpu.memory_space<vmem_shared>>) offsets(%arg7 : memref<128xi32, #tpu.memory_space<vmem>>) semaphore(%run_scoped3A : memref<!tpu.dma_semaphore, #tpu.memory_space<semaphore_mem>>) {add = true}
        %dma_wait3A_65 = arith.constant 0 : i32
        %dma_wait3A_66 = arith.constant 0 : i32
        %dma_wait3A_67 = tpu.memref_slice %arg9[%dma_wait3A_65, %dma_wait3A_66] : memref<10240x128xf32, #tpu.memory_space<vmem_shared>> -> memref<10240x128xf32, #tpu.memory_space<vmem_shared>>
        tpu.wait_indirect_dma semaphore(%run_scoped3A : memref<!tpu.dma_semaphore, #tpu.memory_space<semaphore_mem>>) src(%arg8 : memref<128x128xf32, #tpu.memory_space<vmem>>) dst(%dma_wait3A_67 : memref<10240x128xf32, #tpu.memory_space<vmem_shared>>)
        tpu.yield
      }) : () -> ()
      %scan3A_61 = arith.constant 0 : i32
      scf.yield %scan3A_61 : i32
    }
    %scan3A_33 = arith.constant 79 : i32
    %barrier3A_34 = arith.constant 0 : index
    tpu.barrier barrier_id(%barrier3A_34)
    %mul3A_35 = arith.constant 640 : i32
    %mul3A_36 = arith.muli %arg1, %mul3A_35 : i32
    %add3A_37 = arith.constant 0 : i32
    %add3A_38 = arith.addi %mul3A_36, %add3A_37 : i32
    "tpu.region"() ({
      %run_scoped3A = tpu.sem_alloc : memref<!tpu.dma_semaphore, #tpu.memory_space<semaphore_mem>>
      %dma_start3A = arith.constant 0 : i32
      %dma_start3A_55 = tpu.memref_slice %arg9[%add3A_38, %dma_start3A] : memref<10240x128xf32, #tpu.memory_space<vmem_shared>> -> memref<128x128xf32, #tpu.memory_space<vmem_shared>>
      %dma_start3A_56 = arith.constant 0 : i32
      %dma_start3A_57 = tpu.memref_slice %arg9[%add3A_38, %dma_start3A_56] : memref<10240x128xf32, #tpu.memory_space<vmem_shared>> -> memref<128x128xf32, #tpu.memory_space<vmem_shared>>
      tpu.enqueue_dma source(%dma_start3A_57 : memref<128x128xf32, #tpu.memory_space<vmem_shared>>) target(%arg8 : memref<128x128xf32, #tpu.memory_space<vmem>>) target_semaphore(%run_scoped3A : memref<!tpu.dma_semaphore, #tpu.memory_space<semaphore_mem>>)
      %dma_wait3A = arith.constant 0 : i32
      %dma_wait3A_58 = tpu.memref_slice %arg9[%add3A_38, %dma_wait3A] : memref<10240x128xf32, #tpu.memory_space<vmem_shared>> -> memref<128x128xf32, #tpu.memory_space<vmem_shared>>
      %dma_wait3A_59 = arith.constant 0 : i32
      %dma_wait3A_60 = tpu.memref_slice %arg9[%add3A_38, %dma_wait3A_59] : memref<10240x128xf32, #tpu.memory_space<vmem_shared>> -> memref<128x128xf32, #tpu.memory_space<vmem_shared>>
      tpu.wait_dma2 semaphore(%run_scoped3A : memref<!tpu.dma_semaphore, #tpu.memory_space<semaphore_mem>>) src(%dma_wait3A_60 : memref<128x128xf32, #tpu.memory_space<vmem_shared>>) dst(%arg8 : memref<128x128xf32, #tpu.memory_space<vmem>>)
      tpu.yield
    }) : () -> ()
    "tpu.region"() ({
      %run_scoped3A = tpu.sem_alloc : memref<!tpu.dma_semaphore, #tpu.memory_space<semaphore_mem>>
      %dma_start3A = arith.constant 0 : i32
      %dma_start3A_55 = tpu.memref_slice %arg5[%arg0, %add3A_38, %dma_start3A] : memref<2x10240x128xf32, #tpu.memory_space<hbm>> -> memref<1x128x128xf32, #tpu.memory_space<hbm>>
      %dma_start3A_56 = tpu.memref_squeeze %dma_start3A_55 : memref<1x128x128xf32, #tpu.memory_space<hbm>> -> memref<128x128xf32, #tpu.memory_space<hbm>>
      %dma_start3A_57 = arith.constant 0 : i32
      %dma_start3A_58 = tpu.memref_slice %arg5[%arg0, %add3A_38, %dma_start3A_57] : memref<2x10240x128xf32, #tpu.memory_space<hbm>> -> memref<1x128x128xf32, #tpu.memory_space<hbm>>
      %dma_start3A_59 = tpu.memref_squeeze %dma_start3A_58 : memref<1x128x128xf32, #tpu.memory_space<hbm>> -> memref<128x128xf32, #tpu.memory_space<hbm>>
      tpu.enqueue_dma source(%arg8 : memref<128x128xf32, #tpu.memory_space<vmem>>) target(%dma_start3A_59 : memref<128x128xf32, #tpu.memory_space<hbm>>) target_semaphore(%run_scoped3A : memref<!tpu.dma_semaphore, #tpu.memory_space<semaphore_mem>>)
      %dma_wait3A = arith.constant 0 : i32
      %dma_wait3A_60 = tpu.memref_slice %arg5[%arg0, %add3A_38, %dma_wait3A] : memref<2x10240x128xf32, #tpu.memory_space<hbm>> -> memref<1x128x128xf32, #tpu.memory_space<hbm>>
      %dma_wait3A_61 = tpu.memref_squeeze %dma_wait3A_60 : memref<1x128x128xf32, #tpu.memory_space<hbm>> -> memref<128x128xf32, #tpu.memory_space<hbm>>
      %dma_wait3A_62 = arith.constant 0 : i32
      %dma_wait3A_63 = tpu.memref_slice %arg5[%arg0, %add3A_38, %dma_wait3A_62] : memref<2x10240x128xf32, #tpu.memory_space<hbm>> -> memref<1x128x128xf32, #tpu.memory_space<hbm>>
      %dma_wait3A_64 = tpu.memref_squeeze %dma_wait3A_63 : memref<1x128x128xf32, #tpu.memory_space<hbm>> -> memref<128x128xf32, #tpu.memory_space<hbm>>
      tpu.wait_dma2 semaphore(%run_scoped3A : memref<!tpu.dma_semaphore, #tpu.memory_space<semaphore_mem>>) src(%arg8 : memref<128x128xf32, #tpu.memory_space<vmem>>) dst(%dma_wait3A_64 : memref<128x128xf32, #tpu.memory_space<hbm>>)
      tpu.yield
    }) : () -> ()
    %mul3A_39 = arith.constant 640 : i32
    %mul3A_40 = arith.muli %arg1, %mul3A_39 : i32
    %add3A_41 = arith.constant 128 : i32
    %add3A_42 = arith.addi %mul3A_40, %add3A_41 : i32
    "tpu.region"() ({
      %run_scoped3A = tpu.sem_alloc : memref<!tpu.dma_semaphore, #tpu.memory_space<semaphore_mem>>
      %dma_start3A = arith.constant 0 : i32
      %dma_start3A_55 = tpu.memref_slice %arg9[%add3A_42, %dma_start3A] : memref<10240x128xf32, #tpu.memory_space<vmem_shared>> -> memref<128x128xf32, #tpu.memory_space<vmem_shared>>
      %dma_start3A_56 = arith.constant 0 : i32
      %dma_start3A_57 = tpu.memref_slice %arg9[%add3A_42, %dma_start3A_56] : memref<10240x128xf32, #tpu.memory_space<vmem_shared>> -> memref<128x128xf32, #tpu.memory_space<vmem_shared>>
      tpu.enqueue_dma source(%dma_start3A_57 : memref<128x128xf32, #tpu.memory_space<vmem_shared>>) target(%arg8 : memref<128x128xf32, #tpu.memory_space<vmem>>) target_semaphore(%run_scoped3A : memref<!tpu.dma_semaphore, #tpu.memory_space<semaphore_mem>>)
      %dma_wait3A = arith.constant 0 : i32
      %dma_wait3A_58 = tpu.memref_slice %arg9[%add3A_42, %dma_wait3A] : memref<10240x128xf32, #tpu.memory_space<vmem_shared>> -> memref<128x128xf32, #tpu.memory_space<vmem_shared>>
      %dma_wait3A_59 = arith.constant 0 : i32
      %dma_wait3A_60 = tpu.memref_slice %arg9[%add3A_42, %dma_wait3A_59] : memref<10240x128xf32, #tpu.memory_space<vmem_shared>> -> memref<128x128xf32, #tpu.memory_space<vmem_shared>>
      tpu.wait_dma2 semaphore(%run_scoped3A : memref<!tpu.dma_semaphore, #tpu.memory_space<semaphore_mem>>) src(%dma_wait3A_60 : memref<128x128xf32, #tpu.memory_space<vmem_shared>>) dst(%arg8 : memref<128x128xf32, #tpu.memory_space<vmem>>)
      tpu.yield
    }) : () -> ()
    "tpu.region"() ({
      %run_scoped3A = tpu.sem_alloc : memref<!tpu.dma_semaphore, #tpu.memory_space<semaphore_mem>>
      %dma_start3A = arith.constant 0 : i32
      %dma_start3A_55 = tpu.memref_slice %arg5[%arg0, %add3A_42, %dma_start3A] : memref<2x10240x128xf32, #tpu.memory_space<hbm>> -> memref<1x128x128xf32, #tpu.memory_space<hbm>>
      %dma_start3A_56 = tpu.memref_squeeze %dma_start3A_55 : memref<1x128x128xf32, #tpu.memory_space<hbm>> -> memref<128x128xf32, #tpu.memory_space<hbm>>
      %dma_start3A_57 = arith.constant 0 : i32
      %dma_start3A_58 = tpu.memref_slice %arg5[%arg0, %add3A_42, %dma_start3A_57] : memref<2x10240x128xf32, #tpu.memory_space<hbm>> -> memref<1x128x128xf32, #tpu.memory_space<hbm>>
      %dma_start3A_59 = tpu.memref_squeeze %dma_start3A_58 : memref<1x128x128xf32, #tpu.memory_space<hbm>> -> memref<128x128xf32, #tpu.memory_space<hbm>>
      tpu.enqueue_dma source(%arg8 : memref<128x128xf32, #tpu.memory_space<vmem>>) target(%dma_start3A_59 : memref<128x128xf32, #tpu.memory_space<hbm>>) target_semaphore(%run_scoped3A : memref<!tpu.dma_semaphore, #tpu.memory_space<semaphore_mem>>)
      %dma_wait3A = arith.constant 0 : i32
      %dma_wait3A_60 = tpu.memref_slice %arg5[%arg0, %add3A_42, %dma_wait3A] : memref<2x10240x128xf32, #tpu.memory_space<hbm>> -> memref<1x128x128xf32, #tpu.memory_space<hbm>>
      %dma_wait3A_61 = tpu.memref_squeeze %dma_wait3A_60 : memref<1x128x128xf32, #tpu.memory_space<hbm>> -> memref<128x128xf32, #tpu.memory_space<hbm>>
      %dma_wait3A_62 = arith.constant 0 : i32
      %dma_wait3A_63 = tpu.memref_slice %arg5[%arg0, %add3A_42, %dma_wait3A_62] : memref<2x10240x128xf32, #tpu.memory_space<hbm>> -> memref<1x128x128xf32, #tpu.memory_space<hbm>>
      %dma_wait3A_64 = tpu.memref_squeeze %dma_wait3A_63 : memref<1x128x128xf32, #tpu.memory_space<hbm>> -> memref<128x128xf32, #tpu.memory_space<hbm>>
      tpu.wait_dma2 semaphore(%run_scoped3A : memref<!tpu.dma_semaphore, #tpu.memory_space<semaphore_mem>>) src(%arg8 : memref<128x128xf32, #tpu.memory_space<vmem>>) dst(%dma_wait3A_64 : memref<128x128xf32, #tpu.memory_space<hbm>>)
      tpu.yield
    }) : () -> ()
    %mul3A_43 = arith.constant 640 : i32
    %mul3A_44 = arith.muli %arg1, %mul3A_43 : i32
    %add3A_45 = arith.constant 256 : i32
    %add3A_46 = arith.addi %mul3A_44, %add3A_45 : i32
    "tpu.region"() ({
      %run_scoped3A = tpu.sem_alloc : memref<!tpu.dma_semaphore, #tpu.memory_space<semaphore_mem>>
      %dma_start3A = arith.constant 0 : i32
      %dma_start3A_55 = tpu.memref_slice %arg9[%add3A_46, %dma_start3A] : memref<10240x128xf32, #tpu.memory_space<vmem_shared>> -> memref<128x128xf32, #tpu.memory_space<vmem_shared>>
      %dma_start3A_56 = arith.constant 0 : i32
      %dma_start3A_57 = tpu.memref_slice %arg9[%add3A_46, %dma_start3A_56] : memref<10240x128xf32, #tpu.memory_space<vmem_shared>> -> memref<128x128xf32, #tpu.memory_space<vmem_shared>>
      tpu.enqueue_dma source(%dma_start3A_57 : memref<128x128xf32, #tpu.memory_space<vmem_shared>>) target(%arg8 : memref<128x128xf32, #tpu.memory_space<vmem>>) target_semaphore(%run_scoped3A : memref<!tpu.dma_semaphore, #tpu.memory_space<semaphore_mem>>)
      %dma_wait3A = arith.constant 0 : i32
      %dma_wait3A_58 = tpu.memref_slice %arg9[%add3A_46, %dma_wait3A] : memref<10240x128xf32, #tpu.memory_space<vmem_shared>> -> memref<128x128xf32, #tpu.memory_space<vmem_shared>>
      %dma_wait3A_59 = arith.constant 0 : i32
      %dma_wait3A_60 = tpu.memref_slice %arg9[%add3A_46, %dma_wait3A_59] : memref<10240x128xf32, #tpu.memory_space<vmem_shared>> -> memref<128x128xf32, #tpu.memory_space<vmem_shared>>
      tpu.wait_dma2 semaphore(%run_scoped3A : memref<!tpu.dma_semaphore, #tpu.memory_space<semaphore_mem>>) src(%dma_wait3A_60 : memref<128x128xf32, #tpu.memory_space<vmem_shared>>) dst(%arg8 : memref<128x128xf32, #tpu.memory_space<vmem>>)
      tpu.yield
    }) : () -> ()
    "tpu.region"() ({
      %run_scoped3A = tpu.sem_alloc : memref<!tpu.dma_semaphore, #tpu.memory_space<semaphore_mem>>
      %dma_start3A = arith.constant 0 : i32
      %dma_start3A_55 = tpu.memref_slice %arg5[%arg0, %add3A_46, %dma_start3A] : memref<2x10240x128xf32, #tpu.memory_space<hbm>> -> memref<1x128x128xf32, #tpu.memory_space<hbm>>
      %dma_start3A_56 = tpu.memref_squeeze %dma_start3A_55 : memref<1x128x128xf32, #tpu.memory_space<hbm>> -> memref<128x128xf32, #tpu.memory_space<hbm>>
      %dma_start3A_57 = arith.constant 0 : i32
      %dma_start3A_58 = tpu.memref_slice %arg5[%arg0, %add3A_46, %dma_start3A_57] : memref<2x10240x128xf32, #tpu.memory_space<hbm>> -> memref<1x128x128xf32, #tpu.memory_space<hbm>>
      %dma_start3A_59 = tpu.memref_squeeze %dma_start3A_58 : memref<1x128x128xf32, #tpu.memory_space<hbm>> -> memref<128x128xf32, #tpu.memory_space<hbm>>
      tpu.enqueue_dma source(%arg8 : memref<128x128xf32, #tpu.memory_space<vmem>>) target(%dma_start3A_59 : memref<128x128xf32, #tpu.memory_space<hbm>>) target_semaphore(%run_scoped3A : memref<!tpu.dma_semaphore, #tpu.memory_space<semaphore_mem>>)
      %dma_wait3A = arith.constant 0 : i32
      %dma_wait3A_60 = tpu.memref_slice %arg5[%arg0, %add3A_46, %dma_wait3A] : memref<2x10240x128xf32, #tpu.memory_space<hbm>> -> memref<1x128x128xf32, #tpu.memory_space<hbm>>
      %dma_wait3A_61 = tpu.memref_squeeze %dma_wait3A_60 : memref<1x128x128xf32, #tpu.memory_space<hbm>> -> memref<128x128xf32, #tpu.memory_space<hbm>>
      %dma_wait3A_62 = arith.constant 0 : i32
      %dma_wait3A_63 = tpu.memref_slice %arg5[%arg0, %add3A_46, %dma_wait3A_62] : memref<2x10240x128xf32, #tpu.memory_space<hbm>> -> memref<1x128x128xf32, #tpu.memory_space<hbm>>
      %dma_wait3A_64 = tpu.memref_squeeze %dma_wait3A_63 : memref<1x128x128xf32, #tpu.memory_space<hbm>> -> memref<128x128xf32, #tpu.memory_space<hbm>>
      tpu.wait_dma2 semaphore(%run_scoped3A : memref<!tpu.dma_semaphore, #tpu.memory_space<semaphore_mem>>) src(%arg8 : memref<128x128xf32, #tpu.memory_space<vmem>>) dst(%dma_wait3A_64 : memref<128x128xf32, #tpu.memory_space<hbm>>)
      tpu.yield
    }) : () -> ()
    %mul3A_47 = arith.constant 640 : i32
    %mul3A_48 = arith.muli %arg1, %mul3A_47 : i32
    %add3A_49 = arith.constant 384 : i32
    %add3A_50 = arith.addi %mul3A_48, %add3A_49 : i32
    "tpu.region"() ({
      %run_scoped3A = tpu.sem_alloc : memref<!tpu.dma_semaphore, #tpu.memory_space<semaphore_mem>>
      %dma_start3A = arith.constant 0 : i32
      %dma_start3A_55 = tpu.memref_slice %arg9[%add3A_50, %dma_start3A] : memref<10240x128xf32, #tpu.memory_space<vmem_shared>> -> memref<128x128xf32, #tpu.memory_space<vmem_shared>>
      %dma_start3A_56 = arith.constant 0 : i32
      %dma_start3A_57 = tpu.memref_slice %arg9[%add3A_50, %dma_start3A_56] : memref<10240x128xf32, #tpu.memory_space<vmem_shared>> -> memref<128x128xf32, #tpu.memory_space<vmem_shared>>
      tpu.enqueue_dma source(%dma_start3A_57 : memref<128x128xf32, #tpu.memory_space<vmem_shared>>) target(%arg8 : memref<128x128xf32, #tpu.memory_space<vmem>>) target_semaphore(%run_scoped3A : memref<!tpu.dma_semaphore, #tpu.memory_space<semaphore_mem>>)
      %dma_wait3A = arith.constant 0 : i32
      %dma_wait3A_58 = tpu.memref_slice %arg9[%add3A_50, %dma_wait3A] : memref<10240x128xf32, #tpu.memory_space<vmem_shared>> -> memref<128x128xf32, #tpu.memory_space<vmem_shared>>
      %dma_wait3A_59 = arith.constant 0 : i32
      %dma_wait3A_60 = tpu.memref_slice %arg9[%add3A_50, %dma_wait3A_59] : memref<10240x128xf32, #tpu.memory_space<vmem_shared>> -> memref<128x128xf32, #tpu.memory_space<vmem_shared>>
      tpu.wait_dma2 semaphore(%run_scoped3A : memref<!tpu.dma_semaphore, #tpu.memory_space<semaphore_mem>>) src(%dma_wait3A_60 : memref<128x128xf32, #tpu.memory_space<vmem_shared>>) dst(%arg8 : memref<128x128xf32, #tpu.memory_space<vmem>>)
      tpu.yield
    }) : () -> ()
    "tpu.region"() ({
      %run_scoped3A = tpu.sem_alloc : memref<!tpu.dma_semaphore, #tpu.memory_space<semaphore_mem>>
      %dma_start3A = arith.constant 0 : i32
      %dma_start3A_55 = tpu.memref_slice %arg5[%arg0, %add3A_50, %dma_start3A] : memref<2x10240x128xf32, #tpu.memory_space<hbm>> -> memref<1x128x128xf32, #tpu.memory_space<hbm>>
      %dma_start3A_56 = tpu.memref_squeeze %dma_start3A_55 : memref<1x128x128xf32, #tpu.memory_space<hbm>> -> memref<128x128xf32, #tpu.memory_space<hbm>>
      %dma_start3A_57 = arith.constant 0 : i32
      %dma_start3A_58 = tpu.memref_slice %arg5[%arg0, %add3A_50, %dma_start3A_57] : memref<2x10240x128xf32, #tpu.memory_space<hbm>> -> memref<1x128x128xf32, #tpu.memory_space<hbm>>
      %dma_start3A_59 = tpu.memref_squeeze %dma_start3A_58 : memref<1x128x128xf32, #tpu.memory_space<hbm>> -> memref<128x128xf32, #tpu.memory_space<hbm>>
      tpu.enqueue_dma source(%arg8 : memref<128x128xf32, #tpu.memory_space<vmem>>) target(%dma_start3A_59 : memref<128x128xf32, #tpu.memory_space<hbm>>) target_semaphore(%run_scoped3A : memref<!tpu.dma_semaphore, #tpu.memory_space<semaphore_mem>>)
      %dma_wait3A = arith.constant 0 : i32
      %dma_wait3A_60 = tpu.memref_slice %arg5[%arg0, %add3A_50, %dma_wait3A] : memref<2x10240x128xf32, #tpu.memory_space<hbm>> -> memref<1x128x128xf32, #tpu.memory_space<hbm>>
      %dma_wait3A_61 = tpu.memref_squeeze %dma_wait3A_60 : memref<1x128x128xf32, #tpu.memory_space<hbm>> -> memref<128x128xf32, #tpu.memory_space<hbm>>
      %dma_wait3A_62 = arith.constant 0 : i32
      %dma_wait3A_63 = tpu.memref_slice %arg5[%arg0, %add3A_50, %dma_wait3A_62] : memref<2x10240x128xf32, #tpu.memory_space<hbm>> -> memref<1x128x128xf32, #tpu.memory_space<hbm>>
      %dma_wait3A_64 = tpu.memref_squeeze %dma_wait3A_63 : memref<1x128x128xf32, #tpu.memory_space<hbm>> -> memref<128x128xf32, #tpu.memory_space<hbm>>
      tpu.wait_dma2 semaphore(%run_scoped3A : memref<!tpu.dma_semaphore, #tpu.memory_space<semaphore_mem>>) src(%arg8 : memref<128x128xf32, #tpu.memory_space<vmem>>) dst(%dma_wait3A_64 : memref<128x128xf32, #tpu.memory_space<hbm>>)
      tpu.yield
    }) : () -> ()
    %mul3A_51 = arith.constant 640 : i32
    %mul3A_52 = arith.muli %arg1, %mul3A_51 : i32
    %add3A_53 = arith.constant 512 : i32
    %add3A_54 = arith.addi %mul3A_52, %add3A_53 : i32
    "tpu.region"() ({
      %run_scoped3A = tpu.sem_alloc : memref<!tpu.dma_semaphore, #tpu.memory_space<semaphore_mem>>
      %dma_start3A = arith.constant 0 : i32
      %dma_start3A_55 = tpu.memref_slice %arg9[%add3A_54, %dma_start3A] : memref<10240x128xf32, #tpu.memory_space<vmem_shared>> -> memref<128x128xf32, #tpu.memory_space<vmem_shared>>
      %dma_start3A_56 = arith.constant 0 : i32
      %dma_start3A_57 = tpu.memref_slice %arg9[%add3A_54, %dma_start3A_56] : memref<10240x128xf32, #tpu.memory_space<vmem_shared>> -> memref<128x128xf32, #tpu.memory_space<vmem_shared>>
      tpu.enqueue_dma source(%dma_start3A_57 : memref<128x128xf32, #tpu.memory_space<vmem_shared>>) target(%arg8 : memref<128x128xf32, #tpu.memory_space<vmem>>) target_semaphore(%run_scoped3A : memref<!tpu.dma_semaphore, #tpu.memory_space<semaphore_mem>>)
      %dma_wait3A = arith.constant 0 : i32
      %dma_wait3A_58 = tpu.memref_slice %arg9[%add3A_54, %dma_wait3A] : memref<10240x128xf32, #tpu.memory_space<vmem_shared>> -> memref<128x128xf32, #tpu.memory_space<vmem_shared>>
      %dma_wait3A_59 = arith.constant 0 : i32
      %dma_wait3A_60 = tpu.memref_slice %arg9[%add3A_54, %dma_wait3A_59] : memref<10240x128xf32, #tpu.memory_space<vmem_shared>> -> memref<128x128xf32, #tpu.memory_space<vmem_shared>>
      tpu.wait_dma2 semaphore(%run_scoped3A : memref<!tpu.dma_semaphore, #tpu.memory_space<semaphore_mem>>) src(%dma_wait3A_60 : memref<128x128xf32, #tpu.memory_space<vmem_shared>>) dst(%arg8 : memref<128x128xf32, #tpu.memory_space<vmem>>)
      tpu.yield
    }) : () -> ()
    "tpu.region"() ({
      %run_scoped3A = tpu.sem_alloc : memref<!tpu.dma_semaphore, #tpu.memory_space<semaphore_mem>>
      %dma_start3A = arith.constant 0 : i32
      %dma_start3A_55 = tpu.memref_slice %arg5[%arg0, %add3A_54, %dma_start3A] : memref<2x10240x128xf32, #tpu.memory_space<hbm>> -> memref<1x128x128xf32, #tpu.memory_space<hbm>>
      %dma_start3A_56 = tpu.memref_squeeze %dma_start3A_55 : memref<1x128x128xf32, #tpu.memory_space<hbm>> -> memref<128x128xf32, #tpu.memory_space<hbm>>
      %dma_start3A_57 = arith.constant 0 : i32
      %dma_start3A_58 = tpu.memref_slice %arg5[%arg0, %add3A_54, %dma_start3A_57] : memref<2x10240x128xf32, #tpu.memory_space<hbm>> -> memref<1x128x128xf32, #tpu.memory_space<hbm>>
      %dma_start3A_59 = tpu.memref_squeeze %dma_start3A_58 : memref<1x128x128xf32, #tpu.memory_space<hbm>> -> memref<128x128xf32, #tpu.memory_space<hbm>>
      tpu.enqueue_dma source(%arg8 : memref<128x128xf32, #tpu.memory_space<vmem>>) target(%dma_start3A_59 : memref<128x128xf32, #tpu.memory_space<hbm>>) target_semaphore(%run_scoped3A : memref<!tpu.dma_semaphore, #tpu.memory_space<semaphore_mem>>)
      %dma_wait3A = arith.constant 0 : i32
      %dma_wait3A_60 = tpu.memref_slice %arg5[%arg0, %add3A_54, %dma_wait3A] : memref<2x10240x128xf32, #tpu.memory_space<hbm>> -> memref<1x128x128xf32, #tpu.memory_space<hbm>>
      %dma_wait3A_61 = tpu.memref_squeeze %dma_wait3A_60 : memref<1x128x128xf32, #tpu.memory_space<hbm>> -> memref<128x128xf32, #tpu.memory_space<hbm>>
      %dma_wait3A_62 = arith.constant 0 : i32
      %dma_wait3A_63 = tpu.memref_slice %arg5[%arg0, %add3A_54, %dma_wait3A_62] : memref<2x10240x128xf32, #tpu.memory_space<hbm>> -> memref<1x128x128xf32, #tpu.memory_space<hbm>>
      %dma_wait3A_64 = tpu.memref_squeeze %dma_wait3A_63 : memref<1x128x128xf32, #tpu.memory_space<hbm>> -> memref<128x128xf32, #tpu.memory_space<hbm>>
      tpu.wait_dma2 semaphore(%run_scoped3A : memref<!tpu.dma_semaphore, #tpu.memory_space<semaphore_mem>>) src(%arg8 : memref<128x128xf32, #tpu.memory_space<vmem>>) dst(%dma_wait3A_64 : memref<128x128xf32, #tpu.memory_space<hbm>>)
      tpu.yield
    }) : () -> ()
    return
  }
}

module attributes {stable_mosaic.version = 14 : i64} {
  func.func @_tc_first_body(%arg0: i32, %arg1: memref<1000x128xf32, #tpu.memory_space<vmem>>, %arg2: memref<128x128xf32, #tpu.memory_space<vmem>>, %arg3: memref<2x1000x128xf32, #tpu.memory_space<vmem>>, %arg4: memref<1000x128xf32, #tpu.memory_space<vmem>>) attributes {dimension_semantics = [#tpu.dimension_semantics<arbitrary>], iteration_bounds = array<i64: 10>, scalar_prefetch = 0 : i64, scratch_operands = 0 : i64, tpu.core_type = #tpu.core_type<tc>, window_params = [{transform_indices = @transform_0, window_bounds = array<i64: 1000, 128>}, {pipeline_mode = #tpu.pipeline_mode<synchronous>, transform_indices = @transform_1, window_bounds = array<i64: 128, 128>}, {transform_indices = @transform_2, window_bounds = array<i64: 2, 1000, 128>}, {transform_indices = @transform_3, window_bounds = array<i64: 1000, 128>}]} {
    %get3A = arith.constant 0 : index
    %get3A_0 = arith.constant 0 : index
    %get3A_1 = arith.constant 0 : index
    %get3A_2 = vector.load %arg3[%get3A, %get3A_0, %get3A_1] : memref<2x1000x128xf32, #tpu.memory_space<vmem>>, vector<1x1000x128xf32>
    %get3A_3 = vector.shape_cast %get3A_2 : vector<1x1000x128xf32> to vector<1000x128xf32>
    %slice3A = vector.extract_strided_slice %get3A_3 {offsets = [0, 0], sizes = [1000, 1], strides = [1, 1]} : vector<1000x128xf32> to vector<1000x1xf32>
    %get3A_4 = arith.constant 1 : index
    %get3A_5 = arith.constant 0 : index
    %get3A_6 = arith.constant 0 : index
    %get3A_7 = vector.load %arg3[%get3A_4, %get3A_5, %get3A_6] : memref<2x1000x128xf32, #tpu.memory_space<vmem>>, vector<1x1000x128xf32>
    %get3A_8 = vector.shape_cast %get3A_7 : vector<1x1000x128xf32> to vector<1000x128xf32>
    %slice3A_9 = vector.extract_strided_slice %get3A_8 {offsets = [0, 0], sizes = [1000, 1], strides = [1, 1]} : vector<1000x128xf32> to vector<1000x1xf32>
    %add3A = arith.addf %slice3A, %slice3A_9 : vector<1000x1xf32>
    %add3A_10 = arith.constant 1.000000e+00 : f32
    %add3A_11 = vector.broadcast %add3A_10 : f32 to vector<1000x1xf32>
    %add3A_12 = arith.addf %add3A, %add3A_11 : vector<1000x1xf32>
    %rsqrt3A = math.rsqrt %add3A_12 : vector<1000x1xf32>
    %get3A_13 = arith.constant 0 : index
    %get3A_14 = arith.constant 0 : index
    %get3A_15 = vector.load %arg1[%get3A_13, %get3A_14] : memref<1000x128xf32, #tpu.memory_space<vmem>>, vector<1000x128xf32>
    %get3A_16 = arith.constant 0 : index
    %get3A_17 = arith.constant 0 : index
    %get3A_18 = vector.load %arg2[%get3A_16, %get3A_17] : memref<128x128xf32, #tpu.memory_space<vmem>>, vector<128x128xf32>
    %dot_general3A = arith.constant dense<0.000000e+00> : vector<1000x128xf32>
    %dot_general3A_19 = tpu.matmul %get3A_15, %get3A_18, %dot_general3A {dimension_numbers = #tpu.dot_dimension_numbers<[1], [0], [0], [1], [0, 0, 1, 1], [], []>, transpose_lhs_hint = false} : vector<1000x128xf32>, vector<128x128xf32>, vector<1000x128xf32> -> vector<1000x128xf32>
    %mul3A = vector.broadcast %rsqrt3A : vector<1000x1xf32> to vector<1000x128xf32>
    %mul3A_20 = arith.mulf %dot_general3A_19, %mul3A : vector<1000x128xf32>
    %swap3A = arith.constant 0 : index
    %swap3A_21 = arith.constant 0 : index
    %swap3A_22 = vector.load %arg4[%swap3A, %swap3A_21] : memref<1000x128xf32, #tpu.memory_space<vmem>>, vector<1000x128xf32>
    tpu.vector_store %arg4[%swap3A, %swap3A_21], %mul3A_20 {strides = array<i32>} : memref<1000x128xf32, #tpu.memory_space<vmem>>, vector<1000x128xf32>,
    return
  }
  func.func @transform_0(%arg0: i32) -> (i32, i32) {
    %c0_i32 = arith.constant 0 : i32
    %c0_i32_0 = arith.constant 0 : i32
    return %arg0, %c0_i32 : i32, i32
  }
  func.func @transform_1(%arg0: i32) -> (i32, i32) {
    %c0_i32 = arith.constant 0 : i32
    %c0_i32_0 = arith.constant 0 : i32
    %c0_i32_1 = arith.constant 0 : i32
    return %c0_i32, %c0_i32_0 : i32, i32
  }
  func.func @transform_2(%arg0: i32) -> (i32, i32, i32) {
    %c0_i32 = arith.constant 0 : i32
    %c0_i32_0 = arith.constant 0 : i32
    %c0_i32_1 = arith.constant 0 : i32
    return %c0_i32, %arg0, %c0_i32_0 : i32, i32, i32
  }
  func.func @transform_3(%arg0: i32) -> (i32, i32) {
    %c0_i32 = arith.constant 0 : i32
    %c0_i32_0 = arith.constant 0 : i32
    return %arg0, %c0_i32 : i32, i32
  }
}

module attributes {stable_mosaic.version = 14 : i64} {
  func.func @_tc_mid_body(%arg0: i32, %arg1: memref<2x1000x128xf32, #tpu.memory_space<vmem>>, %arg2: memref<1000x128xf32, #tpu.memory_space<vmem>>, %arg3: memref<2x1000x128xf32, #tpu.memory_space<vmem>>, %arg4: memref<1x128xf32, #tpu.memory_space<vmem>>, %arg5: memref<128x128xf32, #tpu.memory_space<vmem>>, %arg6: memref<1000x128xf32, #tpu.memory_space<vmem>>) attributes {dimension_semantics = [#tpu.dimension_semantics<arbitrary>], iteration_bounds = array<i64: 10>, scalar_prefetch = 0 : i64, scratch_operands = 0 : i64, tpu.core_type = #tpu.core_type<tc>, window_params = [{transform_indices = @transform_0, window_bounds = array<i64: 2, 1000, 128>}, {transform_indices = @transform_1, window_bounds = array<i64: 1000, 128>}, {transform_indices = @transform_2, window_bounds = array<i64: 2, 1000, 128>}, {pipeline_mode = #tpu.pipeline_mode<synchronous>, transform_indices = @transform_3, window_bounds = array<i64: 1, 128>}, {pipeline_mode = #tpu.pipeline_mode<synchronous>, transform_indices = @transform_4, window_bounds = array<i64: 128, 128>}, {transform_indices = @transform_5, window_bounds = array<i64: 1000, 128>}]} {
    %get3A = arith.constant 0 : index
    %get3A_0 = arith.constant 0 : index
    %get3A_1 = arith.constant 0 : index
    %get3A_2 = vector.load %arg3[%get3A, %get3A_0, %get3A_1] : memref<2x1000x128xf32, #tpu.memory_space<vmem>>, vector<1x1000x128xf32>
    %get3A_3 = vector.shape_cast %get3A_2 : vector<1x1000x128xf32> to vector<1000x128xf32>
    %slice3A = vector.extract_strided_slice %get3A_3 {offsets = [0, 0], sizes = [1000, 1], strides = [1, 1]} : vector<1000x128xf32> to vector<1000x1xf32>
    %get3A_4 = arith.constant 1 : index
    %get3A_5 = arith.constant 0 : index
    %get3A_6 = arith.constant 0 : index
    %get3A_7 = vector.load %arg3[%get3A_4, %get3A_5, %get3A_6] : memref<2x1000x128xf32, #tpu.memory_space<vmem>>, vector<1x1000x128xf32>
    %get3A_8 = vector.shape_cast %get3A_7 : vector<1x1000x128xf32> to vector<1000x128xf32>
    %slice3A_9 = vector.extract_strided_slice %get3A_8 {offsets = [0, 0], sizes = [1000, 1], strides = [1, 1]} : vector<1000x128xf32> to vector<1000x1xf32>
    %add3A = arith.addf %slice3A, %slice3A_9 : vector<1000x1xf32>
    %add3A_10 = arith.constant 1.000000e+00 : f32
    %add3A_11 = vector.broadcast %add3A_10 : f32 to vector<1000x1xf32>
    %add3A_12 = arith.addf %add3A, %add3A_11 : vector<1000x1xf32>
    %rsqrt3A = math.rsqrt %add3A_12 : vector<1000x1xf32>
    %get3A_13 = arith.constant 0 : index
    %get3A_14 = arith.constant 0 : index
    %get3A_15 = arith.constant 0 : index
    %get3A_16 = vector.load %arg1[%get3A_13, %get3A_14, %get3A_15] : memref<2x1000x128xf32, #tpu.memory_space<vmem>>, vector<1x1000x128xf32>
    %get3A_17 = vector.shape_cast %get3A_16 : vector<1x1000x128xf32> to vector<1000x128xf32>
    %get3A_18 = arith.constant 1 : index
    %get3A_19 = arith.constant 0 : index
    %get3A_20 = arith.constant 0 : index
    %get3A_21 = vector.load %arg1[%get3A_18, %get3A_19, %get3A_20] : memref<2x1000x128xf32, #tpu.memory_space<vmem>>, vector<1x1000x128xf32>
    %get3A_22 = vector.shape_cast %get3A_21 : vector<1x1000x128xf32> to vector<1000x128xf32>
    %add3A_23 = arith.addf %get3A_17, %get3A_22 : vector<1000x128xf32>
    %get3A_24 = arith.constant 0 : index
    %get3A_25 = arith.constant 0 : index
    %get3A_26 = vector.load %arg2[%get3A_24, %get3A_25] : memref<1000x128xf32, #tpu.memory_space<vmem>>, vector<1000x128xf32>
    %add3A_27 = arith.addf %add3A_23, %get3A_26 : vector<1000x128xf32>
    %mul3A = vector.broadcast %rsqrt3A : vector<1000x1xf32> to vector<1000x128xf32>
    %mul3A_28 = arith.mulf %add3A_27, %mul3A : vector<1000x128xf32>
    %get3A_29 = arith.constant 0 : index
    %get3A_30 = arith.constant 0 : index
    %get3A_31 = vector.load %arg4[%get3A_29, %get3A_30] : memref<1x128xf32, #tpu.memory_space<vmem>>, vector<1x128xf32>
    %add3A_32 = vector.broadcast %get3A_31 : vector<1x128xf32> to vector<1000x128xf32>
    %add3A_33 = arith.addf %mul3A_28, %add3A_32 : vector<1000x128xf32>
    %max3A = arith.constant 0.000000e+00 : f32
    %max3A_34 = vector.broadcast %max3A : f32 to vector<1000x128xf32>
    %max3A_35 = arith.maximumf %add3A_33, %max3A_34 : vector<1000x128xf32>
    %get3A_36 = arith.constant 0 : index
    %get3A_37 = arith.constant 0 : index
    %get3A_38 = vector.load %arg5[%get3A_36, %get3A_37] : memref<128x128xf32, #tpu.memory_space<vmem>>, vector<128x128xf32>
    %dot_general3A = arith.constant dense<0.000000e+00> : vector<1000x128xf32>
    %dot_general3A_39 = tpu.matmul %max3A_35, %get3A_38, %dot_general3A {dimension_numbers = #tpu.dot_dimension_numbers<[1], [0], [0], [1], [0, 0, 1, 1], [], []>, transpose_lhs_hint = false} : vector<1000x128xf32>, vector<128x128xf32>, vector<1000x128xf32> -> vector<1000x128xf32>
    %mul3A_40 = vector.broadcast %rsqrt3A : vector<1000x1xf32> to vector<1000x128xf32>
    %mul3A_41 = arith.mulf %dot_general3A_39, %mul3A_40 : vector<1000x128xf32>
    %swap3A = arith.constant 0 : index
    %swap3A_42 = arith.constant 0 : index
    %swap3A_43 = vector.load %arg6[%swap3A, %swap3A_42] : memref<1000x128xf32, #tpu.memory_space<vmem>>, vector<1000x128xf32>
    tpu.vector_store %arg6[%swap3A, %swap3A_42], %mul3A_41 {strides = array<i32>} : memref<1000x128xf32, #tpu.memory_space<vmem>>, vector<1000x128xf32>,
    return
  }
  func.func @transform_0(%arg0: i32) -> (i32, i32, i32) {
    %c0_i32 = arith.constant 0 : i32
    %c0_i32_0 = arith.constant 0 : i32
    %c0_i32_1 = arith.constant 0 : i32
    return %c0_i32, %arg0, %c0_i32_0 : i32, i32, i32
  }
  func.func @transform_1(%arg0: i32) -> (i32, i32) {
    %c0_i32 = arith.constant 0 : i32
    %c0_i32_0 = arith.constant 0 : i32
    return %arg0, %c0_i32 : i32, i32
  }
  func.func @transform_2(%arg0: i32) -> (i32, i32, i32) {
    %c0_i32 = arith.constant 0 : i32
    %c0_i32_0 = arith.constant 0 : i32
    %c0_i32_1 = arith.constant 0 : i32
    return %c0_i32, %arg0, %c0_i32_0 : i32, i32, i32
  }
  func.func @transform_3(%arg0: i32) -> (i32, i32) {
    %c0_i32 = arith.constant 0 : i32
    %c0_i32_0 = arith.constant 0 : i32
    %c0_i32_1 = arith.constant 0 : i32
    return %c0_i32, %c0_i32_0 : i32, i32
  }
  func.func @transform_4(%arg0: i32) -> (i32, i32) {
    %c0_i32 = arith.constant 0 : i32
    %c0_i32_0 = arith.constant 0 : i32
    %c0_i32_1 = arith.constant 0 : i32
    return %c0_i32, %c0_i32_0 : i32, i32
  }
  func.func @transform_5(%arg0: i32) -> (i32, i32) {
    %c0_i32 = arith.constant 0 : i32
    %c0_i32_0 = arith.constant 0 : i32
    return %arg0, %c0_i32 : i32, i32
  }
}

module attributes {stable_mosaic.version = 14 : i64} {
  func.func @_tc_final_body(%arg0: i32, %arg1: memref<2x1000x128xf32, #tpu.memory_space<vmem>>, %arg2: memref<1000x128xf32, #tpu.memory_space<vmem>>, %arg3: memref<2x1000x128xf32, #tpu.memory_space<vmem>>, %arg4: memref<1x128xf32, #tpu.memory_space<vmem>>, %arg5: memref<1x1x1000xi32, #tpu.memory_space<vmem>>, %arg6: memref<128x16xf32, #tpu.memory_space<vmem>>, %arg7: memref<1x16xf32, #tpu.memory_space<vmem>>, %arg8: memref<64x128xf32, #tpu.memory_space<vmem>>, %arg9: memref<64x16xf32, #tpu.memory_space<vmem>>, %arg10: memref<64x128xf32, #tpu.memory_space<vmem>>, %arg11: memref<64x128xf32, #tpu.memory_space<vmem>>) attributes {dimension_semantics = [#tpu.dimension_semantics<arbitrary>], iteration_bounds = array<i64: 10>, scalar_prefetch = 0 : i64, scratch_operands = 2 : i64, tpu.core_type = #tpu.core_type<tc>, window_params = [{transform_indices = @transform_0, window_bounds = array<i64: 2, 1000, 128>}, {transform_indices = @transform_1, window_bounds = array<i64: 1000, 128>}, {transform_indices = @transform_2, window_bounds = array<i64: 2, 1000, 128>}, {pipeline_mode = #tpu.pipeline_mode<synchronous>, transform_indices = @transform_3, window_bounds = array<i64: 1, 128>}, {transform_indices = @transform_4, window_bounds = array<i64: 1, 1, 1000>}, {pipeline_mode = #tpu.pipeline_mode<synchronous>, transform_indices = @transform_5, window_bounds = array<i64: 128, 16>}, {pipeline_mode = #tpu.pipeline_mode<synchronous>, transform_indices = @transform_6, window_bounds = array<i64: 1, 16>}, {pipeline_mode = #tpu.pipeline_mode<synchronous>, transform_indices = @transform_7, window_bounds = array<i64: 64, 128>}, {pipeline_mode = #tpu.pipeline_mode<synchronous>, transform_indices = @transform_8, window_bounds = array<i64: 64, 16>}]} {
    %eq3A = arith.constant 0 : i32
    %eq3A_0 = arith.cmpi eq, %arg0, %eq3A : i32
    %convert_element_type3A = arith.extui %eq3A_0 : i1 to i32
    %cond3A = arith.constant 0 : i32
    %cond3A_1 = arith.cmpi ne, %convert_element_type3A, %cond3A : i32
    scf.if %cond3A_1 {
      %broadcast_in_dim3A_70 = arith.constant 0.000000e+00 : f32
      %broadcast_in_dim3A_71 = vector.broadcast %broadcast_in_dim3A_70 : f32 to vector<64x128xf32>
      %swap3A_72 = arith.constant 0 : index
      %swap3A_73 = arith.constant 0 : index
      %swap3A_74 = vector.load %arg10[%swap3A_72, %swap3A_73] : memref<64x128xf32, #tpu.memory_space<vmem>>, vector<64x128xf32>
      tpu.vector_store %arg10[%swap3A_72, %swap3A_73], %broadcast_in_dim3A_71 {strides = array<i32>} : memref<64x128xf32, #tpu.memory_space<vmem>>, vector<64x128xf32>,
      %broadcast_in_dim3A_75 = arith.constant 0.000000e+00 : f32
      %broadcast_in_dim3A_76 = vector.broadcast %broadcast_in_dim3A_75 : f32 to vector<64x128xf32>
      %swap3A_77 = arith.constant 0 : index
      %swap3A_78 = arith.constant 0 : index
      %swap3A_79 = vector.load %arg11[%swap3A_77, %swap3A_78] : memref<64x128xf32, #tpu.memory_space<vmem>>, vector<64x128xf32>
      tpu.vector_store %arg11[%swap3A_77, %swap3A_78], %broadcast_in_dim3A_76 {strides = array<i32>} : memref<64x128xf32, #tpu.memory_space<vmem>>, vector<64x128xf32>,
    } else {
    }
    %get3A = arith.constant 0 : index
    %get3A_2 = arith.constant 0 : index
    %get3A_3 = arith.constant 0 : index
    %get3A_4 = vector.load %arg3[%get3A, %get3A_2, %get3A_3] : memref<2x1000x128xf32, #tpu.memory_space<vmem>>, vector<1x1000x128xf32>
    %get3A_5 = vector.shape_cast %get3A_4 : vector<1x1000x128xf32> to vector<1000x128xf32>
    %slice3A = vector.extract_strided_slice %get3A_5 {offsets = [0, 0], sizes = [1000, 1], strides = [1, 1]} : vector<1000x128xf32> to vector<1000x1xf32>
    %get3A_6 = arith.constant 1 : index
    %get3A_7 = arith.constant 0 : index
    %get3A_8 = arith.constant 0 : index
    %get3A_9 = vector.load %arg3[%get3A_6, %get3A_7, %get3A_8] : memref<2x1000x128xf32, #tpu.memory_space<vmem>>, vector<1x1000x128xf32>
    %get3A_10 = vector.shape_cast %get3A_9 : vector<1x1000x128xf32> to vector<1000x128xf32>
    %slice3A_11 = vector.extract_strided_slice %get3A_10 {offsets = [0, 0], sizes = [1000, 1], strides = [1, 1]} : vector<1000x128xf32> to vector<1000x1xf32>
    %add3A = arith.addf %slice3A, %slice3A_11 : vector<1000x1xf32>
    %add3A_12 = arith.constant 1.000000e+00 : f32
    %add3A_13 = vector.broadcast %add3A_12 : f32 to vector<1000x1xf32>
    %add3A_14 = arith.addf %add3A, %add3A_13 : vector<1000x1xf32>
    %rsqrt3A = math.rsqrt %add3A_14 : vector<1000x1xf32>
    %get3A_15 = arith.constant 0 : index
    %get3A_16 = arith.constant 0 : index
    %get3A_17 = arith.constant 0 : index
    %get3A_18 = vector.load %arg1[%get3A_15, %get3A_16, %get3A_17] : memref<2x1000x128xf32, #tpu.memory_space<vmem>>, vector<1x1000x128xf32>
    %get3A_19 = vector.shape_cast %get3A_18 : vector<1x1000x128xf32> to vector<1000x128xf32>
    %get3A_20 = arith.constant 1 : index
    %get3A_21 = arith.constant 0 : index
    %get3A_22 = arith.constant 0 : index
    %get3A_23 = vector.load %arg1[%get3A_20, %get3A_21, %get3A_22] : memref<2x1000x128xf32, #tpu.memory_space<vmem>>, vector<1x1000x128xf32>
    %get3A_24 = vector.shape_cast %get3A_23 : vector<1x1000x128xf32> to vector<1000x128xf32>
    %add3A_25 = arith.addf %get3A_19, %get3A_24 : vector<1000x128xf32>
    %get3A_26 = arith.constant 0 : index
    %get3A_27 = arith.constant 0 : index
    %get3A_28 = vector.load %arg2[%get3A_26, %get3A_27] : memref<1000x128xf32, #tpu.memory_space<vmem>>, vector<1000x128xf32>
    %add3A_29 = arith.addf %add3A_25, %get3A_28 : vector<1000x128xf32>
    %mul3A = vector.broadcast %rsqrt3A : vector<1000x1xf32> to vector<1000x128xf32>
    %mul3A_30 = arith.mulf %add3A_29, %mul3A : vector<1000x128xf32>
    %get3A_31 = arith.constant 0 : index
    %get3A_32 = arith.constant 0 : index
    %get3A_33 = vector.load %arg4[%get3A_31, %get3A_32] : memref<1x128xf32, #tpu.memory_space<vmem>>, vector<1x128xf32>
    %add3A_34 = vector.broadcast %get3A_33 : vector<1x128xf32> to vector<1000x128xf32>
    %add3A_35 = arith.addf %mul3A_30, %add3A_34 : vector<1000x128xf32>
    %max3A = arith.constant 0.000000e+00 : f32
    %max3A_36 = vector.broadcast %max3A : f32 to vector<1000x128xf32>
    %max3A_37 = arith.maximumf %add3A_35, %max3A_36 : vector<1000x128xf32>
    %iota3A = tpu.iota {dimensions = array<i32: 0>} : vector<64x1000xi32>
    %get3A_38 = arith.constant 0 : index
    %get3A_39 = arith.constant 0 : index
    %get3A_40 = arith.constant 0 : index
    %get3A_41 = vector.load %arg5[%get3A_38, %get3A_39, %get3A_40] : memref<1x1x1000xi32, #tpu.memory_space<vmem>>, vector<1x1x1000xi32>
    %get3A_42 = vector.shape_cast %get3A_41 : vector<1x1x1000xi32> to vector<1x1000xi32>
    %broadcast_in_dim3A = vector.shape_cast %get3A_42 : vector<1x1000xi32> to vector<1x1000xi32>
    %broadcast_in_dim3A_43 = vector.broadcast %broadcast_in_dim3A : vector<1x1000xi32> to vector<64x1000xi32>
    %eq3A_44 = arith.cmpi eq, %iota3A, %broadcast_in_dim3A_43 : vector<64x1000xi32>
    %convert_element_type3A_45 = arith.extui %eq3A_44 : vector<64x1000xi1> to vector<64x1000xi32>
    %convert_element_type3A_46 = arith.sitofp %convert_element_type3A_45 : vector<64x1000xi32> to vector<64x1000xf32>
    %get3A_47 = arith.constant 0 : index
    %get3A_48 = arith.constant 0 : index
    %get3A_49 = vector.load %arg10[%get3A_47, %get3A_48] : memref<64x128xf32, #tpu.memory_space<vmem>>, vector<64x128xf32>
    %dot_general3A = arith.constant dense<0.000000e+00> : vector<64x128xf32>
    %dot_general3A_50 = tpu.matmul %convert_element_type3A_46, %max3A_37, %dot_general3A {dimension_numbers = #tpu.dot_dimension_numbers<[1], [0], [0], [1], [0, 0, 1, 1], [], []>, transpose_lhs_hint = false} : vector<64x1000xf32>, vector<1000x128xf32>, vector<64x128xf32> -> vector<64x128xf32>
    %add3A_51 = arith.addf %get3A_49, %dot_general3A_50 : vector<64x128xf32>
    %swap3A = arith.constant 0 : index
    %swap3A_52 = arith.constant 0 : index
    %swap3A_53 = vector.load %arg10[%swap3A, %swap3A_52] : memref<64x128xf32, #tpu.memory_space<vmem>>, vector<64x128xf32>
    tpu.vector_store %arg10[%swap3A, %swap3A_52], %add3A_51 {strides = array<i32>} : memref<64x128xf32, #tpu.memory_space<vmem>>, vector<64x128xf32>,
    %get3A_54 = arith.constant 0 : index
    %get3A_55 = arith.constant 0 : index
    %get3A_56 = vector.load %arg11[%get3A_54, %get3A_55] : memref<64x128xf32, #tpu.memory_space<vmem>>, vector<64x128xf32>
    %reduce_sum3A = arith.constant dense<0.000000e+00> : vector<64xf32>
    %reduce_sum3A_57 = vector.multi_reduction <add>, %convert_element_type3A_46, %reduce_sum3A [1] : vector<64x1000xf32> to vector<64xf32>
    %broadcast_in_dim3A_58 = vector.shape_cast %reduce_sum3A_57 : vector<64xf32> to vector<64x1xf32>
    %broadcast_in_dim3A_59 = vector.shape_cast %broadcast_in_dim3A_58 : vector<64x1xf32> to vector<64x1xf32>
    %broadcast_in_dim3A_60 = vector.broadcast %broadcast_in_dim3A_59 : vector<64x1xf32> to vector<64x128xf32>
    %add3A_61 = arith.addf %get3A_56, %broadcast_in_dim3A_60 : vector<64x128xf32>
    %swap3A_62 = arith.constant 0 : index
    %swap3A_63 = arith.constant 0 : index
    %swap3A_64 = vector.load %arg11[%swap3A_62, %swap3A_63] : memref<64x128xf32, #tpu.memory_space<vmem>>, vector<64x128xf32>
    tpu.vector_store %arg11[%swap3A_62, %swap3A_63], %add3A_61 {strides = array<i32>} : memref<64x128xf32, #tpu.memory_space<vmem>>, vector<64x128xf32>,
    %eq3A_65 = arith.constant 9 : i32
    %eq3A_66 = arith.cmpi eq, %arg0, %eq3A_65 : i32
    %convert_element_type3A_67 = arith.extui %eq3A_66 : i1 to i32
    %cond3A_68 = arith.constant 0 : i32
    %cond3A_69 = arith.cmpi ne, %convert_element_type3A_67, %cond3A_68 : i32
    scf.if %cond3A_69 {
      %get3A_70 = arith.constant 0 : index
      %get3A_71 = arith.constant 0 : index
      %get3A_72 = vector.load %arg10[%get3A_70, %get3A_71] : memref<64x128xf32, #tpu.memory_space<vmem>>, vector<64x128xf32>
      %get3A_73 = arith.constant 0 : index
      %get3A_74 = arith.constant 0 : index
      %get3A_75 = vector.load %arg11[%get3A_73, %get3A_74] : memref<64x128xf32, #tpu.memory_space<vmem>>, vector<64x128xf32>
      %max3A_76 = arith.constant 1.000000e+00 : f32
      %max3A_77 = vector.broadcast %max3A_76 : f32 to vector<64x128xf32>
      %max3A_78 = arith.maximumf %get3A_75, %max3A_77 : vector<64x128xf32>
      %div3A = arith.divf %get3A_72, %max3A_78 : vector<64x128xf32>
      %swap3A_79 = arith.constant 0 : index
      %swap3A_80 = arith.constant 0 : index
      %swap3A_81 = vector.load %arg8[%swap3A_79, %swap3A_80] : memref<64x128xf32, #tpu.memory_space<vmem>>, vector<64x128xf32>
      tpu.vector_store %arg8[%swap3A_79, %swap3A_80], %div3A {strides = array<i32>} : memref<64x128xf32, #tpu.memory_space<vmem>>, vector<64x128xf32>,
      %get3A_82 = arith.constant 0 : index
      %get3A_83 = arith.constant 0 : index
      %get3A_84 = vector.load %arg6[%get3A_82, %get3A_83] : memref<128x16xf32, #tpu.memory_space<vmem>>, vector<128x16xf32>
      %dot_general3A_85 = arith.constant dense<0.000000e+00> : vector<64x16xf32>
      %dot_general3A_86 = tpu.matmul %div3A, %get3A_84, %dot_general3A_85 {dimension_numbers = #tpu.dot_dimension_numbers<[1], [0], [0], [1], [0, 0, 1, 1], [], []>, transpose_lhs_hint = false} : vector<64x128xf32>, vector<128x16xf32>, vector<64x16xf32> -> vector<64x16xf32>
      %get3A_87 = arith.constant 0 : index
      %get3A_88 = arith.constant 0 : index
      %get3A_89 = vector.load %arg7[%get3A_87, %get3A_88] : memref<1x16xf32, #tpu.memory_space<vmem>>, vector<1x16xf32>
      %add3A_90 = vector.broadcast %get3A_89 : vector<1x16xf32> to vector<64x16xf32>
      %add3A_91 = arith.addf %dot_general3A_86, %add3A_90 : vector<64x16xf32>
      %reduce_max3A = arith.constant dense<0xFF800000> : vector<64xf32>
      %reduce_max3A_92 = vector.multi_reduction <maximumf>, %add3A_91, %reduce_max3A [1] : vector<64x16xf32> to vector<64xf32>
      %broadcast_in_dim3A_93 = vector.shape_cast %reduce_max3A_92 : vector<64xf32> to vector<64x1xf32>
      %sub3A = vector.broadcast %broadcast_in_dim3A_93 : vector<64x1xf32> to vector<64x16xf32>
      %sub3A_94 = arith.subf %add3A_91, %sub3A : vector<64x16xf32>
      %exp3A = math.exp %sub3A_94 : vector<64x16xf32>
      %reduce_sum3A_95 = arith.constant dense<0.000000e+00> : vector<64xf32>
      %reduce_sum3A_96 = vector.multi_reduction <add>, %exp3A, %reduce_sum3A_95 [1] : vector<64x16xf32> to vector<64xf32>
      %broadcast_in_dim3A_97 = vector.shape_cast %reduce_sum3A_96 : vector<64xf32> to vector<64x1xf32>
      %log3A = math.log %broadcast_in_dim3A_97 : vector<64x1xf32>
      %add3A_98 = arith.addf %log3A, %broadcast_in_dim3A_93 : vector<64x1xf32>
      %sub3A_99 = vector.broadcast %add3A_98 : vector<64x1xf32> to vector<64x16xf32>
      %sub3A_100 = arith.subf %add3A_91, %sub3A_99 : vector<64x16xf32>
      %swap3A_101 = arith.constant 0 : index
      %swap3A_102 = arith.constant 0 : index
      %swap3A_103 = vector.load %arg9[%swap3A_101, %swap3A_102] : memref<64x16xf32, #tpu.memory_space<vmem>>, vector<64x16xf32>
      tpu.vector_store %arg9[%swap3A_101, %swap3A_102], %sub3A_100 {strides = array<i32>} : memref<64x16xf32, #tpu.memory_space<vmem>>, vector<64x16xf32>,
    } else {
    }
    return
  }
  func.func @transform_0(%arg0: i32) -> (i32, i32, i32) {
    %c0_i32 = arith.constant 0 : i32
    %c0_i32_0 = arith.constant 0 : i32
    %c0_i32_1 = arith.constant 0 : i32
    return %c0_i32, %arg0, %c0_i32_0 : i32, i32, i32
  }
  func.func @transform_1(%arg0: i32) -> (i32, i32) {
    %c0_i32 = arith.constant 0 : i32
    %c0_i32_0 = arith.constant 0 : i32
    return %arg0, %c0_i32 : i32, i32
  }
  func.func @transform_2(%arg0: i32) -> (i32, i32, i32) {
    %c0_i32 = arith.constant 0 : i32
    %c0_i32_0 = arith.constant 0 : i32
    %c0_i32_1 = arith.constant 0 : i32
    return %c0_i32, %arg0, %c0_i32_0 : i32, i32, i32
  }
  func.func @transform_3(%arg0: i32) -> (i32, i32) {
    %c0_i32 = arith.constant 0 : i32
    %c0_i32_0 = arith.constant 0 : i32
    %c0_i32_1 = arith.constant 0 : i32
    return %c0_i32, %c0_i32_0 : i32, i32
  }
  func.func @transform_4(%arg0: i32) -> (i32, i32, i32) {
    %c0_i32 = arith.constant 0 : i32
    %c0_i32_0 = arith.constant 0 : i32
    %c0_i32_1 = arith.constant 0 : i32
    return %arg0, %c0_i32, %c0_i32_0 : i32, i32, i32
  }
  func.func @transform_5(%arg0: i32) -> (i32, i32) {
    %c0_i32 = arith.constant 0 : i32
    %c0_i32_0 = arith.constant 0 : i32
    %c0_i32_1 = arith.constant 0 : i32
    return %c0_i32, %c0_i32_0 : i32, i32
  }
  func.func @transform_6(%arg0: i32) -> (i32, i32) {
    %c0_i32 = arith.constant 0 : i32
    %c0_i32_0 = arith.constant 0 : i32
    %c0_i32_1 = arith.constant 0 : i32
    return %c0_i32, %c0_i32_0 : i32, i32
  }
  func.func @transform_7(%arg0: i32) -> (i32, i32) {
    %c0_i32 = arith.constant 0 : i32
    %c0_i32_0 = arith.constant 0 : i32
    %c0_i32_1 = arith.constant 0 : i32
    return %c0_i32, %c0_i32_0 : i32, i32
  }
  func.func @transform_8(%arg0: i32) -> (i32, i32) {
    %c0_i32 = arith.constant 0 : i32
    %c0_i32_0 = arith.constant 0 : i32
    %c0_i32_1 = arith.constant 0 : i32
    return %c0_i32, %c0_i32_0 : i32, i32
  }
}

</mosaic_0001>

<sc_bundles>
// kernel: kernel.10.cloned.1.call-start
scs
__scs_entry_jumppad:
0x0: {  	(pc) =	sbr.rel $0x88, $3  }
0x1: {  	(tag) =	ssettag $0x0;
	lr =	simm.s32 $0x1  }
0x2: {  	[smem:$0x3F96] =	sst lr;
	_ =	strace $0xD0000000  }
0x3: {  	_ = 	snop  }
0x4: {  	_ = 	snop  }
0x5: {  	_ = 	snop  }
0x6: {  	_ = 	snop  }
0x7: {  	_ = 	snop  }
__scs_overlays_trampoline_lowered:
0x8: {  	[smem:$0x3FA5] =	sst s0  }
0x9: {  	[smem:$0x3FA6] =	sst s1  }
0xa: {  	[smem:$0x3FA7] =	sst s2  }
0xb: {  	[smem:$0x3FA8] =	sst s3  }
0xc: {  	[smem:$0x3FA9] =	sst s4  }
0xd: {  	[smem:$0x3FAA] =	sst s5  }
0xe: {  	[smem:$0x3FAB] =	sst s6  }
0xf: {  	[smem:$0x3FAC] =	sst s7  }
0x10: {  	[smem:$0x3FAD] =	sst s8  }
0x11: {  	[smem:$0x3FAE] =	sst s9;
	s0 =	simm.s32 @!p0 $0x0  }
0x12: {  	s1 =	sld [smem:$0x3F94];
	s0 =	simm.s32 @p0 $0x1  }
0x13: {  	[smem:$0x3FAF] =	sst s0;
	s0 =	simm.s32 @!p1 $0x0  }
0x14: {  	s2 =	sld [smem:$0x3F93];
	s0 =	simm.s32 @p1 $0x1  }
0x15: {  	[smem:$0x3FB0] =	sst s0;
	s0 =	simm.s32 @!p2 $0x0  }
0x16: {  	s3 =	sld [smem:$0x3FDB];
	s0 =	simm.s32 @p2 $0x1  }
0x17: {  	s4 =	simm.s32 $0x1BF5;
	[smem:$0x3FB2] =	sst s0  }
0x18: {  	s0 =	sld [smem:$0x3F95];
	_ =	swait.ge [sflag:s4], $0x0  }
0x19: {  	s7 =	sld [smem:$0x3F96]  }
0x1a: {  	s8 =	sadd.s32 $0xFFFFE003, lr  }
0x1b: {  	s9 =	sadd.s32 $0xFFFFFEF7, lr;
	s5 =	simm.s32 $0xFFFFFFFF;
	p2 =	slt.u32 s8, $0xFFFFF086  }
0x1c: {  	p1 =	slt.u32 s9, $0xF7A;
	s5 =	simm.s32 @!p2 $0x0  }
0x1d: {  	s5 =	simm.s32 @p1 $0x1;
	p0 =	seq.s32 s7, s2  }
0x1e: {  	s7 =	smul.u32 @!p0 $0xF7A, s2;
	p2 =	seq.s32 @!p0 s5, $0x0  }
0x1f: {  	s9 =	smul.u32 $0xF7A, s1;
	s8 =	simm.s32 @!p0 $0x1BF5;
	p2 =	por !p2, p0  }
0x20: {  	[sflag:s8] =	ssyncset.s32 @!p0 $0xFFFFF086;
	s6 =	sadd.s32 @!p0 s3, s7;
	s7 =	simm.s32 @!p0 $0x108  }
0x21: {  	s3 =	sadd.s32 s3, s9;
	s6 =	sadd.s32 @!p0 $0x88, s6;
	s7 =	simm.s32 @p2 $0x1082  }
0x22: {  	[simem:s7], [sflag:s8] =	dma.local @!p0 [hbm:s6], $0xF7A  }
0x23: {  	s9 =	sor.u32 $0xD0000000, s2;
	s6 =	simm.s32 $0x108;
	_ =	swait.ge @!p0 [sflag:s8], $0x0  }
0x24: {  	s3 =	sadd.s32 $0x88, s3;
	s6 =	simm.s32 @!p1 $0x1082;
	[sflag:s4] =	ssyncset.s32 $0xFFFFF086  }
0x25: {  	[simem:s6], [sflag:s4] =	dma.local [hbm:s3], $0xF7A  }
0x26: {  	[smem:$0x3F96] =	sst s1;
	(tag) =	ssettag s2;
	_ =	strace s9  }
0x27: {  	s1 =	sld [smem:$0x3FA6]  }
0x28: {  	s2 =	sld [smem:$0x3FA7]  }
0x29: {  	s4 =	sld [smem:$0x3FA9]  }
0x2a: {  	p0 =	seq.s32 s5, $0x0;
	s5 =	sld [smem:$0x3FAA]  }
0x2b: {  	s6 =	sld [smem:$0x3FAB]  }
0x2c: {  	s7 =	sld [smem:$0x3FAC]  }
0x2d: {  	s3 =	simm.s32 $0x108;
	s8 =	sld [smem:$0x3FAD]  }
0x2e: {  	s3 =	simm.s32 @!p0 $0x1082;
	s9 =	sld [smem:$0x3FAE]  }
0x2f: {  	lr =	sadd.s32 s0, s3;
	s0 =	sld [smem:$0x3FA5]  }
0x30: {  	s3 =	sld [smem:$0x3FA8]  }
0x31: {  	[smem:$0x3FB1] =	sst s10  }
0x32: {  	s10 =	sld [smem:$0x3FAF];
	_ =	sdelay $0x3  }
0x33: {  	p0 =	seq.s32 s10, $0x1;
	s10 =	sld [smem:$0x3FB1];
	_ =	sdelay $0x3  }
0x34: {  	[smem:$0x3FB1] =	sst s10  }
0x35: {  	s10 =	sld [smem:$0x3FB0];
	_ =	sdelay $0x3  }
0x36: {  	p1 =	seq.s32 s10, $0x1;
	s10 =	sld [smem:$0x3FB1];
	_ =	sdelay $0x3  }
0x37: {  	[smem:$0x3FB1] =	sst s10  }
0x38: {  	s10 =	sld [smem:$0x3FB2]  }
0x39: {  	_ = 	snop;
	(pc) =	sbr.ind lr, $3  }
0x3a: {  	_ = 	snop  }
0x3b: {  	_ = 	snop  }
0x3c: {  	p2 =	seq.s32 s10, $0x1;
	s10 =	sld [smem:$0x3FB1]  }
0x3d: {  	_ =	shalt  }
0x3e: {  	_ =	shalt  }
0x3f: {  	_ =	shalt  }
0x40: {  	_ =	shalt  }
0x41: {  	_ =	shalt  }
0x42: {  	_ =	shalt  }
0x43: {  	_ =	shalt  }
0x44: {  	_ =	shalt  }
0x45: {  	_ =	shalt  }
0x46: {  	_ =	shalt  }
0x47: {  	_ =	shalt  }
0x48: {  	_ =	shalt  }
0x49: {  	_ =	shalt  }
0x4a: {  	_ =	shalt  }
0x4b: {  	_ =	shalt  }
0x4c: {  	_ =	shalt  }
0x4d: {  	_ =	shalt  }
0x4e: {  	_ =	shalt  }
0x4f: {  	_ =	shalt  }
0x50: {  	_ =	shalt  }
0x51: {  	_ =	shalt  }
0x52: {  	_ =	shalt  }
0x53: {  	_ =	shalt  }
0x54: {  	_ =	shalt  }
0x55: {  	_ =	shalt  }
0x56: {  	_ =	shalt  }
0x57: {  	_ =	shalt  }
0x58: {  	_ =	shalt  }
0x59: {  	_ =	shalt  }
0x5a: {  	_ =	shalt  }
0x5b: {  	_ =	shalt  }
0x5c: {  	_ =	shalt  }
0x5d: {  	_ =	shalt  }
0x5e: {  	_ =	shalt  }
0x5f: {  	_ =	shalt  }
0x60: {  	_ =	shalt  }
0x61: {  	_ =	shalt  }
0x62: {  	_ =	shalt  }
0x63: {  	_ =	shalt  }
0x64: {  	_ =	shalt  }
0x65: {  	_ =	shalt  }
0x66: {  	_ =	shalt  }
0x67: {  	_ =	shalt  }
0x68: {  	_ =	shalt  }
0x69: {  	_ =	shalt  }
0x6a: {  	_ =	shalt  }
0x6b: {  	_ =	shalt  }
0x6c: {  	_ =	shalt  }
0x6d: {  	_ =	shalt  }
0x6e: {  	_ =	shalt  }
0x6f: {  	_ =	shalt  }
0x70: {  	_ =	shalt  }
0x71: {  	_ =	shalt  }
0x72: {  	_ =	shalt  }
0x73: {  	_ =	shalt  }
0x74: {  	_ =	shalt  }
0x75: {  	_ =	shalt  }
0x76: {  	_ =	shalt  }
0x77: {  	_ =	shalt  }
0x78: {  	_ =	shalt  }
0x79: {  	_ =	shalt  }
0x7a: {  	_ =	shalt  }
0x7b: {  	_ =	shalt  }
0x7c: {  	_ =	shalt  }
0x7d: {  	_ =	shalt  }
0x7e: {  	_ =	shalt  }
0x7f: {  	_ =	shalt  }
0x80: {  	_ =	shalt  }
0x81: {  	_ =	shalt  }
0x82: {  	_ =	shalt  }
0x83: {  	_ =	shalt  }
0x84: {  	_ =	shalt  }
0x85: {  	_ =	shalt  }
0x86: {  	_ =	shalt  }
0x87: {  	_ =	shalt  }
.Lfunc_end0:
.L_simem_size_0:
called_computation_lowered:
.L_overlay_start_0:
0x88: {  	s2 =	sld [smem:$0x3FD9]  }
0x89: {  	s3 =	sld [smem:$0x3FFE];
	_ =	sdelay $0x1  }
0x8a: {  	s1 =	srdreg.scid  }
0x8b: {  	s0 =	sand.u32 $0x1, s1  }
0x8c: {  	s16 =	sshll.u32 s0, $0xA;
	s2 =	sadd.s32 s3, s2  }
0x8d: {  	s2 =	sadd.s32 s2, s16  }
0x8e: {  	[smem:$0x3FBD] =	sst s2  }
0x8f: {  	_ = 	snop  }
0x90: {  	(tm) =	ssettm $0x1  }
0x91: {  	s17 =	sld [smem:$0x3FFB];
	_ =	sdelay $0x3  }
0x92: {  	_ =	strace s17  }
0x93: {  	s2 =	sld [smem:$0x3FFC];
	_ =	sdelay $0x3  }
0x94: {  	_ =	strace s2  }
0x95: {  	s2 =	sld [smem:$0x3FFD];
	_ =	sdelay $0x3  }
0x96: {  	_ =	strace s2  }
0x97: {  	_ =	strace $0x8FFFFFFF  }
0x98: {  	s18 =	sld [smem:$0x3FDB];
	_ =	sdelay $0x1  }
0x99: {  	s19 =	simm.s32 $_scs_section_size  }
0x9a: {  	s4 =	simm.s32 $_size__tile_overlayer_lowered;
	s5 =	simm.s32 $_tile_overlayer_lowered  }
0x9b: {  	s22 =	simm.s32 $0x1BFF;
	s21 =	sshll.u32 s5, $0x1;
	s2 =	sadd.s32 s19, s18  }
0x9c: {  	s6 =	simm.s32 $0x0;
	s20 =	sshll.u32 s4, $0x1;
	s4 =	sadd.s32 s21, s2  }
0x9d: {  	[timem:s6], [sflag:s22] =	dma.local [hbm:s4], s20  }
0x9e: {  	_ =	swait.ge [sflag:s22], s20  }
0x9f: {  	s3 =	ssub.s32 $0x0, s20;
	[sflag:s22] =	ssyncset.done $0x0  }
0xa0: {  	[sflag:s22] =	ssyncadd.s32 s3;
	_ =	sdelay $0x1  }
0xa1: {  	s23 =	simm.s32 $0x1B8B  }
0xa2: {  	_ =	swait.ge [sflag:s23], $0x1  }
0xa3: {  	[sflag:s23] =	ssyncset.done $0x0  }
0xa4: {  	s25 =	simm.s32 $0x1B8E;
	s24 =	sld [smem:$0x3FFE];
	[sflag:s23] =	ssyncadd.s32 $0xFFFFFFFF  }
0xa5: {  	s26 =	simm.s32 $execute0_lowered;
	[smem:$0x3FD2] =	sst s25  }
0xa6: {  	s4 =	sshll.u32 s26, $0x1;
	_ =	strace $0x80000046;
	[dreg:$0x1] =	wrdreg $0xFFFFFFFF  }
0xa7: {  	s28 =	simm.s32 $_size_execute0_lowered;
	s2 =	sadd.s32 s2, s4;
	[dreg:$0x0] =	wrdreg $0x0  }
0xa8: {  	s4 =	sshll.u32 s28, $0x1;
	[dreg:$0x2] =	wrdreg s2  }
0xa9: {  	[dreg:$0x3] =	wrdreg s4  }
0xaa: {  	[dreg:$0x4] =	wrdreg $0xC0  }
0xab: {  	_ =	task [dreg:s6], $0x5FFFF  }
0xac: {  	[dreg:$0x1] =	wrdreg $0xFFFFFFFF  }
0xad: {  	[dreg:$0x0] =	wrdreg $0x60  }
0xae: {  	[dreg:$0x2] =	wrdreg s24  }
0xaf: {  	[dreg:$0x3] =	wrdreg $0x68000  }
0xb0: {  	[dreg:$0x4] =	wrdreg $0x9  }
0xb1: {  	_ =	task.clear_ibuf [dreg:s6], $0x5FFFF;
	_ =	strace $0x90000046  }
0xb2: {  	s29 =	simm.s32 $0x9;
	_ =	strace $0x80000048  }
0xb3: {  	_ =	swait.ge [sflag:s29], $0x1  }
0xb4: {  	[sflag:s29] =	ssyncadd.s32 $0xFFFFFFFF  }
0xb5: {  	_ =	strace $0x90000048  }
0xb6: {  	_ =	sfence  }
0xb7: {  	s30 =	sld [smem:$0x0];
	_ =	sdelay $0x2  }
0xb8: {  	s31 =	sshll.u32 s1, $0xD;
	s1 =	sshrl.u32 s1, $0x2  }
0xb9: {  	s3 =	sand.u32 $0x4000, s31;
	s1 =	sadd.s32 s1, s30  }
0xba: {  	s0 =	sor.u32 s3, s0;
	s1 =	sshll.u32 s1, $0x11  }
0xbb: {  	s0 =	sor.u32 s1, s0  }
0xbc: {  	s0 =	sadd.s32 $0x8F2B, s0  }
0xbd: {  	[sflag:s0] =	ssyncadd.remote.s32 $0x1  }
0xbe: {  	_ =	sfence.sel $0xFFFF  }
0xbf: {  	[dreg:$0x0] =	wrdreg $0xFFFFFFFF;
	(pc) =	sbr.abs _section_cstart, $3  }
0xc0: {  	[dreg:$0x1] =	wrdreg $0xFFFFFFFF  }
0xc1: {  	_ =	task.clear_ibuf [dreg:s6], $0x2FFFF;
	_ =	strace $0x9FFFFFFF  }
0xc2: {  	(tm) =	ssettm $0x7FFFFFFF  }
0xc3: {  	_ =	shalt  }
tec
execute0_lowered:
.L_overlay_start_1:
0x0: {  	(tag) =	ssettag $0x1  }
0x1: {  	s0 =	srdreg.scid;
	s4 =	rddreg [dreg:$0x0]  }
0x2: {  	s2 =	rddreg [dreg:$0x1];
	s1 =	stileid.u32  }
0x3: {  	s3 =	simm.s32 $0x0;
	s19 =	simm.s32 $0x80;
	s20 =	simm.s32 $0x100  }
0x4: {  	s21 =	simm.s32 $0x180;
	s22 =	simm.s32 $0x2;
	s23 =	simm.s32 $0x0  }
0x5: {  	s6 =	sand.u32 $0x1, s0;
	s0 =	rddreg [dreg:$0x2];
	s7 =	smul.u32 $0x50000, s1  }
0x6: {  	[smem:$0x7FF] =	sst s3;
	s14 =	sadd.s32 $0xD800, s4;
	s9 =	smul.u32 $0x14000, s1  }
0x7: {  	s5 =	sshll.u32 s6, $0x4;
	_ =	strace $0x80000047;
	s31 =	ssub.s32 $0x2, s6  }
0x8: {  	s13 =	smul.u32 $0x140000, s6;
	s5 =	sor.u32 s1, s5;
	s8 =	sshrl.u32 s31, $0x1  }
0x9: {  	s7 =	sshrl.u32 s7, $0x2;
	s10 =	sadd.s32 $0x4000, s9;
	s12 =	sadd.s32 $0x8000, s9  }
0xa: {  	s16 =	sadd.s32 $0xC000, s9;
	s17 =	sadd.s32 $0x10000, s9;
	s5 =	smul.u32 $0x500, s5  }
0xb: {  	s15 =	ssub.s32 s31, s8;
	s6 =	sadd.s32 s10, s2;
	s8 =	sadd.s32 s16, s2  }
0xc: {  	s11 =	sadd.s32 s9, s13;
	s10 =	sadd.s32 s13, s10;
	s9 =	sadd.s32 s17, s2  }
0xd: {  	s16 =	sadd.s32 s13, s16;
	s11 =	sshrl.u32 s11, $0x3;
	s18 =	sshrl.u32 s10, $0x3  }
0xe: {  	s16 =	sshrl.u32 s16, $0x3;
	s15 =	smax.u32 s15, $0x1;
	s5 =	sadd.s32 s5, s4  }
0xf: {  	s10 =	sadd.s32 s14, s11;
	s11 =	sadd.s32 s14, s18;
	s4 =	sadd.s32 $0x3800, s5  }
0x10: {  	s5 =	sadd.s32 s7, s2;
	s7 =	sadd.s32 s12, s2;
	s12 =	sadd.s32 s13, s12  }
0x11: {  	s18 =	simm.s32 $0x1;
	s13 =	sadd.s32 s13, s17;
	s12 =	sshrl.u32 s12, $0x3  }
0x12: {  	s17 =	sshrl.u32 s13, $0x3;
	s13 =	sadd.s32 s14, s16;
	s16 =	simm.s32 $0x2800  }
0x13: {  	v0 =	vimm.f32 $0.0e+00;
	v1 =	vimm.f32 $1.000000000e+00;
	s12 =	sadd.s32 s14, s12;
	s14 =	sadd.s32 s14, s17;
	s17 =	simm.s32 $0x3  }
.LBB2_1:
0x14: {  	[tilespmem:s3], [sflag:$0x1] =	stream.linear.gather [hbm4b:s4+s3], $0x2780, $0x38;
	[tilespmem:$0x1A800] =	vst v63  }
0x15: {  	s24 =	simm.s32 $0x0;
	s25 =	simm.s32 $0x200  }
.LBB2_2:
0x16: {  	p0 =	sne.s32 s25, $0xFE00;
	[tilespmem:s24+$0x2870] =	vst v0  }
0x17: {  	[tilespmem:s24+$0x2800] =	vst v0  }
0x18: {  	[tilespmem:s24+$0x2810] =	vst v0  }
.Ltmp0:
0x19: {  	[tilespmem:s24+$0x2820] =	vst v0;
	(pc) =	sbr.rel @p0 .LBB2_2-.Ltmp0, $4  }
0x1a: {  	[tilespmem:s24+$0x2830] =	vst v0  }
0x1b: {  	[tilespmem:s24+$0x2840] =	vst v0  }
0x1c: {  	[tilespmem:s24+$0x2850] =	vst v0  }
0x1d: {  	[tilespmem:s24+$0x2860] =	vst v0;
	s24 =	sshra.s32 s25, $0x2;
	s25 =	sadd.s32 $0x200, s25  }
0x1e: {  	[tilespmem:s24+$0x2870] =	vst v0  }
0x1f: {  	[tilespmem:s24+$0x2800] =	vst v0  }
0x20: {  	[tilespmem:s24+$0x2810] =	vst v0  }
0x21: {  	[tilespmem:s24+$0x2820] =	vst v0  }
0x22: {  	[tilespmem:s24+$0x2830] =	vst v0  }
0x23: {  	[tilespmem:s24+$0x2840] =	vst v0  }
0x24: {  	[tilespmem:s24+$0x2850] =	vst v0  }
0x25: {  	[tilespmem:s24+$0x2860] =	vst v0  }
0x26: {  	[spmem:s5] =	stream.linear.scatter [tilespmem:s16], [sflag:$0x3], $0x4000, $0x38;
	[tilespmem:$0x1A800] =	vst v63  }
0x27: {  	_ =	swait.ge [sflag:s17], $0x4000  }
0x28: {  	[sflag:s17] =	ssyncset.done $0x0  }
0x29: {  	[sflag:s17] =	ssyncadd.s32 $0xFFFFC000  }
0x2a: {  	[spmem:s6] =	stream.linear.scatter [tilespmem:s16], [sflag:$0x3], $0x4000, $0x38;
	[tilespmem:$0x1A800] =	vst v63  }
0x2b: {  	_ =	swait.ge [sflag:s17], $0x4000  }
0x2c: {  	[sflag:s17] =	ssyncset.done $0x0  }
0x2d: {  	[sflag:s17] =	ssyncadd.s32 $0xFFFFC000  }
0x2e: {  	[spmem:s7] =	stream.linear.scatter [tilespmem:s16], [sflag:$0x3], $0x4000, $0x38;
	[tilespmem:$0x1A800] =	vst v63  }
0x2f: {  	_ =	swait.ge [sflag:s17], $0x4000  }
0x30: {  	[sflag:s17] =	ssyncset.done $0x0  }
0x31: {  	[sflag:s17] =	ssyncadd.s32 $0xFFFFC000  }
0x32: {  	[spmem:s8] =	stream.linear.scatter [tilespmem:s16], [sflag:$0x3], $0x4000, $0x38;
	[tilespmem:$0x1A800] =	vst v63  }
0x33: {  	_ =	swait.ge [sflag:s17], $0x4000  }
0x34: {  	[sflag:s17] =	ssyncset.done $0x0  }
0x35: {  	[sflag:s17] =	ssyncadd.s32 $0xFFFFC000  }
0x36: {  	[spmem:s9] =	stream.linear.scatter [tilespmem:s16], [sflag:$0x3], $0x4000, $0x38;
	[tilespmem:$0x1A800] =	vst v63  }
0x37: {  	_ =	swait.ge [sflag:s17], $0x4000  }
0x38: {  	[sflag:s17] =	ssyncset.done $0x0  }
0x39: {  	[sflag:s17] =	ssyncadd.s32 $0xFFFFC000  }
0x3a: {  	_ =	swait.ge [sflag:s18], $0x2780  }
0x3b: {  	[sflag:s18] =	ssyncset.done $0x0  }
0x3c: {  	[sflag:s18] =	ssyncadd.s32 $0xFFFFD880  }
0x3d: {  	s24 =	simm.s32 $0x0;
	s25 =	simm.s32 $0x200;
	[bflag:$0x0] =	sbarrier.arrive $0xFFFF  }
.LBB2_4:
0x3e: {  	p0 =	sne.s32 s25, $0xFE00;
	[tilespmem:s24+$0x2870] =	vst v1  }
0x3f: {  	[tilespmem:s24+$0x2800] =	vst v1  }
0x40: {  	[tilespmem:s24+$0x2810] =	vst v1  }
.Ltmp1:
0x41: {  	[tilespmem:s24+$0x2820] =	vst v1;
	(pc) =	sbr.rel @p0 .LBB2_4-.Ltmp1, $4  }
0x42: {  	[tilespmem:s24+$0x2830] =	vst v1  }
0x43: {  	[tilespmem:s24+$0x2840] =	vst v1  }
0x44: {  	[tilespmem:s24+$0x2850] =	vst v1  }
0x45: {  	[tilespmem:s24+$0x2860] =	vst v1;
	s24 =	sshra.s32 s25, $0x2;
	s25 =	sadd.s32 $0x200, s25  }
0x46: {  	[tilespmem:s24+$0x2870] =	vst v1  }
0x47: {  	[tilespmem:s24+$0x2800] =	vst v1  }
0x48: {  	[tilespmem:s24+$0x2810] =	vst v1  }
0x49: {  	[tilespmem:s24+$0x2820] =	vst v1  }
0x4a: {  	[tilespmem:s24+$0x2830] =	vst v1  }
0x4b: {  	[tilespmem:s24+$0x2840] =	vst v1  }
0x4c: {  	[tilespmem:s24+$0x2850] =	vst v1  }
0x4d: {  	[tilespmem:s24+$0x2860] =	vst v1  }
0x4e: {  	[spmem:s2] =	stream.indirect.scatter.add.f32 [tilespmem:s16], [sflag:$0x2], $0x80, s3, s19, $0xb8;
	[tilespmem:$0x1A800] =	vst v63  }
0x4f: {  	_ = 	snop  }
0x50: {  	[spmem:s2] =	stream.indirect.scatter.add.f32 [tilespmem:s16], [sflag:$0x2], $0x80, s19, s19, $0xb8;
	[tilespmem:$0x1A800] =	vst v63  }
0x51: {  	_ = 	snop  }
0x52: {  	[spmem:s2] =	stream.indirect.scatter.add.f32 [tilespmem:s16], [sflag:$0x2], $0x80, s20, s19, $0xb8;
	[tilespmem:$0x1A800] =	vst v63  }
0x53: {  	_ = 	snop  }
0x54: {  	[spmem:s2] =	stream.indirect.scatter.add.f32 [tilespmem:s16], [sflag:$0x2], $0x80, s21, s19, $0xb8;
	[tilespmem:$0x1A800] =	vst v63  }
0x55: {  	_ =	swait.ge [sflag:s22], $0x4000  }
0x56: {  	[sflag:s22] =	ssyncset.done $0x0  }
0x57: {  	s24 =	simm.s32 $0xA00;
	s25 =	simm.s32 $0x200;
	[sflag:s22] =	ssyncadd.s32 $0xFFFFC000  }
.LBB2_6:
0x58: {  	[spmem:s2] =	stream.indirect.scatter.add.f32 [tilespmem:s16], [sflag:$0x2], $0x80, s25, s19, $0xb8;
	[tilespmem:$0x1A800] =	vst v63  }
0x59: {  	s25 =	smov.u32 s24;
	p0 =	sne.s32 s24, $0x9C00  }
.Ltmp2:
0x5a: {  	s24 =	sadd.s32 $0x200, s24;
	(pc) =	sbr.rel @p0 .LBB2_6-.Ltmp2, $4  }
0x5b: {  	_ = 	snop  }
0x5c: {  	_ =	swait.ge [sflag:s22], $0x4000  }
0x5d: {  	[sflag:s22] =	ssyncset.done $0x0  }
0x5e: {  	s25 =	sshra.s32 s25, $0x2;
	[sflag:s22] =	ssyncadd.s32 $0xFFFFC000  }
0x5f: {  	[spmem:s2] =	stream.indirect.scatter.add.f32 [tilespmem:s16], [sflag:$0x2], $0x80, s25, s19, $0xb8;
	[tilespmem:$0x1A800] =	vst v63  }
0x60: {  	_ =	swait.ge [sflag:s22], $0x4000  }
0x61: {  	[sflag:s22] =	ssyncset.done $0x0  }
0x62: {  	[sflag:s22] =	ssyncadd.s32 $0xFFFFC000  }
0x63: {  	_ =	swait.ge [sflag:s22], $0x4000  }
0x64: {  	[sflag:s22] =	ssyncset.done $0x0  }
0x65: {  	[sflag:s22] =	ssyncadd.s32 $0xFFFFC000  }
0x66: {  	_ =	swait.ge [sflag:s22], $0x4000  }
0x67: {  	[sflag:s22] =	ssyncset.done $0x0  }
0x68: {  	[sflag:s22] =	ssyncadd.s32 $0xFFFFC000  }
0x69: {  	_ =	swait.ge [sflag:s22], $0x4000  }
0x6a: {  	[sflag:s22] =	ssyncset.done $0x0  }
0x6b: {  	[sflag:s22] =	ssyncadd.s32 $0xFFFFC000  }
0x6c: {  	[bflag:$0x0] =	sbarrier.arrive $0xFFFF  }
0x6d: {  	[tilespmem:s16], [sflag:$0x3] =	stream.linear.gather [spmem:s5], $0x4000, $0x38;
	[tilespmem:$0x1A800] =	vst v63  }
0x6e: {  	_ =	swait.ge [sflag:s17], $0x4000  }
0x6f: {  	[sflag:s17] =	ssyncset.done $0x0  }
0x70: {  	[sflag:s17] =	ssyncadd.s32 $0xFFFFC000  }
0x71: {  	[hbm4b:s10+s3] =	stream.linear.scatter [tilespmem:s16], [sflag:$0x3], $0x4000, $0x38;
	[tilespmem:$0x1A800] =	vst v63  }
0x72: {  	_ =	swait.ge [sflag:s17], $0x4000  }
0x73: {  	[sflag:s17] =	ssyncset.done $0x0  }
0x74: {  	[sflag:s17] =	ssyncadd.s32 $0xFFFFC000  }
0x75: {  	[tilespmem:s16], [sflag:$0x3] =	stream.linear.gather [spmem:s6], $0x4000, $0x38;
	[tilespmem:$0x1A800] =	vst v63  }
0x76: {  	_ =	swait.ge [sflag:s17], $0x4000  }
0x77: {  	[sflag:s17] =	ssyncset.done $0x0  }
0x78: {  	[sflag:s17] =	ssyncadd.s32 $0xFFFFC000  }
0x79: {  	[hbm4b:s11+s3] =	stream.linear.scatter [tilespmem:s16], [sflag:$0x3], $0x4000, $0x38;
	[tilespmem:$0x1A800] =	vst v63  }
0x7a: {  	_ =	swait.ge [sflag:s17], $0x4000  }
0x7b: {  	[sflag:s17] =	ssyncset.done $0x0  }
0x7c: {  	[sflag:s17] =	ssyncadd.s32 $0xFFFFC000  }
0x7d: {  	[tilespmem:s16], [sflag:$0x3] =	stream.linear.gather [spmem:s7], $0x4000, $0x38;
	[tilespmem:$0x1A800] =	vst v63  }
0x7e: {  	_ =	swait.ge [sflag:s17], $0x4000  }
0x7f: {  	[sflag:s17] =	ssyncset.done $0x0  }
0x80: {  	[sflag:s17] =	ssyncadd.s32 $0xFFFFC000  }
0x81: {  	[hbm4b:s12+s3] =	stream.linear.scatter [tilespmem:s16], [sflag:$0x3], $0x4000, $0x38;
	[tilespmem:$0x1A800] =	vst v63  }
0x82: {  	_ =	swait.ge [sflag:s17], $0x4000  }
0x83: {  	[sflag:s17] =	ssyncset.done $0x0  }
0x84: {  	[sflag:s17] =	ssyncadd.s32 $0xFFFFC000  }
0x85: {  	[tilespmem:s16], [sflag:$0x3] =	stream.linear.gather [spmem:s8], $0x4000, $0x38;
	[tilespmem:$0x1A800] =	vst v63  }
0x86: {  	_ =	swait.ge [sflag:s17], $0x4000  }
0x87: {  	[sflag:s17] =	ssyncset.done $0x0  }
0x88: {  	[sflag:s17] =	ssyncadd.s32 $0xFFFFC000  }
0x89: {  	[hbm4b:s13+s3] =	stream.linear.scatter [tilespmem:s16], [sflag:$0x3], $0x4000, $0x38;
	[tilespmem:$0x1A800] =	vst v63  }
0x8a: {  	_ =	swait.ge [sflag:s17], $0x4000  }
0x8b: {  	[sflag:s17] =	ssyncset.done $0x0  }
0x8c: {  	[sflag:s17] =	ssyncadd.s32 $0xFFFFC000  }
0x8d: {  	[tilespmem:s16], [sflag:$0x3] =	stream.linear.gather [spmem:s9], $0x4000, $0x38;
	[tilespmem:$0x1A800] =	vst v63  }
0x8e: {  	s23 =	sadd.s32 $0x1, s23;
	_ =	swait.ge [sflag:s17], $0x4000  }
0x8f: {  	p0 =	sne.s32 s23, s15;
	[sflag:s17] =	ssyncset.done $0x0  }
.Ltmp3:
0x90: {  	[sflag:s17] =	ssyncadd.s32 $0xFFFFC000;
	(pc) =	sbr.rel @p0 .LBB2_1-.Ltmp3, $4  }
0x91: {  	[hbm4b:s14+s3] =	stream.linear.scatter [tilespmem:s16], [sflag:$0x3], $0x4000, $0x38;
	[tilespmem:$0x1A800] =	vst v63  }
0x92: {  	_ =	swait.ge [sflag:s17], $0x4000  }
0x93: {  	[sflag:s17] =	ssyncset.done $0x0  }
0x94: {  	[sflag:s17] =	ssyncadd.s32 $0xFFFFC000  }
0x95: {  	_ =	sfence.sel $0x180000  }
0x96: {  	[bflag:$0x0] =	sbarrier.arrive $0xFFFF  }
0x97: {  	p0 =	sne.s32 s1, $0x0;
	_ =	strace $0x90000047  }
0x98: {  	s0 =	sadd.s32 @!p0 $0x100000, s0;
	[bflag:$0x2] =	sbarrier.arrive $0xFFFF  }
0x99: {  	[sflag:s0] =	ssyncadd.tile.s32 @!p0 $0x1;
	_ =	shalt  }
.Lfunc_end2:
_tile_overlayer_lowered:
.L_overlay_start_2:
0x9a: {  	(tag) =	ssettag $0x2  }
0x9b: {  	s0 =	rddreg [dreg:$0x0];
	s2 =	stileid.u32  }
0x9c: {  	s1 =	rddreg [dreg:$0x1];
	p0 =	sne.s32 s2, $0x0  }
0x9d: {  	s3 =	rddreg [dreg:$0x2];
	[bflag:$0x3] =	sbarrier.arrive $0xFFFF;
	s2 =	simm.s32 @!p0 $0x1C03  }
0x9e: {  	[timem:s3], [sflag:s2] =	dma.local @!p0 [hbm:s0], s1  }
0x9f: {  	s0 =	simm.s32 @!p0 $0x3  }
0xa0: {  	_ =	swait.ge @!p0 [sflag:s0], s1  }
0xa1: {  	s1 =	ssub.s32 @!p0 $0x0, s1;
	[sflag:s0] =	ssyncset.done @!p0 $0x0  }
0xa2: {  	[sflag:s0] =	ssyncadd.s32 @!p0 s1  }
0xa3: {  	[bflag:$0x3] =	sbarrier.arrive $0xFFFF  }
0xa4: {  	_ =	shalt  }

// kernel: kernel.13.cloned.1.call-start
scs
__scs_entry_jumppad:
0x0: {  	(pc) =	sbr.rel $0x88, $3  }
0x1: {  	(tag) =	ssettag $0x0;
	lr =	simm.s32 $0x1  }
0x2: {  	[smem:$0x3F96] =	sst lr;
	_ =	strace $0xD0000000  }
0x3: {  	_ = 	snop  }
0x4: {  	_ = 	snop  }
0x5: {  	_ = 	snop  }
0x6: {  	_ = 	snop  }
0x7: {  	_ = 	snop  }
__scs_overlays_trampoline_lowered:
0x8: {  	[smem:$0x3FA5] =	sst s0  }
0x9: {  	[smem:$0x3FA6] =	sst s1  }
0xa: {  	[smem:$0x3FA7] =	sst s2  }
0xb: {  	[smem:$0x3FA8] =	sst s3  }
0xc: {  	[smem:$0x3FA9] =	sst s4  }
0xd: {  	[smem:$0x3FAA] =	sst s5  }
0xe: {  	[smem:$0x3FAB] =	sst s6  }
0xf: {  	[smem:$0x3FAC] =	sst s7  }
0x10: {  	[smem:$0x3FAD] =	sst s8  }
0x11: {  	[smem:$0x3FAE] =	sst s9;
	s0 =	simm.s32 @!p0 $0x0  }
0x12: {  	s1 =	sld [smem:$0x3F94];
	s0 =	simm.s32 @p0 $0x1  }
0x13: {  	[smem:$0x3FAF] =	sst s0;
	s0 =	simm.s32 @!p1 $0x0  }
0x14: {  	s2 =	sld [smem:$0x3F93];
	s0 =	simm.s32 @p1 $0x1  }
0x15: {  	[smem:$0x3FB0] =	sst s0;
	s0 =	simm.s32 @!p2 $0x0  }
0x16: {  	s3 =	sld [smem:$0x3FDB];
	s0 =	simm.s32 @p2 $0x1  }
0x17: {  	s4 =	simm.s32 $0x1BF5;
	[smem:$0x3FB2] =	sst s0  }
0x18: {  	s0 =	sld [smem:$0x3F95];
	_ =	swait.ge [sflag:s4], $0x0  }
0x19: {  	s7 =	sld [smem:$0x3F96]  }
0x1a: {  	s8 =	sadd.s32 $0xFFFFE003, lr  }
0x1b: {  	s9 =	sadd.s32 $0xFFFFFEF7, lr;
	s5 =	simm.s32 $0xFFFFFFFF;
	p2 =	slt.u32 s8, $0xFFFFF086  }
0x1c: {  	p1 =	slt.u32 s9, $0xF7A;
	s5 =	simm.s32 @!p2 $0x0  }
0x1d: {  	s5 =	simm.s32 @p1 $0x1;
	p0 =	seq.s32 s7, s2  }
0x1e: {  	s7 =	smul.u32 @!p0 $0xF7A, s2;
	p2 =	seq.s32 @!p0 s5, $0x0  }
0x1f: {  	s9 =	smul.u32 $0xF7A, s1;
	s8 =	simm.s32 @!p0 $0x1BF5;
	p2 =	por !p2, p0  }
0x20: {  	[sflag:s8] =	ssyncset.s32 @!p0 $0xFFFFF086;
	s6 =	sadd.s32 @!p0 s3, s7;
	s7 =	simm.s32 @!p0 $0x108  }
0x21: {  	s3 =	sadd.s32 s3, s9;
	s6 =	sadd.s32 @!p0 $0x88, s6;
	s7 =	simm.s32 @p2 $0x1082  }
0x22: {  	[simem:s7], [sflag:s8] =	dma.local @!p0 [hbm:s6], $0xF7A  }
0x23: {  	s9 =	sor.u32 $0xD0000000, s2;
	s6 =	simm.s32 $0x108;
	_ =	swait.ge @!p0 [sflag:s8], $0x0  }
0x24: {  	s3 =	sadd.s32 $0x88, s3;
	s6 =	simm.s32 @!p1 $0x1082;
	[sflag:s4] =	ssyncset.s32 $0xFFFFF086  }
0x25: {  	[simem:s6], [sflag:s4] =	dma.local [hbm:s3], $0xF7A  }
0x26: {  	[smem:$0x3F96] =	sst s1;
	(tag) =	ssettag s2;
	_ =	strace s9  }
0x27: {  	s1 =	sld [smem:$0x3FA6]  }
0x28: {  	s2 =	sld [smem:$0x3FA7]  }
0x29: {  	s4 =	sld [smem:$0x3FA9]  }
0x2a: {  	p0 =	seq.s32 s5, $0x0;
	s5 =	sld [smem:$0x3FAA]  }
0x2b: {  	s6 =	sld [smem:$0x3FAB]  }
0x2c: {  	s7 =	sld [smem:$0x3FAC]  }
0x2d: {  	s3 =	simm.s32 $0x108;
	s8 =	sld [smem:$0x3FAD]  }
0x2e: {  	s3 =	simm.s32 @!p0 $0x1082;
	s9 =	sld [smem:$0x3FAE]  }
0x2f: {  	lr =	sadd.s32 s0, s3;
	s0 =	sld [smem:$0x3FA5]  }
0x30: {  	s3 =	sld [smem:$0x3FA8]  }
0x31: {  	[smem:$0x3FB1] =	sst s10  }
0x32: {  	s10 =	sld [smem:$0x3FAF];
	_ =	sdelay $0x3  }
0x33: {  	p0 =	seq.s32 s10, $0x1;
	s10 =	sld [smem:$0x3FB1];
	_ =	sdelay $0x3  }
0x34: {  	[smem:$0x3FB1] =	sst s10  }
0x35: {  	s10 =	sld [smem:$0x3FB0];
	_ =	sdelay $0x3  }
0x36: {  	p1 =	seq.s32 s10, $0x1;
	s10 =	sld [smem:$0x3FB1];
	_ =	sdelay $0x3  }
0x37: {  	[smem:$0x3FB1] =	sst s10  }
0x38: {  	s10 =	sld [smem:$0x3FB2]  }
0x39: {  	_ = 	snop;
	(pc) =	sbr.ind lr, $3  }
0x3a: {  	_ = 	snop  }
0x3b: {  	_ = 	snop  }
0x3c: {  	p2 =	seq.s32 s10, $0x1;
	s10 =	sld [smem:$0x3FB1]  }
0x3d: {  	_ =	shalt  }
0x3e: {  	_ =	shalt  }
0x3f: {  	_ =	shalt  }
0x40: {  	_ =	shalt  }
0x41: {  	_ =	shalt  }
0x42: {  	_ =	shalt  }
0x43: {  	_ =	shalt  }
0x44: {  	_ =	shalt  }
0x45: {  	_ =	shalt  }
0x46: {  	_ =	shalt  }
0x47: {  	_ =	shalt  }
0x48: {  	_ =	shalt  }
0x49: {  	_ =	shalt  }
0x4a: {  	_ =	shalt  }
0x4b: {  	_ =	shalt  }
0x4c: {  	_ =	shalt  }
0x4d: {  	_ =	shalt  }
0x4e: {  	_ =	shalt  }
0x4f: {  	_ =	shalt  }
0x50: {  	_ =	shalt  }
0x51: {  	_ =	shalt  }
0x52: {  	_ =	shalt  }
0x53: {  	_ =	shalt  }
0x54: {  	_ =	shalt  }
0x55: {  	_ =	shalt  }
0x56: {  	_ =	shalt  }
0x57: {  	_ =	shalt  }
0x58: {  	_ =	shalt  }
0x59: {  	_ =	shalt  }
0x5a: {  	_ =	shalt  }
0x5b: {  	_ =	shalt  }
0x5c: {  	_ =	shalt  }
0x5d: {  	_ =	shalt  }
0x5e: {  	_ =	shalt  }
0x5f: {  	_ =	shalt  }
0x60: {  	_ =	shalt  }
0x61: {  	_ =	shalt  }
0x62: {  	_ =	shalt  }
0x63: {  	_ =	shalt  }
0x64: {  	_ =	shalt  }
0x65: {  	_ =	shalt  }
0x66: {  	_ =	shalt  }
0x67: {  	_ =	shalt  }
0x68: {  	_ =	shalt  }
0x69: {  	_ =	shalt  }
0x6a: {  	_ =	shalt  }
0x6b: {  	_ =	shalt  }
0x6c: {  	_ =	shalt  }
0x6d: {  	_ =	shalt  }
0x6e: {  	_ =	shalt  }
0x6f: {  	_ =	shalt  }
0x70: {  	_ =	shalt  }
0x71: {  	_ =	shalt  }
0x72: {  	_ =	shalt  }
0x73: {  	_ =	shalt  }
0x74: {  	_ =	shalt  }
0x75: {  	_ =	shalt  }
0x76: {  	_ =	shalt  }
0x77: {  	_ =	shalt  }
0x78: {  	_ =	shalt  }
0x79: {  	_ =	shalt  }
0x7a: {  	_ =	shalt  }
0x7b: {  	_ =	shalt  }
0x7c: {  	_ =	shalt  }
0x7d: {  	_ =	shalt  }
0x7e: {  	_ =	shalt  }
0x7f: {  	_ =	shalt  }
0x80: {  	_ =	shalt  }
0x81: {  	_ =	shalt  }
0x82: {  	_ =	shalt  }
0x83: {  	_ =	shalt  }
0x84: {  	_ =	shalt  }
0x85: {  	_ =	shalt  }
0x86: {  	_ =	shalt  }
0x87: {  	_ =	shalt  }
.Lfunc_end0:
.L_simem_size_0:
called_computation.1_lowered:
.L_overlay_start_0:
0x88: {  	s2 =	sld [smem:$0x3FD9]  }
0x89: {  	s3 =	sld [smem:$0x3FFE];
	_ =	sdelay $0x1  }
0x8a: {  	s1 =	srdreg.scid  }
0x8b: {  	s0 =	sand.u32 $0x1, s1  }
0x8c: {  	s16 =	sshll.u32 s0, $0xA;
	s2 =	sadd.s32 s3, s2  }
0x8d: {  	s2 =	sadd.s32 s2, s16  }
0x8e: {  	[smem:$0x3FBD] =	sst s2  }
0x8f: {  	_ = 	snop  }
0x90: {  	(tm) =	ssettm $0x1  }
0x91: {  	s17 =	sld [smem:$0x3FFB];
	_ =	sdelay $0x3  }
0x92: {  	_ =	strace s17  }
0x93: {  	s2 =	sld [smem:$0x3FFC];
	_ =	sdelay $0x3  }
0x94: {  	_ =	strace s2  }
0x95: {  	s2 =	sld [smem:$0x3FFD];
	_ =	sdelay $0x3  }
0x96: {  	_ =	strace s2  }
0x97: {  	_ =	strace $0x8FFFFFFF  }
0x98: {  	s18 =	sld [smem:$0x3FDB];
	_ =	sdelay $0x1  }
0x99: {  	s19 =	simm.s32 $_scs_section_size  }
0x9a: {  	s4 =	simm.s32 $_size__tile_overlayer_lowered;
	s5 =	simm.s32 $_tile_overlayer_lowered  }
0x9b: {  	s22 =	simm.s32 $0x1BFF;
	s21 =	sshll.u32 s5, $0x1;
	s2 =	sadd.s32 s19, s18  }
0x9c: {  	s6 =	simm.s32 $0x0;
	s20 =	sshll.u32 s4, $0x1;
	s4 =	sadd.s32 s21, s2  }
0x9d: {  	[timem:s6], [sflag:s22] =	dma.local [hbm:s4], s20  }
0x9e: {  	_ =	swait.ge [sflag:s22], s20  }
0x9f: {  	s3 =	ssub.s32 $0x0, s20;
	[sflag:s22] =	ssyncset.done $0x0  }
0xa0: {  	[sflag:s22] =	ssyncadd.s32 s3;
	_ =	sdelay $0x1  }
0xa1: {  	s23 =	simm.s32 $0x1B8B  }
0xa2: {  	_ =	swait.ge [sflag:s23], $0x1  }
0xa3: {  	[sflag:s23] =	ssyncset.done $0x0  }
0xa4: {  	s25 =	simm.s32 $0x1B8E;
	s24 =	sld [smem:$0x3FFE];
	[sflag:s23] =	ssyncadd.s32 $0xFFFFFFFF  }
0xa5: {  	s26 =	simm.s32 $execute0_lowered;
	[smem:$0x3FD2] =	sst s25  }
0xa6: {  	s4 =	sshll.u32 s26, $0x1;
	_ =	strace $0x80000049;
	[dreg:$0x1] =	wrdreg $0xFFFFFFFF  }
0xa7: {  	s28 =	simm.s32 $_size_execute0_lowered;
	s2 =	sadd.s32 s2, s4;
	[dreg:$0x0] =	wrdreg $0x0  }
0xa8: {  	s4 =	sshll.u32 s28, $0x1;
	[dreg:$0x2] =	wrdreg s2  }
0xa9: {  	[dreg:$0x3] =	wrdreg s4  }
0xaa: {  	[dreg:$0x4] =	wrdreg $0xC0  }
0xab: {  	_ =	task [dreg:s6], $0x5FFFF  }
0xac: {  	[dreg:$0x1] =	wrdreg $0xFFFFFFFF  }
0xad: {  	[dreg:$0x0] =	wrdreg $0x60  }
0xae: {  	[dreg:$0x2] =	wrdreg s24  }
0xaf: {  	[dreg:$0x3] =	wrdreg $0x41000  }
0xb0: {  	[dreg:$0x4] =	wrdreg $0x9  }
0xb1: {  	_ =	task.clear_ibuf [dreg:s6], $0x5FFFF;
	_ =	strace $0x90000049  }
0xb2: {  	s29 =	simm.s32 $0x9;
	_ =	strace $0x8000004B  }
0xb3: {  	_ =	swait.ge [sflag:s29], $0x1  }
0xb4: {  	[sflag:s29] =	ssyncadd.s32 $0xFFFFFFFF  }
0xb5: {  	_ =	strace $0x9000004B  }
0xb6: {  	_ =	sfence  }
0xb7: {  	s30 =	sld [smem:$0x0];
	_ =	sdelay $0x2  }
0xb8: {  	s31 =	sshll.u32 s1, $0xD;
	s1 =	sshrl.u32 s1, $0x2  }
0xb9: {  	s3 =	sand.u32 $0x4000, s31;
	s1 =	sadd.s32 s1, s30  }
0xba: {  	s0 =	sor.u32 s3, s0;
	s1 =	sshll.u32 s1, $0x11  }
0xbb: {  	s0 =	sor.u32 s1, s0  }
0xbc: {  	s0 =	sadd.s32 $0x8F2B, s0  }
0xbd: {  	[sflag:s0] =	ssyncadd.remote.s32 $0x1  }
0xbe: {  	_ =	sfence.sel $0xFFFF  }
0xbf: {  	[dreg:$0x0] =	wrdreg $0xFFFFFFFF;
	(pc) =	sbr.abs _section_cstart, $3  }
0xc0: {  	[dreg:$0x1] =	wrdreg $0xFFFFFFFF  }
0xc1: {  	_ =	task.clear_ibuf [dreg:s6], $0x2FFFF;
	_ =	strace $0x9FFFFFFF  }
0xc2: {  	(tm) =	ssettm $0x7FFFFFFF  }
0xc3: {  	_ =	shalt  }
tec
execute0_lowered:
.L_overlay_start_1:
0x0: {  	(tag) =	ssettag $0x1  }
0x1: {  	s7 =	rddreg [dreg:$0x0]  }
0x2: {  	s1 =	rddreg [dreg:$0x1]  }
0x3: {  	s0 =	rddreg [dreg:$0x2];
	s2 =	simm.s32 $0x0;
	s6 =	srdreg.scid  }
0x4: {  	s3 =	stileid.u32;
	s22 =	simm.s32 $0x1;
	s23 =	simm.s32 $0x0  }
0x5: {  	[smem:$0x7FF] =	sst s2;
	s4 =	sadd.s32 $0x67800, s7;
	s5 =	sadd.s32 $0x5D800, s7  }
0x6: {  	s8 =	sand.u32 $0x1, s6;
	s6 =	sadd.s32 $0x3800, s7;
	s10 =	smul.u32 $0x50000, s3  }
0x7: {  	s17 =	sadd.s32 $0x8EA00, s7;
	s11 =	smul.u32 $0x14000, s3;
	_ =	strace $0x8000004A  }
0x8: {  	s9 =	ssub.s32 $0x2, s8;
	s30 =	sshll.u32 s8, $0x4;
	s19 =	smul.u32 $0x140000, s8  }
0x9: {  	s29 =	sshrl.u32 s9, $0x1;
	s31 =	sshrl.u32 s10, $0x2;
	s12 =	sor.u32 s3, s30  }
0xa: {  	s13 =	sadd.s32 $0x4000, s11;
	s15 =	sadd.s32 $0x8000, s11;
	s16 =	sadd.s32 $0xC000, s11  }
0xb: {  	s20 =	sadd.s32 $0x10000, s11;
	s18 =	ssub.s32 s9, s29;
	s7 =	sadd.s32 s31, s1  }
0xc: {  	s8 =	sadd.s32 s13, s1;
	s9 =	sadd.s32 s15, s1;
	s10 =	sadd.s32 s16, s1  }
0xd: {  	s14 =	sadd.s32 s11, s19;
	s13 =	sadd.s32 s19, s13;
	s11 =	sadd.s32 s20, s1  }
0xe: {  	s12 =	smul.u32 $0x2800, s12;
	s15 =	sadd.s32 s19, s15;
	s16 =	sadd.s32 s19, s16  }
0xf: {  	s19 =	sadd.s32 s19, s20;
	s20 =	simm.s32 $0x2;
	s14 =	sshrl.u32 s14, $0x3  }
0x10: {  	s21 =	sshrl.u32 s13, $0x3;
	s15 =	sshrl.u32 s15, $0x3;
	s16 =	sshrl.u32 s16, $0x3  }
0x11: {  	s19 =	sshrl.u32 s19, $0x3;
	s18 =	smax.u32 s18, $0x1;
	s13 =	sadd.s32 s17, s14  }
0x12: {  	s14 =	sadd.s32 s17, s21;
	s15 =	sadd.s32 s17, s15;
	s16 =	sadd.s32 s17, s16  }
0x13: {  	v0 =	vimm.f32 $0.0e+00;
	s17 =	sadd.s32 s17, s19;
	s19 =	simm.s32 $0x100;
	s21 =	simm.s32 $0x80  }
.LBB2_1:
0x14: {  	s24 =	simm.s32 $0x0;
	s25 =	simm.s32 $0x200  }
.LBB2_2:
0x15: {  	p0 =	sne.s32 s25, $0xFE00;
	[tilespmem:s24+$0x170] =	vst v0  }
0x16: {  	[tilespmem:s24+$0x100] =	vst v0  }
0x17: {  	[tilespmem:s24+$0x110] =	vst v0  }
.Ltmp0:
0x18: {  	[tilespmem:s24+$0x120] =	vst v0;
	(pc) =	sbr.rel @p0 .LBB2_2-.Ltmp0, $4  }
0x19: {  	[tilespmem:s24+$0x130] =	vst v0  }
0x1a: {  	[tilespmem:s24+$0x140] =	vst v0  }
0x1b: {  	[tilespmem:s24+$0x150] =	vst v0  }
0x1c: {  	[tilespmem:s24+$0x160] =	vst v0;
	s24 =	sshra.s32 s25, $0x2;
	s25 =	sadd.s32 $0x200, s25  }
0x1d: {  	[tilespmem:s24+$0x170] =	vst v0  }
0x1e: {  	[tilespmem:s24+$0x100] =	vst v0  }
0x1f: {  	[tilespmem:s24+$0x110] =	vst v0  }
0x20: {  	[tilespmem:s24+$0x120] =	vst v0  }
0x21: {  	[tilespmem:s24+$0x130] =	vst v0  }
0x22: {  	[tilespmem:s24+$0x140] =	vst v0  }
0x23: {  	[tilespmem:s24+$0x150] =	vst v0  }
0x24: {  	[tilespmem:s24+$0x160] =	vst v0  }
0x25: {  	[spmem:s7] =	stream.linear.scatter [tilespmem:s19], [sflag:$0x2], $0x4000, $0x38;
	[tilespmem:$0x18100] =	vst v63  }
0x26: {  	_ =	swait.ge [sflag:s20], $0x4000  }
0x27: {  	[sflag:s20] =	ssyncset.done $0x0  }
0x28: {  	[sflag:s20] =	ssyncadd.s32 $0xFFFFC000  }
0x29: {  	[spmem:s8] =	stream.linear.scatter [tilespmem:s19], [sflag:$0x2], $0x4000, $0x38;
	[tilespmem:$0x18100] =	vst v63  }
0x2a: {  	_ =	swait.ge [sflag:s20], $0x4000  }
0x2b: {  	[sflag:s20] =	ssyncset.done $0x0  }
0x2c: {  	[sflag:s20] =	ssyncadd.s32 $0xFFFFC000  }
0x2d: {  	[spmem:s9] =	stream.linear.scatter [tilespmem:s19], [sflag:$0x2], $0x4000, $0x38;
	[tilespmem:$0x18100] =	vst v63  }
0x2e: {  	_ =	swait.ge [sflag:s20], $0x4000  }
0x2f: {  	[sflag:s20] =	ssyncset.done $0x0  }
0x30: {  	[sflag:s20] =	ssyncadd.s32 $0xFFFFC000  }
0x31: {  	[spmem:s10] =	stream.linear.scatter [tilespmem:s19], [sflag:$0x2], $0x4000, $0x38;
	[tilespmem:$0x18100] =	vst v63  }
0x32: {  	_ =	swait.ge [sflag:s20], $0x4000  }
0x33: {  	s28 =	simm.s32 $0x0;
	[sflag:s20] =	ssyncset.done $0x0  }
0x34: {  	s25 =	sand.u32 $0x3C00, s28;
	[sflag:s20] =	ssyncadd.s32 $0xFFFFC000  }
0x35: {  	[spmem:s11] =	stream.linear.scatter [tilespmem:s19], [sflag:$0x2], $0x4000, $0x38;
	[tilespmem:$0x18100] =	vst v63  }
0x36: {  	s24 =	sand.u32 $0x380, s28;
	s25 =	sadd.s32 s12, s25;
	_ =	swait.ge [sflag:s20], $0x4000  }
0x37: {  	s24 =	sor.u32 s24, s25;
	[sflag:s20] =	ssyncset.done $0x0  }
0x38: {  	s24 =	sshrl.u32 s24, $0x3;
	[sflag:s20] =	ssyncadd.s32 $0xFFFFC000  }
0x39: {  	s29 =	sadd.s32 s5, s24;
	[bflag:$0x0] =	sbarrier.arrive $0xFFFF  }
0x3a: {  	[tilespmem:s2], [sflag:$0x2] =	stream.linear.gather [hbm4b:s29+s2], $0x80, $0x38;
	[tilespmem:$0x18100] =	vst v63  }
0x3b: {  	_ =	swait.ge [sflag:s20], $0x80  }
0x3c: {  	[sflag:s20] =	ssyncset.done $0x0  }
0x3d: {  	s24 =	sadd.s32 s6, s24;
	[sflag:s20] =	ssyncadd.s32 $0xFFFFFF80  }
0x3e: {  	[tilespmem:s21], [sflag:$0x2] =	stream.linear.gather [hbm4b:s24+s2], $0x80, $0x38;
	[tilespmem:$0x18100] =	vst v63  }
0x3f: {  	_ =	swait.ge [sflag:s20], $0x80  }
0x40: {  	[sflag:s20] =	ssyncset.done $0x0  }
0x41: {  	[sflag:s20] =	ssyncadd.s32 $0xFFFFFF80  }
0x42: {  	[tilespmem:s19], [sflag:$0x1] =	stream.indirect.gather [hbm4b:s4+s21], $0x80, s2, s21, $0xb8;
	[tilespmem:$0x18100] =	vst v63  }
0x43: {  	_ =	swait.ge [sflag:s22], $0x4000  }
0x44: {  	s30 =	simm.s32 $0x80;
	[sflag:s22] =	ssyncset.done $0x0  }
0x45: {  	s31 =	sand.u32 $0x3C00, s30;
	[sflag:s22] =	ssyncadd.s32 $0xFFFFC000  }
0x46: {  	[spmem:s1] =	stream.indirect.scatter.add.f32 [tilespmem:s19], [sflag:$0x2], $0x80, s21, s21, $0xb8;
	[tilespmem:$0x18100] =	vst v63  }
0x47: {  	s26 =	sand.u32 $0x380, s30;
	s25 =	sadd.s32 s12, s31;
	_ =	swait.ge [sflag:s20], $0x4000  }
0x48: {  	s25 =	sor.u32 s26, s25;
	s24 =	simm.s32 $0x100;
	[sflag:s20] =	ssyncset.done $0x0  }
.LBB2_4:
0x49: {  	s25 =	sshrl.u32 s25, $0x3  }
0x4a: {  	[sflag:s20] =	ssyncadd.s32 $0xFFFFC000;
	s26 =	smov.u32 s24;
	s28 =	sadd.s32 $0x80, s24  }
0x4b: {  	p0 =	sne.s32 s24, $0x2700;
	s24 =	sadd.s32 s5, s25  }
0x4c: {  	[tilespmem:s2], [sflag:$0x2] =	stream.linear.gather [hbm4b:s24+s2], $0x80, $0x38;
	[tilespmem:$0x18100] =	vst v63  }
0x4d: {  	_ =	swait.ge [sflag:s20], $0x80  }
0x4e: {  	[sflag:s20] =	ssyncset.done $0x0  }
0x4f: {  	s24 =	sadd.s32 s6, s25;
	[sflag:s20] =	ssyncadd.s32 $0xFFFFFF80  }
0x50: {  	[tilespmem:s21], [sflag:$0x2] =	stream.linear.gather [hbm4b:s24+s2], $0x80, $0x38;
	[tilespmem:$0x18100] =	vst v63  }
0x51: {  	_ =	swait.ge [sflag:s20], $0x80  }
0x52: {  	[sflag:s20] =	ssyncset.done $0x0  }
0x53: {  	[sflag:s20] =	ssyncadd.s32 $0xFFFFFF80  }
0x54: {  	[tilespmem:s19], [sflag:$0x1] =	stream.indirect.gather [hbm4b:s4+s21], $0x80, s2, s21, $0xb8;
	[tilespmem:$0x18100] =	vst v63  }
0x55: {  	_ =	swait.ge [sflag:s22], $0x4000  }
.Ltmp1:
0x56: {  	[sflag:s22] =	ssyncset.done $0x0;
	(pc) =	sbr.rel @p0 .LBB2_4-.Ltmp1, $4  }
0x57: {  	s24 =	sand.u32 $0x3C00, s26;
	[sflag:s22] =	ssyncadd.s32 $0xFFFFC000  }
0x58: {  	[spmem:s1] =	stream.indirect.scatter.add.f32 [tilespmem:s19], [sflag:$0x2], $0x80, s21, s21, $0xb8;
	[tilespmem:$0x18100] =	vst v63  }
0x59: {  	s25 =	sand.u32 $0x380, s26;
	s24 =	sadd.s32 s12, s24;
	_ =	swait.ge [sflag:s20], $0x4000  }
0x5a: {  	s25 =	sor.u32 s25, s24;
	s24 =	smov.u32 s28;
	[sflag:s20] =	ssyncset.done $0x0  }
0x5b: {  	s24 =	sshrl.u32 s25, $0x3  }
0x5c: {  	[sflag:s20] =	ssyncadd.s32 $0xFFFFC000;
	s25 =	sadd.s32 s5, s24  }
0x5d: {  	[tilespmem:s2], [sflag:$0x2] =	stream.linear.gather [hbm4b:s25+s2], $0x80, $0x38;
	[tilespmem:$0x18100] =	vst v63  }
0x5e: {  	_ =	swait.ge [sflag:s20], $0x80  }
0x5f: {  	[sflag:s20] =	ssyncset.done $0x0  }
0x60: {  	s24 =	sadd.s32 s6, s24;
	[sflag:s20] =	ssyncadd.s32 $0xFFFFFF80  }
0x61: {  	[tilespmem:s21], [sflag:$0x2] =	stream.linear.gather [hbm4b:s24+s2], $0x80, $0x38;
	[tilespmem:$0x18100] =	vst v63  }
0x62: {  	_ =	swait.ge [sflag:s20], $0x80  }
0x63: {  	[sflag:s20] =	ssyncset.done $0x0  }
0x64: {  	[sflag:s20] =	ssyncadd.s32 $0xFFFFFF80  }
0x65: {  	[tilespmem:s19], [sflag:$0x1] =	stream.indirect.gather [hbm4b:s4+s21], $0x80, s2, s21, $0xb8;
	[tilespmem:$0x18100] =	vst v63  }
0x66: {  	_ =	swait.ge [sflag:s22], $0x4000  }
0x67: {  	[sflag:s22] =	ssyncset.done $0x0  }
0x68: {  	[sflag:s22] =	ssyncadd.s32 $0xFFFFC000  }
0x69: {  	[spmem:s1] =	stream.indirect.scatter.add.f32 [tilespmem:s19], [sflag:$0x2], $0x80, s21, s21, $0xb8;
	[tilespmem:$0x18100] =	vst v63  }
0x6a: {  	_ =	swait.ge [sflag:s20], $0x4000  }
0x6b: {  	[sflag:s20] =	ssyncset.done $0x0  }
0x6c: {  	[sflag:s20] =	ssyncadd.s32 $0xFFFFC000  }
0x6d: {  	[bflag:$0x0] =	sbarrier.arrive $0xFFFF  }
0x6e: {  	[tilespmem:s19], [sflag:$0x2] =	stream.linear.gather [spmem:s7], $0x4000, $0x38;
	[tilespmem:$0x18100] =	vst v63  }
0x6f: {  	_ =	swait.ge [sflag:s20], $0x4000  }
0x70: {  	[sflag:s20] =	ssyncset.done $0x0  }
0x71: {  	[sflag:s20] =	ssyncadd.s32 $0xFFFFC000  }
0x72: {  	[hbm4b:s13+s2] =	stream.linear.scatter [tilespmem:s19], [sflag:$0x2], $0x4000, $0x38;
	[tilespmem:$0x18100] =	vst v63  }
0x73: {  	_ =	swait.ge [sflag:s20], $0x4000  }
0x74: {  	[sflag:s20] =	ssyncset.done $0x0  }
0x75: {  	[sflag:s20] =	ssyncadd.s32 $0xFFFFC000  }
0x76: {  	[tilespmem:s19], [sflag:$0x2] =	stream.linear.gather [spmem:s8], $0x4000, $0x38;
	[tilespmem:$0x18100] =	vst v63  }
0x77: {  	_ =	swait.ge [sflag:s20], $0x4000  }
0x78: {  	[sflag:s20] =	ssyncset.done $0x0  }
0x79: {  	[sflag:s20] =	ssyncadd.s32 $0xFFFFC000  }
0x7a: {  	[hbm4b:s14+s2] =	stream.linear.scatter [tilespmem:s19], [sflag:$0x2], $0x4000, $0x38;
	[tilespmem:$0x18100] =	vst v63  }
0x7b: {  	_ =	swait.ge [sflag:s20], $0x4000  }
0x7c: {  	[sflag:s20] =	ssyncset.done $0x0  }
0x7d: {  	[sflag:s20] =	ssyncadd.s32 $0xFFFFC000  }
0x7e: {  	[tilespmem:s19], [sflag:$0x2] =	stream.linear.gather [spmem:s9], $0x4000, $0x38;
	[tilespmem:$0x18100] =	vst v63  }
0x7f: {  	_ =	swait.ge [sflag:s20], $0x4000  }
0x80: {  	[sflag:s20] =	ssyncset.done $0x0  }
0x81: {  	[sflag:s20] =	ssyncadd.s32 $0xFFFFC000  }
0x82: {  	[hbm4b:s15+s2] =	stream.linear.scatter [tilespmem:s19], [sflag:$0x2], $0x4000, $0x38;
	[tilespmem:$0x18100] =	vst v63  }
0x83: {  	_ =	swait.ge [sflag:s20], $0x4000  }
0x84: {  	[sflag:s20] =	ssyncset.done $0x0  }
0x85: {  	[sflag:s20] =	ssyncadd.s32 $0xFFFFC000  }
0x86: {  	[tilespmem:s19], [sflag:$0x2] =	stream.linear.gather [spmem:s10], $0x4000, $0x38;
	[tilespmem:$0x18100] =	vst v63  }
0x87: {  	_ =	swait.ge [sflag:s20], $0x4000  }
0x88: {  	[sflag:s20] =	ssyncset.done $0x0  }
0x89: {  	[sflag:s20] =	ssyncadd.s32 $0xFFFFC000  }
0x8a: {  	[hbm4b:s16+s2] =	stream.linear.scatter [tilespmem:s19], [sflag:$0x2], $0x4000, $0x38;
	[tilespmem:$0x18100] =	vst v63  }
0x8b: {  	_ =	swait.ge [sflag:s20], $0x4000  }
0x8c: {  	[sflag:s20] =	ssyncset.done $0x0  }
0x8d: {  	[sflag:s20] =	ssyncadd.s32 $0xFFFFC000  }
0x8e: {  	[tilespmem:s19], [sflag:$0x2] =	stream.linear.gather [spmem:s11], $0x4000, $0x38;
	[tilespmem:$0x18100] =	vst v63  }
0x8f: {  	s23 =	sadd.s32 $0x1, s23;
	_ =	swait.ge [sflag:s20], $0x4000  }
0x90: {  	p0 =	sne.s32 s23, s18;
	[sflag:s20] =	ssyncset.done $0x0  }
.Ltmp2:
0x91: {  	[sflag:s20] =	ssyncadd.s32 $0xFFFFC000;
	(pc) =	sbr.rel @p0 .LBB2_1-.Ltmp2, $4  }
0x92: {  	[hbm4b:s17+s2] =	stream.linear.scatter [tilespmem:s19], [sflag:$0x2], $0x4000, $0x38;
	[tilespmem:$0x18100] =	vst v63  }
0x93: {  	_ =	swait.ge [sflag:s20], $0x4000  }
0x94: {  	[sflag:s20] =	ssyncset.done $0x0  }
0x95: {  	[sflag:s20] =	ssyncadd.s32 $0xFFFFC000  }
0x96: {  	_ =	sfence.sel $0x180000  }
0x97: {  	[bflag:$0x0] =	sbarrier.arrive $0xFFFF  }
0x98: {  	p0 =	sne.s32 s3, $0x0;
	_ =	strace $0x9000004A  }
0x99: {  	s0 =	sadd.s32 @!p0 $0x100000, s0;
	[bflag:$0x2] =	sbarrier.arrive $0xFFFF  }
0x9a: {  	[sflag:s0] =	ssyncadd.tile.s32 @!p0 $0x1;
	_ =	shalt  }
.Lfunc_end2:
_tile_overlayer_lowered:
.L_overlay_start_2:
0x9b: {  	(tag) =	ssettag $0x2  }
0x9c: {  	s0 =	rddreg [dreg:$0x0];
	s2 =	stileid.u32  }
0x9d: {  	s1 =	rddreg [dreg:$0x1];
	p0 =	sne.s32 s2, $0x0  }
0x9e: {  	s3 =	rddreg [dreg:$0x2];
	[bflag:$0x3] =	sbarrier.arrive $0xFFFF;
	s2 =	simm.s32 @!p0 $0x1C02  }
0x9f: {  	[timem:s3], [sflag:s2] =	dma.local @!p0 [hbm:s0], s1  }
0xa0: {  	s0 =	simm.s32 @!p0 $0x2  }
0xa1: {  	_ =	swait.ge @!p0 [sflag:s0], s1  }
0xa2: {  	s1 =	ssub.s32 @!p0 $0x0, s1;
	[sflag:s0] =	ssyncset.done @!p0 $0x0  }
0xa3: {  	[sflag:s0] =	ssyncadd.s32 @!p0 s1  }
0xa4: {  	[bflag:$0x3] =	sbarrier.arrive $0xFFFF  }
0xa5: {  	_ =	shalt  }

// kernel: kernel.16.cloned.1.call-start
scs
__scs_entry_jumppad:
0x0: {  	(pc) =	sbr.rel $0x88, $3  }
0x1: {  	(tag) =	ssettag $0x0;
	lr =	simm.s32 $0x1  }
0x2: {  	[smem:$0x3F96] =	sst lr;
	_ =	strace $0xD0000000  }
0x3: {  	_ = 	snop  }
0x4: {  	_ = 	snop  }
0x5: {  	_ = 	snop  }
0x6: {  	_ = 	snop  }
0x7: {  	_ = 	snop  }
__scs_overlays_trampoline_lowered:
0x8: {  	[smem:$0x3FA5] =	sst s0  }
0x9: {  	[smem:$0x3FA6] =	sst s1  }
0xa: {  	[smem:$0x3FA7] =	sst s2  }
0xb: {  	[smem:$0x3FA8] =	sst s3  }
0xc: {  	[smem:$0x3FA9] =	sst s4  }
0xd: {  	[smem:$0x3FAA] =	sst s5  }
0xe: {  	[smem:$0x3FAB] =	sst s6  }
0xf: {  	[smem:$0x3FAC] =	sst s7  }
0x10: {  	[smem:$0x3FAD] =	sst s8  }
0x11: {  	[smem:$0x3FAE] =	sst s9;
	s0 =	simm.s32 @!p0 $0x0  }
0x12: {  	s1 =	sld [smem:$0x3F94];
	s0 =	simm.s32 @p0 $0x1  }
0x13: {  	[smem:$0x3FAF] =	sst s0;
	s0 =	simm.s32 @!p1 $0x0  }
0x14: {  	s2 =	sld [smem:$0x3F93];
	s0 =	simm.s32 @p1 $0x1  }
0x15: {  	[smem:$0x3FB0] =	sst s0;
	s0 =	simm.s32 @!p2 $0x0  }
0x16: {  	s3 =	sld [smem:$0x3FDB];
	s0 =	simm.s32 @p2 $0x1  }
0x17: {  	s4 =	simm.s32 $0x1BF5;
	[smem:$0x3FB2] =	sst s0  }
0x18: {  	s0 =	sld [smem:$0x3F95];
	_ =	swait.ge [sflag:s4], $0x0  }
0x19: {  	s7 =	sld [smem:$0x3F96]  }
0x1a: {  	s8 =	sadd.s32 $0xFFFFE003, lr  }
0x1b: {  	s9 =	sadd.s32 $0xFFFFFEF7, lr;
	s5 =	simm.s32 $0xFFFFFFFF;
	p2 =	slt.u32 s8, $0xFFFFF086  }
0x1c: {  	p1 =	slt.u32 s9, $0xF7A;
	s5 =	simm.s32 @!p2 $0x0  }
0x1d: {  	s5 =	simm.s32 @p1 $0x1;
	p0 =	seq.s32 s7, s2  }
0x1e: {  	s7 =	smul.u32 @!p0 $0xF7A, s2;
	p2 =	seq.s32 @!p0 s5, $0x0  }
0x1f: {  	s9 =	smul.u32 $0xF7A, s1;
	s8 =	simm.s32 @!p0 $0x1BF5;
	p2 =	por !p2, p0  }
0x20: {  	[sflag:s8] =	ssyncset.s32 @!p0 $0xFFFFF086;
	s6 =	sadd.s32 @!p0 s3, s7;
	s7 =	simm.s32 @!p0 $0x108  }
0x21: {  	s3 =	sadd.s32 s3, s9;
	s6 =	sadd.s32 @!p0 $0x88, s6;
	s7 =	simm.s32 @p2 $0x1082  }
0x22: {  	[simem:s7], [sflag:s8] =	dma.local @!p0 [hbm:s6], $0xF7A  }
0x23: {  	s9 =	sor.u32 $0xD0000000, s2;
	s6 =	simm.s32 $0x108;
	_ =	swait.ge @!p0 [sflag:s8], $0x0  }
0x24: {  	s3 =	sadd.s32 $0x88, s3;
	s6 =	simm.s32 @!p1 $0x1082;
	[sflag:s4] =	ssyncset.s32 $0xFFFFF086  }
0x25: {  	[simem:s6], [sflag:s4] =	dma.local [hbm:s3], $0xF7A  }
0x26: {  	[smem:$0x3F96] =	sst s1;
	(tag) =	ssettag s2;
	_ =	strace s9  }
0x27: {  	s1 =	sld [smem:$0x3FA6]  }
0x28: {  	s2 =	sld [smem:$0x3FA7]  }
0x29: {  	s4 =	sld [smem:$0x3FA9]  }
0x2a: {  	p0 =	seq.s32 s5, $0x0;
	s5 =	sld [smem:$0x3FAA]  }
0x2b: {  	s6 =	sld [smem:$0x3FAB]  }
0x2c: {  	s7 =	sld [smem:$0x3FAC]  }
0x2d: {  	s3 =	simm.s32 $0x108;
	s8 =	sld [smem:$0x3FAD]  }
0x2e: {  	s3 =	simm.s32 @!p0 $0x1082;
	s9 =	sld [smem:$0x3FAE]  }
0x2f: {  	lr =	sadd.s32 s0, s3;
	s0 =	sld [smem:$0x3FA5]  }
0x30: {  	s3 =	sld [smem:$0x3FA8]  }
0x31: {  	[smem:$0x3FB1] =	sst s10  }
0x32: {  	s10 =	sld [smem:$0x3FAF];
	_ =	sdelay $0x3  }
0x33: {  	p0 =	seq.s32 s10, $0x1;
	s10 =	sld [smem:$0x3FB1];
	_ =	sdelay $0x3  }
0x34: {  	[smem:$0x3FB1] =	sst s10  }
0x35: {  	s10 =	sld [smem:$0x3FB0];
	_ =	sdelay $0x3  }
0x36: {  	p1 =	seq.s32 s10, $0x1;
	s10 =	sld [smem:$0x3FB1];
	_ =	sdelay $0x3  }
0x37: {  	[smem:$0x3FB1] =	sst s10  }
0x38: {  	s10 =	sld [smem:$0x3FB2]  }
0x39: {  	_ = 	snop;
	(pc) =	sbr.ind lr, $3  }
0x3a: {  	_ = 	snop  }
0x3b: {  	_ = 	snop  }
0x3c: {  	p2 =	seq.s32 s10, $0x1;
	s10 =	sld [smem:$0x3FB1]  }
0x3d: {  	_ =	shalt  }
0x3e: {  	_ =	shalt  }
0x3f: {  	_ =	shalt  }
0x40: {  	_ =	shalt  }
0x41: {  	_ =	shalt  }
0x42: {  	_ =	shalt  }
0x43: {  	_ =	shalt  }
0x44: {  	_ =	shalt  }
0x45: {  	_ =	shalt  }
0x46: {  	_ =	shalt  }
0x47: {  	_ =	shalt  }
0x48: {  	_ =	shalt  }
0x49: {  	_ =	shalt  }
0x4a: {  	_ =	shalt  }
0x4b: {  	_ =	shalt  }
0x4c: {  	_ =	shalt  }
0x4d: {  	_ =	shalt  }
0x4e: {  	_ =	shalt  }
0x4f: {  	_ =	shalt  }
0x50: {  	_ =	shalt  }
0x51: {  	_ =	shalt  }
0x52: {  	_ =	shalt  }
0x53: {  	_ =	shalt  }
0x54: {  	_ =	shalt  }
0x55: {  	_ =	shalt  }
0x56: {  	_ =	shalt  }
0x57: {  	_ =	shalt  }
0x58: {  	_ =	shalt  }
0x59: {  	_ =	shalt  }
0x5a: {  	_ =	shalt  }
0x5b: {  	_ =	shalt  }
0x5c: {  	_ =	shalt  }
0x5d: {  	_ =	shalt  }
0x5e: {  	_ =	shalt  }
0x5f: {  	_ =	shalt  }
0x60: {  	_ =	shalt  }
0x61: {  	_ =	shalt  }
0x62: {  	_ =	shalt  }
0x63: {  	_ =	shalt  }
0x64: {  	_ =	shalt  }
0x65: {  	_ =	shalt  }
0x66: {  	_ =	shalt  }
0x67: {  	_ =	shalt  }
0x68: {  	_ =	shalt  }
0x69: {  	_ =	shalt  }
0x6a: {  	_ =	shalt  }
0x6b: {  	_ =	shalt  }
0x6c: {  	_ =	shalt  }
0x6d: {  	_ =	shalt  }
0x6e: {  	_ =	shalt  }
0x6f: {  	_ =	shalt  }
0x70: {  	_ =	shalt  }
0x71: {  	_ =	shalt  }
0x72: {  	_ =	shalt  }
0x73: {  	_ =	shalt  }
0x74: {  	_ =	shalt  }
0x75: {  	_ =	shalt  }
0x76: {  	_ =	shalt  }
0x77: {  	_ =	shalt  }
0x78: {  	_ =	shalt  }
0x79: {  	_ =	shalt  }
0x7a: {  	_ =	shalt  }
0x7b: {  	_ =	shalt  }
0x7c: {  	_ =	shalt  }
0x7d: {  	_ =	shalt  }
0x7e: {  	_ =	shalt  }
0x7f: {  	_ =	shalt  }
0x80: {  	_ =	shalt  }
0x81: {  	_ =	shalt  }
0x82: {  	_ =	shalt  }
0x83: {  	_ =	shalt  }
0x84: {  	_ =	shalt  }
0x85: {  	_ =	shalt  }
0x86: {  	_ =	shalt  }
0x87: {  	_ =	shalt  }
.Lfunc_end0:
.L_simem_size_0:
called_computation.2_lowered:
.L_overlay_start_0:
0x88: {  	s2 =	sld [smem:$0x3FD9]  }
0x89: {  	s3 =	sld [smem:$0x3FFE];
	_ =	sdelay $0x1  }
0x8a: {  	s1 =	srdreg.scid  }
0x8b: {  	s0 =	sand.u32 $0x1, s1  }
0x8c: {  	s16 =	sshll.u32 s0, $0xA;
	s2 =	sadd.s32 s3, s2  }
0x8d: {  	s2 =	sadd.s32 s2, s16  }
0x8e: {  	[smem:$0x3FBD] =	sst s2  }
0x8f: {  	_ = 	snop  }
0x90: {  	(tm) =	ssettm $0x1  }
0x91: {  	s17 =	sld [smem:$0x3FFB];
	_ =	sdelay $0x3  }
0x92: {  	_ =	strace s17  }
0x93: {  	s2 =	sld [smem:$0x3FFC];
	_ =	sdelay $0x3  }
0x94: {  	_ =	strace s2  }
0x95: {  	s2 =	sld [smem:$0x3FFD];
	_ =	sdelay $0x3  }
0x96: {  	_ =	strace s2  }
0x97: {  	_ =	strace $0x8FFFFFFF  }
0x98: {  	s18 =	sld [smem:$0x3FDB];
	_ =	sdelay $0x1  }
0x99: {  	s19 =	simm.s32 $_scs_section_size  }
0x9a: {  	s4 =	simm.s32 $_size__tile_overlayer_lowered;
	s5 =	simm.s32 $_tile_overlayer_lowered  }
0x9b: {  	s22 =	simm.s32 $0x1BFF;
	s21 =	sshll.u32 s5, $0x1;
	s2 =	sadd.s32 s19, s18  }
0x9c: {  	s6 =	simm.s32 $0x0;
	s20 =	sshll.u32 s4, $0x1;
	s4 =	sadd.s32 s21, s2  }
0x9d: {  	[timem:s6], [sflag:s22] =	dma.local [hbm:s4], s20  }
0x9e: {  	_ =	swait.ge [sflag:s22], s20  }
0x9f: {  	s3 =	ssub.s32 $0x0, s20;
	[sflag:s22] =	ssyncset.done $0x0  }
0xa0: {  	[sflag:s22] =	ssyncadd.s32 s3;
	_ =	sdelay $0x1  }
0xa1: {  	s23 =	simm.s32 $0x1B8B  }
0xa2: {  	_ =	swait.ge [sflag:s23], $0x1  }
0xa3: {  	[sflag:s23] =	ssyncset.done $0x0  }
0xa4: {  	s25 =	simm.s32 $0x1B8E;
	s24 =	sld [smem:$0x3FFE];
	[sflag:s23] =	ssyncadd.s32 $0xFFFFFFFF  }
0xa5: {  	s26 =	simm.s32 $execute0_lowered;
	[smem:$0x3FD2] =	sst s25  }
0xa6: {  	s4 =	sshll.u32 s26, $0x1;
	_ =	strace $0x8000004C;
	[dreg:$0x1] =	wrdreg $0xFFFFFFFF  }
0xa7: {  	s28 =	simm.s32 $_size_execute0_lowered;
	s2 =	sadd.s32 s2, s4;
	[dreg:$0x0] =	wrdreg $0x0  }
0xa8: {  	s4 =	sshll.u32 s28, $0x1;
	[dreg:$0x2] =	wrdreg s2  }
0xa9: {  	[dreg:$0x3] =	wrdreg s4  }
0xaa: {  	[dreg:$0x4] =	wrdreg $0xC0  }
0xab: {  	_ =	task [dreg:s6], $0x5FFFF  }
0xac: {  	[dreg:$0x1] =	wrdreg $0xFFFFFFFF  }
0xad: {  	[dreg:$0x0] =	wrdreg $0x60  }
0xae: {  	[dreg:$0x2] =	wrdreg s24  }
0xaf: {  	[dreg:$0x3] =	wrdreg $0x41000  }
0xb0: {  	[dreg:$0x4] =	wrdreg $0x9  }
0xb1: {  	_ =	task.clear_ibuf [dreg:s6], $0x5FFFF;
	_ =	strace $0x9000004C  }
0xb2: {  	s29 =	simm.s32 $0x9;
	_ =	strace $0x8000004E  }
0xb3: {  	_ =	swait.ge [sflag:s29], $0x1  }
0xb4: {  	[sflag:s29] =	ssyncadd.s32 $0xFFFFFFFF  }
0xb5: {  	_ =	strace $0x9000004E  }
0xb6: {  	_ =	sfence  }
0xb7: {  	s30 =	sld [smem:$0x0];
	_ =	sdelay $0x2  }
0xb8: {  	s31 =	sshll.u32 s1, $0xD;
	s1 =	sshrl.u32 s1, $0x2  }
0xb9: {  	s3 =	sand.u32 $0x4000, s31;
	s1 =	sadd.s32 s1, s30  }
0xba: {  	s0 =	sor.u32 s3, s0;
	s1 =	sshll.u32 s1, $0x11  }
0xbb: {  	s0 =	sor.u32 s1, s0  }
0xbc: {  	s0 =	sadd.s32 $0x8F2B, s0  }
0xbd: {  	[sflag:s0] =	ssyncadd.remote.s32 $0x1  }
0xbe: {  	_ =	sfence.sel $0xFFFF  }
0xbf: {  	[dreg:$0x0] =	wrdreg $0xFFFFFFFF;
	(pc) =	sbr.abs _section_cstart, $3  }
0xc0: {  	[dreg:$0x1] =	wrdreg $0xFFFFFFFF  }
0xc1: {  	_ =	task.clear_ibuf [dreg:s6], $0x2FFFF;
	_ =	strace $0x9FFFFFFF  }
0xc2: {  	(tm) =	ssettm $0x7FFFFFFF  }
0xc3: {  	_ =	shalt  }
tec
execute0_lowered:
.L_overlay_start_1:
0x0: {  	(tag) =	ssettag $0x1  }
0x1: {  	s7 =	rddreg [dreg:$0x0]  }
0x2: {  	s1 =	rddreg [dreg:$0x1]  }
0x3: {  	s0 =	rddreg [dreg:$0x2];
	s2 =	simm.s32 $0x0;
	s6 =	srdreg.scid  }
0x4: {  	s3 =	stileid.u32;
	s22 =	simm.s32 $0x1;
	s23 =	simm.s32 $0x0  }
0x5: {  	[smem:$0x7FF] =	sst s2;
	s4 =	sadd.s32 $0x67800, s7;
	s5 =	sadd.s32 $0x5D800, s7  }
0x6: {  	s8 =	sand.u32 $0x1, s6;
	s6 =	sadd.s32 $0x3800, s7;
	s10 =	smul.u32 $0x50000, s3  }
0x7: {  	s17 =	sadd.s32 $0x8EA00, s7;
	s11 =	smul.u32 $0x14000, s3;
	_ =	strace $0x8000004D  }
0x8: {  	s9 =	ssub.s32 $0x2, s8;
	s30 =	sshll.u32 s8, $0x4;
	s19 =	smul.u32 $0x140000, s8  }
0x9: {  	s29 =	sshrl.u32 s9, $0x1;
	s31 =	sshrl.u32 s10, $0x2;
	s12 =	sor.u32 s3, s30  }
0xa: {  	s13 =	sadd.s32 $0x4000, s11;
	s15 =	sadd.s32 $0x8000, s11;
	s16 =	sadd.s32 $0xC000, s11  }
0xb: {  	s20 =	sadd.s32 $0x10000, s11;
	s18 =	ssub.s32 s9, s29;
	s7 =	sadd.s32 s31, s1  }
0xc: {  	s8 =	sadd.s32 s13, s1;
	s9 =	sadd.s32 s15, s1;
	s10 =	sadd.s32 s16, s1  }
0xd: {  	s14 =	sadd.s32 s11, s19;
	s13 =	sadd.s32 s19, s13;
	s11 =	sadd.s32 s20, s1  }
0xe: {  	s12 =	smul.u32 $0x2800, s12;
	s15 =	sadd.s32 s19, s15;
	s16 =	sadd.s32 s19, s16  }
0xf: {  	s19 =	sadd.s32 s19, s20;
	s20 =	simm.s32 $0x2;
	s14 =	sshrl.u32 s14, $0x3  }
0x10: {  	s21 =	sshrl.u32 s13, $0x3;
	s15 =	sshrl.u32 s15, $0x3;
	s16 =	sshrl.u32 s16, $0x3  }
0x11: {  	s19 =	sshrl.u32 s19, $0x3;
	s18 =	smax.u32 s18, $0x1;
	s13 =	sadd.s32 s17, s14  }
0x12: {  	s14 =	sadd.s32 s17, s21;
	s15 =	sadd.s32 s17, s15;
	s16 =	sadd.s32 s17, s16  }
0x13: {  	v0 =	vimm.f32 $0.0e+00;
	s17 =	sadd.s32 s17, s19;
	s19 =	simm.s32 $0x100;
	s21 =	simm.s32 $0x80  }
.LBB2_1:
0x14: {  	s24 =	simm.s32 $0x0;
	s25 =	simm.s32 $0x200  }
.LBB2_2:
0x15: {  	p0 =	sne.s32 s25, $0xFE00;
	[tilespmem:s24+$0x170] =	vst v0  }
0x16: {  	[tilespmem:s24+$0x100] =	vst v0  }
0x17: {  	[tilespmem:s24+$0x110] =	vst v0  }
.Ltmp0:
0x18: {  	[tilespmem:s24+$0x120] =	vst v0;
	(pc) =	sbr.rel @p0 .LBB2_2-.Ltmp0, $4  }
0x19: {  	[tilespmem:s24+$0x130] =	vst v0  }
0x1a: {  	[tilespmem:s24+$0x140] =	vst v0  }
0x1b: {  	[tilespmem:s24+$0x150] =	vst v0  }
0x1c: {  	[tilespmem:s24+$0x160] =	vst v0;
	s24 =	sshra.s32 s25, $0x2;
	s25 =	sadd.s32 $0x200, s25  }
0x1d: {  	[tilespmem:s24+$0x170] =	vst v0  }
0x1e: {  	[tilespmem:s24+$0x100] =	vst v0  }
0x1f: {  	[tilespmem:s24+$0x110] =	vst v0  }
0x20: {  	[tilespmem:s24+$0x120] =	vst v0  }
0x21: {  	[tilespmem:s24+$0x130] =	vst v0  }
0x22: {  	[tilespmem:s24+$0x140] =	vst v0  }
0x23: {  	[tilespmem:s24+$0x150] =	vst v0  }
0x24: {  	[tilespmem:s24+$0x160] =	vst v0  }
0x25: {  	[spmem:s7] =	stream.linear.scatter [tilespmem:s19], [sflag:$0x2], $0x4000, $0x38;
	[tilespmem:$0x18100] =	vst v63  }
0x26: {  	_ =	swait.ge [sflag:s20], $0x4000  }
0x27: {  	[sflag:s20] =	ssyncset.done $0x0  }
0x28: {  	[sflag:s20] =	ssyncadd.s32 $0xFFFFC000  }
0x29: {  	[spmem:s8] =	stream.linear.scatter [tilespmem:s19], [sflag:$0x2], $0x4000, $0x38;
	[tilespmem:$0x18100] =	vst v63  }
0x2a: {  	_ =	swait.ge [sflag:s20], $0x4000  }
0x2b: {  	[sflag:s20] =	ssyncset.done $0x0  }
0x2c: {  	[sflag:s20] =	ssyncadd.s32 $0xFFFFC000  }
0x2d: {  	[spmem:s9] =	stream.linear.scatter [tilespmem:s19], [sflag:$0x2], $0x4000, $0x38;
	[tilespmem:$0x18100] =	vst v63  }
0x2e: {  	_ =	swait.ge [sflag:s20], $0x4000  }
0x2f: {  	[sflag:s20] =	ssyncset.done $0x0  }
0x30: {  	[sflag:s20] =	ssyncadd.s32 $0xFFFFC000  }
0x31: {  	[spmem:s10] =	stream.linear.scatter [tilespmem:s19], [sflag:$0x2], $0x4000, $0x38;
	[tilespmem:$0x18100] =	vst v63  }
0x32: {  	_ =	swait.ge [sflag:s20], $0x4000  }
0x33: {  	s28 =	simm.s32 $0x0;
	[sflag:s20] =	ssyncset.done $0x0  }
0x34: {  	s25 =	sand.u32 $0x3C00, s28;
	[sflag:s20] =	ssyncadd.s32 $0xFFFFC000  }
0x35: {  	[spmem:s11] =	stream.linear.scatter [tilespmem:s19], [sflag:$0x2], $0x4000, $0x38;
	[tilespmem:$0x18100] =	vst v63  }
0x36: {  	s24 =	sand.u32 $0x380, s28;
	s25 =	sadd.s32 s12, s25;
	_ =	swait.ge [sflag:s20], $0x4000  }
0x37: {  	s24 =	sor.u32 s24, s25;
	[sflag:s20] =	ssyncset.done $0x0  }
0x38: {  	s24 =	sshrl.u32 s24, $0x3;
	[sflag:s20] =	ssyncadd.s32 $0xFFFFC000  }
0x39: {  	s29 =	sadd.s32 s5, s24;
	[bflag:$0x0] =	sbarrier.arrive $0xFFFF  }
0x3a: {  	[tilespmem:s2], [sflag:$0x2] =	stream.linear.gather [hbm4b:s29+s2], $0x80, $0x38;
	[tilespmem:$0x18100] =	vst v63  }
0x3b: {  	_ =	swait.ge [sflag:s20], $0x80  }
0x3c: {  	[sflag:s20] =	ssyncset.done $0x0  }
0x3d: {  	s24 =	sadd.s32 s6, s24;
	[sflag:s20] =	ssyncadd.s32 $0xFFFFFF80  }
0x3e: {  	[tilespmem:s21], [sflag:$0x2] =	stream.linear.gather [hbm4b:s24+s2], $0x80, $0x38;
	[tilespmem:$0x18100] =	vst v63  }
0x3f: {  	_ =	swait.ge [sflag:s20], $0x80  }
0x40: {  	[sflag:s20] =	ssyncset.done $0x0  }
0x41: {  	[sflag:s20] =	ssyncadd.s32 $0xFFFFFF80  }
0x42: {  	[tilespmem:s19], [sflag:$0x1] =	stream.indirect.gather [hbm4b:s4+s21], $0x80, s2, s21, $0xb8;
	[tilespmem:$0x18100] =	vst v63  }
0x43: {  	_ =	swait.ge [sflag:s22], $0x4000  }
0x44: {  	s30 =	simm.s32 $0x80;
	[sflag:s22] =	ssyncset.done $0x0  }
0x45: {  	s31 =	sand.u32 $0x3C00, s30;
	[sflag:s22] =	ssyncadd.s32 $0xFFFFC000  }
0x46: {  	[spmem:s1] =	stream.indirect.scatter.add.f32 [tilespmem:s19], [sflag:$0x2], $0x80, s21, s21, $0xb8;
	[tilespmem:$0x18100] =	vst v63  }
0x47: {  	s26 =	sand.u32 $0x380, s30;
	s25 =	sadd.s32 s12, s31;
	_ =	swait.ge [sflag:s20], $0x4000  }
0x48: {  	s25 =	sor.u32 s26, s25;
	s24 =	simm.s32 $0x100;
	[sflag:s20] =	ssyncset.done $0x0  }
.LBB2_4:
0x49: {  	s25 =	sshrl.u32 s25, $0x3  }
0x4a: {  	[sflag:s20] =	ssyncadd.s32 $0xFFFFC000;
	s26 =	smov.u32 s24;
	s28 =	sadd.s32 $0x80, s24  }
0x4b: {  	p0 =	sne.s32 s24, $0x2700;
	s24 =	sadd.s32 s5, s25  }
0x4c: {  	[tilespmem:s2], [sflag:$0x2] =	stream.linear.gather [hbm4b:s24+s2], $0x80, $0x38;
	[tilespmem:$0x18100] =	vst v63  }
0x4d: {  	_ =	swait.ge [sflag:s20], $0x80  }
0x4e: {  	[sflag:s20] =	ssyncset.done $0x0  }
0x4f: {  	s24 =	sadd.s32 s6, s25;
	[sflag:s20] =	ssyncadd.s32 $0xFFFFFF80  }
0x50: {  	[tilespmem:s21], [sflag:$0x2] =	stream.linear.gather [hbm4b:s24+s2], $0x80, $0x38;
	[tilespmem:$0x18100] =	vst v63  }
0x51: {  	_ =	swait.ge [sflag:s20], $0x80  }
0x52: {  	[sflag:s20] =	ssyncset.done $0x0  }
0x53: {  	[sflag:s20] =	ssyncadd.s32 $0xFFFFFF80  }
0x54: {  	[tilespmem:s19], [sflag:$0x1] =	stream.indirect.gather [hbm4b:s4+s21], $0x80, s2, s21, $0xb8;
	[tilespmem:$0x18100] =	vst v63  }
0x55: {  	_ =	swait.ge [sflag:s22], $0x4000  }
.Ltmp1:
0x56: {  	[sflag:s22] =	ssyncset.done $0x0;
	(pc) =	sbr.rel @p0 .LBB2_4-.Ltmp1, $4  }
0x57: {  	s24 =	sand.u32 $0x3C00, s26;
	[sflag:s22] =	ssyncadd.s32 $0xFFFFC000  }
0x58: {  	[spmem:s1] =	stream.indirect.scatter.add.f32 [tilespmem:s19], [sflag:$0x2], $0x80, s21, s21, $0xb8;
	[tilespmem:$0x18100] =	vst v63  }
0x59: {  	s25 =	sand.u32 $0x380, s26;
	s24 =	sadd.s32 s12, s24;
	_ =	swait.ge [sflag:s20], $0x4000  }
0x5a: {  	s25 =	sor.u32 s25, s24;
	s24 =	smov.u32 s28;
	[sflag:s20] =	ssyncset.done $0x0  }
0x5b: {  	s24 =	sshrl.u32 s25, $0x3  }
0x5c: {  	[sflag:s20] =	ssyncadd.s32 $0xFFFFC000;
	s25 =	sadd.s32 s5, s24  }
0x5d: {  	[tilespmem:s2], [sflag:$0x2] =	stream.linear.gather [hbm4b:s25+s2], $0x80, $0x38;
	[tilespmem:$0x18100] =	vst v63  }
0x5e: {  	_ =	swait.ge [sflag:s20], $0x80  }
0x5f: {  	[sflag:s20] =	ssyncset.done $0x0  }
0x60: {  	s24 =	sadd.s32 s6, s24;
	[sflag:s20] =	ssyncadd.s32 $0xFFFFFF80  }
0x61: {  	[tilespmem:s21], [sflag:$0x2] =	stream.linear.gather [hbm4b:s24+s2], $0x80, $0x38;
	[tilespmem:$0x18100] =	vst v63  }
0x62: {  	_ =	swait.ge [sflag:s20], $0x80  }
0x63: {  	[sflag:s20] =	ssyncset.done $0x0  }
0x64: {  	[sflag:s20] =	ssyncadd.s32 $0xFFFFFF80  }
0x65: {  	[tilespmem:s19], [sflag:$0x1] =	stream.indirect.gather [hbm4b:s4+s21], $0x80, s2, s21, $0xb8;
	[tilespmem:$0x18100] =	vst v63  }
0x66: {  	_ =	swait.ge [sflag:s22], $0x4000  }
0x67: {  	[sflag:s22] =	ssyncset.done $0x0  }
0x68: {  	[sflag:s22] =	ssyncadd.s32 $0xFFFFC000  }
0x69: {  	[spmem:s1] =	stream.indirect.scatter.add.f32 [tilespmem:s19], [sflag:$0x2], $0x80, s21, s21, $0xb8;
	[tilespmem:$0x18100] =	vst v63  }
0x6a: {  	_ =	swait.ge [sflag:s20], $0x4000  }
0x6b: {  	[sflag:s20] =	ssyncset.done $0x0  }
0x6c: {  	[sflag:s20] =	ssyncadd.s32 $0xFFFFC000  }
0x6d: {  	[bflag:$0x0] =	sbarrier.arrive $0xFFFF  }
0x6e: {  	[tilespmem:s19], [sflag:$0x2] =	stream.linear.gather [spmem:s7], $0x4000, $0x38;
	[tilespmem:$0x18100] =	vst v63  }
0x6f: {  	_ =	swait.ge [sflag:s20], $0x4000  }
0x70: {  	[sflag:s20] =	ssyncset.done $0x0  }
0x71: {  	[sflag:s20] =	ssyncadd.s32 $0xFFFFC000  }
0x72: {  	[hbm4b:s13+s2] =	stream.linear.scatter [tilespmem:s19], [sflag:$0x2], $0x4000, $0x38;
	[tilespmem:$0x18100] =	vst v63  }
0x73: {  	_ =	swait.ge [sflag:s20], $0x4000  }
0x74: {  	[sflag:s20] =	ssyncset.done $0x0  }
0x75: {  	[sflag:s20] =	ssyncadd.s32 $0xFFFFC000  }
0x76: {  	[tilespmem:s19], [sflag:$0x2] =	stream.linear.gather [spmem:s8], $0x4000, $0x38;
	[tilespmem:$0x18100] =	vst v63  }
0x77: {  	_ =	swait.ge [sflag:s20], $0x4000  }
0x78: {  	[sflag:s20] =	ssyncset.done $0x0  }
0x79: {  	[sflag:s20] =	ssyncadd.s32 $0xFFFFC000  }
0x7a: {  	[hbm4b:s14+s2] =	stream.linear.scatter [tilespmem:s19], [sflag:$0x2], $0x4000, $0x38;
	[tilespmem:$0x18100] =	vst v63  }
0x7b: {  	_ =	swait.ge [sflag:s20], $0x4000  }
0x7c: {  	[sflag:s20] =	ssyncset.done $0x0  }
0x7d: {  	[sflag:s20] =	ssyncadd.s32 $0xFFFFC000  }
0x7e: {  	[tilespmem:s19], [sflag:$0x2] =	stream.linear.gather [spmem:s9], $0x4000, $0x38;
	[tilespmem:$0x18100] =	vst v63  }
0x7f: {  	_ =	swait.ge [sflag:s20], $0x4000  }
0x80: {  	[sflag:s20] =	ssyncset.done $0x0  }
0x81: {  	[sflag:s20] =	ssyncadd.s32 $0xFFFFC000  }
0x82: {  	[hbm4b:s15+s2] =	stream.linear.scatter [tilespmem:s19], [sflag:$0x2], $0x4000, $0x38;
	[tilespmem:$0x18100] =	vst v63  }
0x83: {  	_ =	swait.ge [sflag:s20], $0x4000  }
0x84: {  	[sflag:s20] =	ssyncset.done $0x0  }
0x85: {  	[sflag:s20] =	ssyncadd.s32 $0xFFFFC000  }
0x86: {  	[tilespmem:s19], [sflag:$0x2] =	stream.linear.gather [spmem:s10], $0x4000, $0x38;
	[tilespmem:$0x18100] =	vst v63  }
0x87: {  	_ =	swait.ge [sflag:s20], $0x4000  }
0x88: {  	[sflag:s20] =	ssyncset.done $0x0  }
0x89: {  	[sflag:s20] =	ssyncadd.s32 $0xFFFFC000  }
0x8a: {  	[hbm4b:s16+s2] =	stream.linear.scatter [tilespmem:s19], [sflag:$0x2], $0x4000, $0x38;
	[tilespmem:$0x18100] =	vst v63  }
0x8b: {  	_ =	swait.ge [sflag:s20], $0x4000  }
0x8c: {  	[sflag:s20] =	ssyncset.done $0x0  }
0x8d: {  	[sflag:s20] =	ssyncadd.s32 $0xFFFFC000  }
0x8e: {  	[tilespmem:s19], [sflag:$0x2] =	stream.linear.gather [spmem:s11], $0x4000, $0x38;
	[tilespmem:$0x18100] =	vst v63  }
0x8f: {  	s23 =	sadd.s32 $0x1, s23;
	_ =	swait.ge [sflag:s20], $0x4000  }
0x90: {  	p0 =	sne.s32 s23, s18;
	[sflag:s20] =	ssyncset.done $0x0  }
.Ltmp2:
0x91: {  	[sflag:s20] =	ssyncadd.s32 $0xFFFFC000;
	(pc) =	sbr.rel @p0 .LBB2_1-.Ltmp2, $4  }
0x92: {  	[hbm4b:s17+s2] =	stream.linear.scatter [tilespmem:s19], [sflag:$0x2], $0x4000, $0x38;
	[tilespmem:$0x18100] =	vst v63  }
0x93: {  	_ =	swait.ge [sflag:s20], $0x4000  }
0x94: {  	[sflag:s20] =	ssyncset.done $0x0  }
0x95: {  	[sflag:s20] =	ssyncadd.s32 $0xFFFFC000  }
0x96: {  	_ =	sfence.sel $0x180000  }
0x97: {  	[bflag:$0x0] =	sbarrier.arrive $0xFFFF  }
0x98: {  	p0 =	sne.s32 s3, $0x0;
	_ =	strace $0x9000004D  }
0x99: {  	s0 =	sadd.s32 @!p0 $0x100000, s0;
	[bflag:$0x2] =	sbarrier.arrive $0xFFFF  }
0x9a: {  	[sflag:s0] =	ssyncadd.tile.s32 @!p0 $0x1;
	_ =	shalt  }
.Lfunc_end2:
_tile_overlayer_lowered:
.L_overlay_start_2:
0x9b: {  	(tag) =	ssettag $0x2  }
0x9c: {  	s0 =	rddreg [dreg:$0x0];
	s2 =	stileid.u32  }
0x9d: {  	s1 =	rddreg [dreg:$0x1];
	p0 =	sne.s32 s2, $0x0  }
0x9e: {  	s3 =	rddreg [dreg:$0x2];
	[bflag:$0x3] =	sbarrier.arrive $0xFFFF;
	s2 =	simm.s32 @!p0 $0x1C02  }
0x9f: {  	[timem:s3], [sflag:s2] =	dma.local @!p0 [hbm:s0], s1  }
0xa0: {  	s0 =	simm.s32 @!p0 $0x2  }
0xa1: {  	_ =	swait.ge @!p0 [sflag:s0], s1  }
0xa2: {  	s1 =	ssub.s32 @!p0 $0x0, s1;
	[sflag:s0] =	ssyncset.done @!p0 $0x0  }
0xa3: {  	[sflag:s0] =	ssyncadd.s32 @!p0 s1  }
0xa4: {  	[bflag:$0x3] =	sbarrier.arrive $0xFFFF  }
0xa5: {  	_ =	shalt  }

// kernel: kernel.19.cloned.1.call-start
scs
__scs_entry_jumppad:
0x0: {  	(pc) =	sbr.rel $0x88, $3  }
0x1: {  	(tag) =	ssettag $0x0;
	lr =	simm.s32 $0x1  }
0x2: {  	[smem:$0x3F96] =	sst lr;
	_ =	strace $0xD0000000  }
0x3: {  	_ = 	snop  }
0x4: {  	_ = 	snop  }
0x5: {  	_ = 	snop  }
0x6: {  	_ = 	snop  }
0x7: {  	_ = 	snop  }
__scs_overlays_trampoline_lowered:
0x8: {  	[smem:$0x3FA5] =	sst s0  }
0x9: {  	[smem:$0x3FA6] =	sst s1  }
0xa: {  	[smem:$0x3FA7] =	sst s2  }
0xb: {  	[smem:$0x3FA8] =	sst s3  }
0xc: {  	[smem:$0x3FA9] =	sst s4  }
0xd: {  	[smem:$0x3FAA] =	sst s5  }
0xe: {  	[smem:$0x3FAB] =	sst s6  }
0xf: {  	[smem:$0x3FAC] =	sst s7  }
0x10: {  	[smem:$0x3FAD] =	sst s8  }
0x11: {  	[smem:$0x3FAE] =	sst s9;
	s0 =	simm.s32 @!p0 $0x0  }
0x12: {  	s1 =	sld [smem:$0x3F94];
	s0 =	simm.s32 @p0 $0x1  }
0x13: {  	[smem:$0x3FAF] =	sst s0;
	s0 =	simm.s32 @!p1 $0x0  }
0x14: {  	s2 =	sld [smem:$0x3F93];
	s0 =	simm.s32 @p1 $0x1  }
0x15: {  	[smem:$0x3FB0] =	sst s0;
	s0 =	simm.s32 @!p2 $0x0  }
0x16: {  	s3 =	sld [smem:$0x3FDB];
	s0 =	simm.s32 @p2 $0x1  }
0x17: {  	s4 =	simm.s32 $0x1BF5;
	[smem:$0x3FB2] =	sst s0  }
0x18: {  	s0 =	sld [smem:$0x3F95];
	_ =	swait.ge [sflag:s4], $0x0  }
0x19: {  	s7 =	sld [smem:$0x3F96]  }
0x1a: {  	s8 =	sadd.s32 $0xFFFFE003, lr  }
0x1b: {  	s9 =	sadd.s32 $0xFFFFFEF7, lr;
	s5 =	simm.s32 $0xFFFFFFFF;
	p2 =	slt.u32 s8, $0xFFFFF086  }
0x1c: {  	p1 =	slt.u32 s9, $0xF7A;
	s5 =	simm.s32 @!p2 $0x0  }
0x1d: {  	s5 =	simm.s32 @p1 $0x1;
	p0 =	seq.s32 s7, s2  }
0x1e: {  	s7 =	smul.u32 @!p0 $0xF7A, s2;
	p2 =	seq.s32 @!p0 s5, $0x0  }
0x1f: {  	s9 =	smul.u32 $0xF7A, s1;
	s8 =	simm.s32 @!p0 $0x1BF5;
	p2 =	por !p2, p0  }
0x20: {  	[sflag:s8] =	ssyncset.s32 @!p0 $0xFFFFF086;
	s6 =	sadd.s32 @!p0 s3, s7;
	s7 =	simm.s32 @!p0 $0x108  }
0x21: {  	s3 =	sadd.s32 s3, s9;
	s6 =	sadd.s32 @!p0 $0x88, s6;
	s7 =	simm.s32 @p2 $0x1082  }
0x22: {  	[simem:s7], [sflag:s8] =	dma.local @!p0 [hbm:s6], $0xF7A  }
0x23: {  	s9 =	sor.u32 $0xD0000000, s2;
	s6 =	simm.s32 $0x108;
	_ =	swait.ge @!p0 [sflag:s8], $0x0  }
0x24: {  	s3 =	sadd.s32 $0x88, s3;
	s6 =	simm.s32 @!p1 $0x1082;
	[sflag:s4] =	ssyncset.s32 $0xFFFFF086  }
0x25: {  	[simem:s6], [sflag:s4] =	dma.local [hbm:s3], $0xF7A  }
0x26: {  	[smem:$0x3F96] =	sst s1;
	(tag) =	ssettag s2;
	_ =	strace s9  }
0x27: {  	s1 =	sld [smem:$0x3FA6]  }
0x28: {  	s2 =	sld [smem:$0x3FA7]  }
0x29: {  	s4 =	sld [smem:$0x3FA9]  }
0x2a: {  	p0 =	seq.s32 s5, $0x0;
	s5 =	sld [smem:$0x3FAA]  }
0x2b: {  	s6 =	sld [smem:$0x3FAB]  }
0x2c: {  	s7 =	sld [smem:$0x3FAC]  }
0x2d: {  	s3 =	simm.s32 $0x108;
	s8 =	sld [smem:$0x3FAD]  }
0x2e: {  	s3 =	simm.s32 @!p0 $0x1082;
	s9 =	sld [smem:$0x3FAE]  }
0x2f: {  	lr =	sadd.s32 s0, s3;
	s0 =	sld [smem:$0x3FA5]  }
0x30: {  	s3 =	sld [smem:$0x3FA8]  }
0x31: {  	[smem:$0x3FB1] =	sst s10  }
0x32: {  	s10 =	sld [smem:$0x3FAF];
	_ =	sdelay $0x3  }
0x33: {  	p0 =	seq.s32 s10, $0x1;
	s10 =	sld [smem:$0x3FB1];
	_ =	sdelay $0x3  }
0x34: {  	[smem:$0x3FB1] =	sst s10  }
0x35: {  	s10 =	sld [smem:$0x3FB0];
	_ =	sdelay $0x3  }
0x36: {  	p1 =	seq.s32 s10, $0x1;
	s10 =	sld [smem:$0x3FB1];
	_ =	sdelay $0x3  }
0x37: {  	[smem:$0x3FB1] =	sst s10  }
0x38: {  	s10 =	sld [smem:$0x3FB2]  }
0x39: {  	_ = 	snop;
	(pc) =	sbr.ind lr, $3  }
0x3a: {  	_ = 	snop  }
0x3b: {  	_ = 	snop  }
0x3c: {  	p2 =	seq.s32 s10, $0x1;
	s10 =	sld [smem:$0x3FB1]  }
0x3d: {  	_ =	shalt  }
0x3e: {  	_ =	shalt  }
0x3f: {  	_ =	shalt  }
0x40: {  	_ =	shalt  }
0x41: {  	_ =	shalt  }
0x42: {  	_ =	shalt  }
0x43: {  	_ =	shalt  }
0x44: {  	_ =	shalt  }
0x45: {  	_ =	shalt  }
0x46: {  	_ =	shalt  }
0x47: {  	_ =	shalt  }
0x48: {  	_ =	shalt  }
0x49: {  	_ =	shalt  }
0x4a: {  	_ =	shalt  }
0x4b: {  	_ =	shalt  }
0x4c: {  	_ =	shalt  }
0x4d: {  	_ =	shalt  }
0x4e: {  	_ =	shalt  }
0x4f: {  	_ =	shalt  }
0x50: {  	_ =	shalt  }
0x51: {  	_ =	shalt  }
0x52: {  	_ =	shalt  }
0x53: {  	_ =	shalt  }
0x54: {  	_ =	shalt  }
0x55: {  	_ =	shalt  }
0x56: {  	_ =	shalt  }
0x57: {  	_ =	shalt  }
0x58: {  	_ =	shalt  }
0x59: {  	_ =	shalt  }
0x5a: {  	_ =	shalt  }
0x5b: {  	_ =	shalt  }
0x5c: {  	_ =	shalt  }
0x5d: {  	_ =	shalt  }
0x5e: {  	_ =	shalt  }
0x5f: {  	_ =	shalt  }
0x60: {  	_ =	shalt  }
0x61: {  	_ =	shalt  }
0x62: {  	_ =	shalt  }
0x63: {  	_ =	shalt  }
0x64: {  	_ =	shalt  }
0x65: {  	_ =	shalt  }
0x66: {  	_ =	shalt  }
0x67: {  	_ =	shalt  }
0x68: {  	_ =	shalt  }
0x69: {  	_ =	shalt  }
0x6a: {  	_ =	shalt  }
0x6b: {  	_ =	shalt  }
0x6c: {  	_ =	shalt  }
0x6d: {  	_ =	shalt  }
0x6e: {  	_ =	shalt  }
0x6f: {  	_ =	shalt  }
0x70: {  	_ =	shalt  }
0x71: {  	_ =	shalt  }
0x72: {  	_ =	shalt  }
0x73: {  	_ =	shalt  }
0x74: {  	_ =	shalt  }
0x75: {  	_ =	shalt  }
0x76: {  	_ =	shalt  }
0x77: {  	_ =	shalt  }
0x78: {  	_ =	shalt  }
0x79: {  	_ =	shalt  }
0x7a: {  	_ =	shalt  }
0x7b: {  	_ =	shalt  }
0x7c: {  	_ =	shalt  }
0x7d: {  	_ =	shalt  }
0x7e: {  	_ =	shalt  }
0x7f: {  	_ =	shalt  }
0x80: {  	_ =	shalt  }
0x81: {  	_ =	shalt  }
0x82: {  	_ =	shalt  }
0x83: {  	_ =	shalt  }
0x84: {  	_ =	shalt  }
0x85: {  	_ =	shalt  }
0x86: {  	_ =	shalt  }
0x87: {  	_ =	shalt  }
.Lfunc_end0:
.L_simem_size_0:
called_computation.3_lowered:
.L_overlay_start_0:
0x88: {  	s2 =	sld [smem:$0x3FD9]  }
0x89: {  	s3 =	sld [smem:$0x3FFE];
	_ =	sdelay $0x1  }
0x8a: {  	s1 =	srdreg.scid  }
0x8b: {  	s0 =	sand.u32 $0x1, s1  }
0x8c: {  	s16 =	sshll.u32 s0, $0xA;
	s2 =	sadd.s32 s3, s2  }
0x8d: {  	s2 =	sadd.s32 s2, s16  }
0x8e: {  	[smem:$0x3FBD] =	sst s2  }
0x8f: {  	_ = 	snop  }
0x90: {  	(tm) =	ssettm $0x1  }
0x91: {  	s17 =	sld [smem:$0x3FFB];
	_ =	sdelay $0x3  }
0x92: {  	_ =	strace s17  }
0x93: {  	s2 =	sld [smem:$0x3FFC];
	_ =	sdelay $0x3  }
0x94: {  	_ =	strace s2  }
0x95: {  	s2 =	sld [smem:$0x3FFD];
	_ =	sdelay $0x3  }
0x96: {  	_ =	strace s2  }
0x97: {  	_ =	strace $0x8FFFFFFF  }
0x98: {  	s18 =	sld [smem:$0x3FDB];
	_ =	sdelay $0x1  }
0x99: {  	s19 =	simm.s32 $_scs_section_size  }
0x9a: {  	s4 =	simm.s32 $_size__tile_overlayer_lowered;
	s5 =	simm.s32 $_tile_overlayer_lowered  }
0x9b: {  	s22 =	simm.s32 $0x1BFF;
	s21 =	sshll.u32 s5, $0x1;
	s2 =	sadd.s32 s19, s18  }
0x9c: {  	s6 =	simm.s32 $0x0;
	s20 =	sshll.u32 s4, $0x1;
	s4 =	sadd.s32 s21, s2  }
0x9d: {  	[timem:s6], [sflag:s22] =	dma.local [hbm:s4], s20  }
0x9e: {  	_ =	swait.ge [sflag:s22], s20  }
0x9f: {  	s3 =	ssub.s32 $0x0, s20;
	[sflag:s22] =	ssyncset.done $0x0  }
0xa0: {  	[sflag:s22] =	ssyncadd.s32 s3;
	_ =	sdelay $0x1  }
0xa1: {  	s23 =	simm.s32 $0x1B8B  }
0xa2: {  	_ =	swait.ge [sflag:s23], $0x1  }
0xa3: {  	[sflag:s23] =	ssyncset.done $0x0  }
0xa4: {  	s25 =	simm.s32 $0x1B8E;
	s24 =	sld [smem:$0x3FFE];
	[sflag:s23] =	ssyncadd.s32 $0xFFFFFFFF  }
0xa5: {  	s26 =	simm.s32 $execute0_lowered;
	[smem:$0x3FD2] =	sst s25  }
0xa6: {  	s4 =	sshll.u32 s26, $0x1;
	_ =	strace $0x8000004F;
	[dreg:$0x1] =	wrdreg $0xFFFFFFFF  }
0xa7: {  	s28 =	simm.s32 $_size_execute0_lowered;
	s2 =	sadd.s32 s2, s4;
	[dreg:$0x0] =	wrdreg $0x0  }
0xa8: {  	s4 =	sshll.u32 s28, $0x1;
	[dreg:$0x2] =	wrdreg s2  }
0xa9: {  	[dreg:$0x3] =	wrdreg s4  }
0xaa: {  	[dreg:$0x4] =	wrdreg $0xC0  }
0xab: {  	_ =	task [dreg:s6], $0x5FFFF  }
0xac: {  	[dreg:$0x1] =	wrdreg $0xFFFFFFFF  }
0xad: {  	[dreg:$0x0] =	wrdreg $0x60  }
0xae: {  	[dreg:$0x2] =	wrdreg s24  }
0xaf: {  	[dreg:$0x3] =	wrdreg $0x41000  }
0xb0: {  	[dreg:$0x4] =	wrdreg $0x9  }
0xb1: {  	_ =	task.clear_ibuf [dreg:s6], $0x5FFFF;
	_ =	strace $0x9000004F  }
0xb2: {  	s29 =	simm.s32 $0x9;
	_ =	strace $0x80000051  }
0xb3: {  	_ =	swait.ge [sflag:s29], $0x1  }
0xb4: {  	[sflag:s29] =	ssyncadd.s32 $0xFFFFFFFF  }
0xb5: {  	_ =	strace $0x90000051  }
0xb6: {  	_ =	sfence  }
0xb7: {  	s30 =	sld [smem:$0x0];
	_ =	sdelay $0x2  }
0xb8: {  	s31 =	sshll.u32 s1, $0xD;
	s1 =	sshrl.u32 s1, $0x2  }
0xb9: {  	s3 =	sand.u32 $0x4000, s31;
	s1 =	sadd.s32 s1, s30  }
0xba: {  	s0 =	sor.u32 s3, s0;
	s1 =	sshll.u32 s1, $0x11  }
0xbb: {  	s0 =	sor.u32 s1, s0  }
0xbc: {  	s0 =	sadd.s32 $0x8F2B, s0  }
0xbd: {  	[sflag:s0] =	ssyncadd.remote.s32 $0x1  }
0xbe: {  	_ =	sfence.sel $0xFFFF  }
0xbf: {  	[dreg:$0x0] =	wrdreg $0xFFFFFFFF;
	(pc) =	sbr.abs _section_cstart, $3  }
0xc0: {  	[dreg:$0x1] =	wrdreg $0xFFFFFFFF  }
0xc1: {  	_ =	task.clear_ibuf [dreg:s6], $0x2FFFF;
	_ =	strace $0x9FFFFFFF  }
0xc2: {  	(tm) =	ssettm $0x7FFFFFFF  }
0xc3: {  	_ =	shalt  }
tec
execute0_lowered:
.L_overlay_start_1:
0x0: {  	(tag) =	ssettag $0x1  }
0x1: {  	s7 =	rddreg [dreg:$0x0]  }
0x2: {  	s1 =	rddreg [dreg:$0x1]  }
0x3: {  	s0 =	rddreg [dreg:$0x2];
	s2 =	simm.s32 $0x0;
	s6 =	srdreg.scid  }
0x4: {  	s3 =	stileid.u32;
	s22 =	simm.s32 $0x1;
	s23 =	simm.s32 $0x0  }
0x5: {  	[smem:$0x7FF] =	sst s2;
	s4 =	sadd.s32 $0x67800, s7;
	s5 =	sadd.s32 $0x5D800, s7  }
0x6: {  	s8 =	sand.u32 $0x1, s6;
	s6 =	sadd.s32 $0x3800, s7;
	s10 =	smul.u32 $0x50000, s3  }
0x7: {  	s17 =	sadd.s32 $0x8EA00, s7;
	s11 =	smul.u32 $0x14000, s3;
	_ =	strace $0x80000050  }
0x8: {  	s9 =	ssub.s32 $0x2, s8;
	s30 =	sshll.u32 s8, $0x4;
	s19 =	smul.u32 $0x140000, s8  }
0x9: {  	s29 =	sshrl.u32 s9, $0x1;
	s31 =	sshrl.u32 s10, $0x2;
	s12 =	sor.u32 s3, s30  }
0xa: {  	s13 =	sadd.s32 $0x4000, s11;
	s15 =	sadd.s32 $0x8000, s11;
	s16 =	sadd.s32 $0xC000, s11  }
0xb: {  	s20 =	sadd.s32 $0x10000, s11;
	s18 =	ssub.s32 s9, s29;
	s7 =	sadd.s32 s31, s1  }
0xc: {  	s8 =	sadd.s32 s13, s1;
	s9 =	sadd.s32 s15, s1;
	s10 =	sadd.s32 s16, s1  }
0xd: {  	s14 =	sadd.s32 s11, s19;
	s13 =	sadd.s32 s19, s13;
	s11 =	sadd.s32 s20, s1  }
0xe: {  	s12 =	smul.u32 $0x2800, s12;
	s15 =	sadd.s32 s19, s15;
	s16 =	sadd.s32 s19, s16  }
0xf: {  	s19 =	sadd.s32 s19, s20;
	s20 =	simm.s32 $0x2;
	s14 =	sshrl.u32 s14, $0x3  }
0x10: {  	s21 =	sshrl.u32 s13, $0x3;
	s15 =	sshrl.u32 s15, $0x3;
	s16 =	sshrl.u32 s16, $0x3  }
0x11: {  	s19 =	sshrl.u32 s19, $0x3;
	s18 =	smax.u32 s18, $0x1;
	s13 =	sadd.s32 s17, s14  }
0x12: {  	s14 =	sadd.s32 s17, s21;
	s15 =	sadd.s32 s17, s15;
	s16 =	sadd.s32 s17, s16  }
0x13: {  	v0 =	vimm.f32 $0.0e+00;
	s17 =	sadd.s32 s17, s19;
	s19 =	simm.s32 $0x100;
	s21 =	simm.s32 $0x80  }
.LBB2_1:
0x14: {  	s24 =	simm.s32 $0x0;
	s25 =	simm.s32 $0x200  }
.LBB2_2:
0x15: {  	p0 =	sne.s32 s25, $0xFE00;
	[tilespmem:s24+$0x170] =	vst v0  }
0x16: {  	[tilespmem:s24+$0x100] =	vst v0  }
0x17: {  	[tilespmem:s24+$0x110] =	vst v0  }
.Ltmp0:
0x18: {  	[tilespmem:s24+$0x120] =	vst v0;
	(pc) =	sbr.rel @p0 .LBB2_2-.Ltmp0, $4  }
0x19: {  	[tilespmem:s24+$0x130] =	vst v0  }
0x1a: {  	[tilespmem:s24+$0x140] =	vst v0  }
0x1b: {  	[tilespmem:s24+$0x150] =	vst v0  }
0x1c: {  	[tilespmem:s24+$0x160] =	vst v0;
	s24 =	sshra.s32 s25, $0x2;
	s25 =	sadd.s32 $0x200, s25  }
0x1d: {  	[tilespmem:s24+$0x170] =	vst v0  }
0x1e: {  	[tilespmem:s24+$0x100] =	vst v0  }
0x1f: {  	[tilespmem:s24+$0x110] =	vst v0  }
0x20: {  	[tilespmem:s24+$0x120] =	vst v0  }
0x21: {  	[tilespmem:s24+$0x130] =	vst v0  }
0x22: {  	[tilespmem:s24+$0x140] =	vst v0  }
0x23: {  	[tilespmem:s24+$0x150] =	vst v0  }
0x24: {  	[tilespmem:s24+$0x160] =	vst v0  }
0x25: {  	[spmem:s7] =	stream.linear.scatter [tilespmem:s19], [sflag:$0x2], $0x4000, $0x38;
	[tilespmem:$0x18100] =	vst v63  }
0x26: {  	_ =	swait.ge [sflag:s20], $0x4000  }
0x27: {  	[sflag:s20] =	ssyncset.done $0x0  }
0x28: {  	[sflag:s20] =	ssyncadd.s32 $0xFFFFC000  }
0x29: {  	[spmem:s8] =	stream.linear.scatter [tilespmem:s19], [sflag:$0x2], $0x4000, $0x38;
	[tilespmem:$0x18100] =	vst v63  }
0x2a: {  	_ =	swait.ge [sflag:s20], $0x4000  }
0x2b: {  	[sflag:s20] =	ssyncset.done $0x0  }
0x2c: {  	[sflag:s20] =	ssyncadd.s32 $0xFFFFC000  }
0x2d: {  	[spmem:s9] =	stream.linear.scatter [tilespmem:s19], [sflag:$0x2], $0x4000, $0x38;
	[tilespmem:$0x18100] =	vst v63  }
0x2e: {  	_ =	swait.ge [sflag:s20], $0x4000  }
0x2f: {  	[sflag:s20] =	ssyncset.done $0x0  }
0x30: {  	[sflag:s20] =	ssyncadd.s32 $0xFFFFC000  }
0x31: {  	[spmem:s10] =	stream.linear.scatter [tilespmem:s19], [sflag:$0x2], $0x4000, $0x38;
	[tilespmem:$0x18100] =	vst v63  }
0x32: {  	_ =	swait.ge [sflag:s20], $0x4000  }
0x33: {  	s28 =	simm.s32 $0x0;
	[sflag:s20] =	ssyncset.done $0x0  }
0x34: {  	s25 =	sand.u32 $0x3C00, s28;
	[sflag:s20] =	ssyncadd.s32 $0xFFFFC000  }
0x35: {  	[spmem:s11] =	stream.linear.scatter [tilespmem:s19], [sflag:$0x2], $0x4000, $0x38;
	[tilespmem:$0x18100] =	vst v63  }
0x36: {  	s24 =	sand.u32 $0x380, s28;
	s25 =	sadd.s32 s12, s25;
	_ =	swait.ge [sflag:s20], $0x4000  }
0x37: {  	s24 =	sor.u32 s24, s25;
	[sflag:s20] =	ssyncset.done $0x0  }
0x38: {  	s24 =	sshrl.u32 s24, $0x3;
	[sflag:s20] =	ssyncadd.s32 $0xFFFFC000  }
0x39: {  	s29 =	sadd.s32 s5, s24;
	[bflag:$0x0] =	sbarrier.arrive $0xFFFF  }
0x3a: {  	[tilespmem:s2], [sflag:$0x2] =	stream.linear.gather [hbm4b:s29+s2], $0x80, $0x38;
	[tilespmem:$0x18100] =	vst v63  }
0x3b: {  	_ =	swait.ge [sflag:s20], $0x80  }
0x3c: {  	[sflag:s20] =	ssyncset.done $0x0  }
0x3d: {  	s24 =	sadd.s32 s6, s24;
	[sflag:s20] =	ssyncadd.s32 $0xFFFFFF80  }
0x3e: {  	[tilespmem:s21], [sflag:$0x2] =	stream.linear.gather [hbm4b:s24+s2], $0x80, $0x38;
	[tilespmem:$0x18100] =	vst v63  }
0x3f: {  	_ =	swait.ge [sflag:s20], $0x80  }
0x40: {  	[sflag:s20] =	ssyncset.done $0x0  }
0x41: {  	[sflag:s20] =	ssyncadd.s32 $0xFFFFFF80  }
0x42: {  	[tilespmem:s19], [sflag:$0x1] =	stream.indirect.gather [hbm4b:s4+s21], $0x80, s2, s21, $0xb8;
	[tilespmem:$0x18100] =	vst v63  }
0x43: {  	_ =	swait.ge [sflag:s22], $0x4000  }
0x44: {  	s30 =	simm.s32 $0x80;
	[sflag:s22] =	ssyncset.done $0x0  }
0x45: {  	s31 =	sand.u32 $0x3C00, s30;
	[sflag:s22] =	ssyncadd.s32 $0xFFFFC000  }
0x46: {  	[spmem:s1] =	stream.indirect.scatter.add.f32 [tilespmem:s19], [sflag:$0x2], $0x80, s21, s21, $0xb8;
	[tilespmem:$0x18100] =	vst v63  }
0x47: {  	s26 =	sand.u32 $0x380, s30;
	s25 =	sadd.s32 s12, s31;
	_ =	swait.ge [sflag:s20], $0x4000  }
0x48: {  	s25 =	sor.u32 s26, s25;
	s24 =	simm.s32 $0x100;
	[sflag:s20] =	ssyncset.done $0x0  }
.LBB2_4:
0x49: {  	s25 =	sshrl.u32 s25, $0x3  }
0x4a: {  	[sflag:s20] =	ssyncadd.s32 $0xFFFFC000;
	s26 =	smov.u32 s24;
	s28 =	sadd.s32 $0x80, s24  }
0x4b: {  	p0 =	sne.s32 s24, $0x2700;
	s24 =	sadd.s32 s5, s25  }
0x4c: {  	[tilespmem:s2], [sflag:$0x2] =	stream.linear.gather [hbm4b:s24+s2], $0x80, $0x38;
	[tilespmem:$0x18100] =	vst v63  }
0x4d: {  	_ =	swait.ge [sflag:s20], $0x80  }
0x4e: {  	[sflag:s20] =	ssyncset.done $0x0  }
0x4f: {  	s24 =	sadd.s32 s6, s25;
	[sflag:s20] =	ssyncadd.s32 $0xFFFFFF80  }
0x50: {  	[tilespmem:s21], [sflag:$0x2] =	stream.linear.gather [hbm4b:s24+s2], $0x80, $0x38;
	[tilespmem:$0x18100] =	vst v63  }
0x51: {  	_ =	swait.ge [sflag:s20], $0x80  }
0x52: {  	[sflag:s20] =	ssyncset.done $0x0  }
0x53: {  	[sflag:s20] =	ssyncadd.s32 $0xFFFFFF80  }
0x54: {  	[tilespmem:s19], [sflag:$0x1] =	stream.indirect.gather [hbm4b:s4+s21], $0x80, s2, s21, $0xb8;
	[tilespmem:$0x18100] =	vst v63  }
0x55: {  	_ =	swait.ge [sflag:s22], $0x4000  }
.Ltmp1:
0x56: {  	[sflag:s22] =	ssyncset.done $0x0;
	(pc) =	sbr.rel @p0 .LBB2_4-.Ltmp1, $4  }
0x57: {  	s24 =	sand.u32 $0x3C00, s26;
	[sflag:s22] =	ssyncadd.s32 $0xFFFFC000  }
0x58: {  	[spmem:s1] =	stream.indirect.scatter.add.f32 [tilespmem:s19], [sflag:$0x2], $0x80, s21, s21, $0xb8;
	[tilespmem:$0x18100] =	vst v63  }
0x59: {  	s25 =	sand.u32 $0x380, s26;
	s24 =	sadd.s32 s12, s24;
	_ =	swait.ge [sflag:s20], $0x4000  }
0x5a: {  	s25 =	sor.u32 s25, s24;
	s24 =	smov.u32 s28;
	[sflag:s20] =	ssyncset.done $0x0  }
0x5b: {  	s24 =	sshrl.u32 s25, $0x3  }
0x5c: {  	[sflag:s20] =	ssyncadd.s32 $0xFFFFC000;
	s25 =	sadd.s32 s5, s24  }
0x5d: {  	[tilespmem:s2], [sflag:$0x2] =	stream.linear.gather [hbm4b:s25+s2], $0x80, $0x38;
	[tilespmem:$0x18100] =	vst v63  }
0x5e: {  	_ =	swait.ge [sflag:s20], $0x80  }
0x5f: {  	[sflag:s20] =	ssyncset.done $0x0  }
0x60: {  	s24 =	sadd.s32 s6, s24;
	[sflag:s20] =	ssyncadd.s32 $0xFFFFFF80  }
0x61: {  	[tilespmem:s21], [sflag:$0x2] =	stream.linear.gather [hbm4b:s24+s2], $0x80, $0x38;
	[tilespmem:$0x18100] =	vst v63  }
0x62: {  	_ =	swait.ge [sflag:s20], $0x80  }
0x63: {  	[sflag:s20] =	ssyncset.done $0x0  }
0x64: {  	[sflag:s20] =	ssyncadd.s32 $0xFFFFFF80  }
0x65: {  	[tilespmem:s19], [sflag:$0x1] =	stream.indirect.gather [hbm4b:s4+s21], $0x80, s2, s21, $0xb8;
	[tilespmem:$0x18100] =	vst v63  }
0x66: {  	_ =	swait.ge [sflag:s22], $0x4000  }
0x67: {  	[sflag:s22] =	ssyncset.done $0x0  }
0x68: {  	[sflag:s22] =	ssyncadd.s32 $0xFFFFC000  }
0x69: {  	[spmem:s1] =	stream.indirect.scatter.add.f32 [tilespmem:s19], [sflag:$0x2], $0x80, s21, s21, $0xb8;
	[tilespmem:$0x18100] =	vst v63  }
0x6a: {  	_ =	swait.ge [sflag:s20], $0x4000  }
0x6b: {  	[sflag:s20] =	ssyncset.done $0x0  }
0x6c: {  	[sflag:s20] =	ssyncadd.s32 $0xFFFFC000  }
0x6d: {  	[bflag:$0x0] =	sbarrier.arrive $0xFFFF  }
0x6e: {  	[tilespmem:s19], [sflag:$0x2] =	stream.linear.gather [spmem:s7], $0x4000, $0x38;
	[tilespmem:$0x18100] =	vst v63  }
0x6f: {  	_ =	swait.ge [sflag:s20], $0x4000  }
0x70: {  	[sflag:s20] =	ssyncset.done $0x0  }
0x71: {  	[sflag:s20] =	ssyncadd.s32 $0xFFFFC000  }
0x72: {  	[hbm4b:s13+s2] =	stream.linear.scatter [tilespmem:s19], [sflag:$0x2], $0x4000, $0x38;
	[tilespmem:$0x18100] =	vst v63  }
0x73: {  	_ =	swait.ge [sflag:s20], $0x4000  }
0x74: {  	[sflag:s20] =	ssyncset.done $0x0  }
0x75: {  	[sflag:s20] =	ssyncadd.s32 $0xFFFFC000  }
0x76: {  	[tilespmem:s19], [sflag:$0x2] =	stream.linear.gather [spmem:s8], $0x4000, $0x38;
	[tilespmem:$0x18100] =	vst v63  }
0x77: {  	_ =	swait.ge [sflag:s20], $0x4000  }
0x78: {  	[sflag:s20] =	ssyncset.done $0x0  }
0x79: {  	[sflag:s20] =	ssyncadd.s32 $0xFFFFC000  }
0x7a: {  	[hbm4b:s14+s2] =	stream.linear.scatter [tilespmem:s19], [sflag:$0x2], $0x4000, $0x38;
	[tilespmem:$0x18100] =	vst v63  }
0x7b: {  	_ =	swait.ge [sflag:s20], $0x4000  }
0x7c: {  	[sflag:s20] =	ssyncset.done $0x0  }
0x7d: {  	[sflag:s20] =	ssyncadd.s32 $0xFFFFC000  }
0x7e: {  	[tilespmem:s19], [sflag:$0x2] =	stream.linear.gather [spmem:s9], $0x4000, $0x38;
	[tilespmem:$0x18100] =	vst v63  }
0x7f: {  	_ =	swait.ge [sflag:s20], $0x4000  }
0x80: {  	[sflag:s20] =	ssyncset.done $0x0  }
0x81: {  	[sflag:s20] =	ssyncadd.s32 $0xFFFFC000  }
0x82: {  	[hbm4b:s15+s2] =	stream.linear.scatter [tilespmem:s19], [sflag:$0x2], $0x4000, $0x38;
	[tilespmem:$0x18100] =	vst v63  }
0x83: {  	_ =	swait.ge [sflag:s20], $0x4000  }
0x84: {  	[sflag:s20] =	ssyncset.done $0x0  }
0x85: {  	[sflag:s20] =	ssyncadd.s32 $0xFFFFC000  }
0x86: {  	[tilespmem:s19], [sflag:$0x2] =	stream.linear.gather [spmem:s10], $0x4000, $0x38;
	[tilespmem:$0x18100] =	vst v63  }
0x87: {  	_ =	swait.ge [sflag:s20], $0x4000  }
0x88: {  	[sflag:s20] =	ssyncset.done $0x0  }
0x89: {  	[sflag:s20] =	ssyncadd.s32 $0xFFFFC000  }
0x8a: {  	[hbm4b:s16+s2] =	stream.linear.scatter [tilespmem:s19], [sflag:$0x2], $0x4000, $0x38;
	[tilespmem:$0x18100] =	vst v63  }
0x8b: {  	_ =	swait.ge [sflag:s20], $0x4000  }
0x8c: {  	[sflag:s20] =	ssyncset.done $0x0  }
0x8d: {  	[sflag:s20] =	ssyncadd.s32 $0xFFFFC000  }
0x8e: {  	[tilespmem:s19], [sflag:$0x2] =	stream.linear.gather [spmem:s11], $0x4000, $0x38;
	[tilespmem:$0x18100] =	vst v63  }
0x8f: {  	s23 =	sadd.s32 $0x1, s23;
	_ =	swait.ge [sflag:s20], $0x4000  }
0x90: {  	p0 =	sne.s32 s23, s18;
	[sflag:s20] =	ssyncset.done $0x0  }
.Ltmp2:
0x91: {  	[sflag:s20] =	ssyncadd.s32 $0xFFFFC000;
	(pc) =	sbr.rel @p0 .LBB2_1-.Ltmp2, $4  }
0x92: {  	[hbm4b:s17+s2] =	stream.linear.scatter [tilespmem:s19], [sflag:$0x2], $0x4000, $0x38;
	[tilespmem:$0x18100] =	vst v63  }
0x93: {  	_ =	swait.ge [sflag:s20], $0x4000  }
0x94: {  	[sflag:s20] =	ssyncset.done $0x0  }
0x95: {  	[sflag:s20] =	ssyncadd.s32 $0xFFFFC000  }
0x96: {  	_ =	sfence.sel $0x180000  }
0x97: {  	[bflag:$0x0] =	sbarrier.arrive $0xFFFF  }
0x98: {  	p0 =	sne.s32 s3, $0x0;
	_ =	strace $0x90000050  }
0x99: {  	s0 =	sadd.s32 @!p0 $0x100000, s0;
	[bflag:$0x2] =	sbarrier.arrive $0xFFFF  }
0x9a: {  	[sflag:s0] =	ssyncadd.tile.s32 @!p0 $0x1;
	_ =	shalt  }
.Lfunc_end2:
_tile_overlayer_lowered:
.L_overlay_start_2:
0x9b: {  	(tag) =	ssettag $0x2  }
0x9c: {  	s0 =	rddreg [dreg:$0x0];
	s2 =	stileid.u32  }
0x9d: {  	s1 =	rddreg [dreg:$0x1];
	p0 =	sne.s32 s2, $0x0  }
0x9e: {  	s3 =	rddreg [dreg:$0x2];
	[bflag:$0x3] =	sbarrier.arrive $0xFFFF;
	s2 =	simm.s32 @!p0 $0x1C02  }
0x9f: {  	[timem:s3], [sflag:s2] =	dma.local @!p0 [hbm:s0], s1  }
0xa0: {  	s0 =	simm.s32 @!p0 $0x2  }
0xa1: {  	_ =	swait.ge @!p0 [sflag:s0], s1  }
0xa2: {  	s1 =	ssub.s32 @!p0 $0x0, s1;
	[sflag:s0] =	ssyncset.done @!p0 $0x0  }
0xa3: {  	[sflag:s0] =	ssyncadd.s32 @!p0 s1  }
0xa4: {  	[bflag:$0x3] =	sbarrier.arrive $0xFFFF  }
0xa5: {  	_ =	shalt  }

</sc_bundles>
